<compile_context>
chip_gen: v7x
topology: tpu7x:2x2x1
jax: 0.10.2.dev20260603
libtpu: 0.0.44.dev20260713+nightly
codegen_flags: <defaults>
</compile_context>

<pallas_src>
import functools

import jax
import jax.numpy as jnp
from jax import lax
from jax.experimental import pallas as pl
from jax.experimental.pallas import tpu as pltpu
from jax.experimental.pallas import tpu_sc as plsc

_N = 16
_D = 16
_K = 8
_BB = 2048


def _lane_consts():
    l = jax.lax.broadcasted_iota(jnp.int32, (1, _N * _D), 1)
    return l // _D, l % _D


def _stage_a_body(x_ref, ew1, eb1, ew2, eb2, gw1, gb1, gw2, gb2,
                  khot_ref, fsel_ref):
    f32 = jnp.float32
    dot = lambda a, b: jax.lax.dot_general(
        a.astype(jnp.bfloat16), b.astype(jnp.bfloat16),
        (((1,), (1,)), ((), ())), preferred_element_type=f32)
    mml = lambda a, b: jax.lax.dot_general(
        a, b, (((1,), (0,)), ((), ())), preferred_element_type=f32)
    mmh = lambda a, b: jax.lax.dot_general(
        a, b, (((1,), (0,)), ((), ())), preferred_element_type=f32,
        precision=jax.lax.Precision.HIGHEST)

    x = x_ref[...]
    h1 = dot(x, ew1[...]) + eb1[...]
    h1 = h1 * jax.nn.sigmoid(h1)
    enc = dot(h1, ew2[...]) + eb2[...]
    g1 = dot(enc, gw1[...]) + gb1[...]
    g1 = g1 * jax.nn.sigmoid(g1)
    gate = dot(g1, gw2[...]) + gb2[...]

    seg_i, seg_j = _lane_consts()
    pi = jax.lax.broadcasted_iota(jnp.int32, (_N, _N * _D), 0)
    R_rep = (pi == seg_i).astype(f32)
    Mseg = (seg_i.T == jax.lax.broadcasted_iota(
        jnp.int32, (_N * _D, _N), 1)).astype(f32)

    gate_t = pltpu.repeat(gate, _N, 1)
    gate_r = mmh(gate, R_rep)
    tie = (seg_j < seg_i)
    beats = jnp.where((gate_t > gate_r) | ((gate_t == gate_r) & tie), 1.0, 0.0)
    rank16 = mml(beats, Mseg)

    S = (seg_i.T == seg_i).astype(f32)
    m = jnp.max(enc, axis=1, keepdims=True)
    e = jnp.exp(enc - m)
    sum_lane = mmh(e, S)
    khot_ref[...] = jnp.where(e * _D > sum_lane, 1.0, 0.0)

    lane128 = jax.lax.broadcasted_iota(jnp.int32, (1, _K * _N), 1)
    rconst = lane128 // _N
    iconst = (lane128 % _N).astype(f32)
    M128 = ((lane128.T // _N) == jax.lax.broadcasted_iota(
        jnp.int32, (_K * _N, _K), 1)).astype(f32)
    rank_rep = pltpu.repeat(rank16, _K, 1)
    selv = jnp.where(rank_rep == rconst.astype(f32), iconst, 0.0)
    sel8 = mml(selv, M128)
    row = (pl.program_id(0) * _BB
           + jax.lax.broadcasted_iota(jnp.int32, (_BB, 1), 0))
    fsel_ref[...] = (sel8 + 16.0 * row.astype(f32)).astype(jnp.int32)


def _stage_b_body(hot_ref, cbw, dw1, db1, dw2, db2, recon_ref, kk_ref):
    f32 = jnp.float32
    dot = lambda a, b: jax.lax.dot_general(
        a.astype(jnp.bfloat16), b.astype(jnp.bfloat16),
        (((1,), (1,)), ((), ())), preferred_element_type=f32)
    hot = hot_ref[...]
    kk = jnp.clip(jnp.sum(hot, axis=1, keepdims=True), 1.0, 128.0)
    hot_n = hot / kk
    q = dot(hot_n, cbw[...])
    d1 = dot(q, dw1[...]) + db1[...]
    d1 = d1 * jax.nn.sigmoid(d1)
    recon_ref[...] = dot(d1, dw2[...]) + db2[...]
    kk_ref[...] = kk


def _sc_gather(table, idx2d, rows_total, b_per_w, nch, ch):
    mesh = plsc.VectorSubcoreMesh(core_axis_name="c", subcore_axis_name="s")

    @functools.partial(
        pl.kernel, mesh=mesh,
        compiler_params=pltpu.CompilerParams(use_tc_tiling_on_sc=False),
        out_type=jax.ShapeDtypeStruct((rows_total, _D), jnp.float32),
        scratch_types=[
            pltpu.VMEM((nch, ch), jnp.int32),
            pltpu.VMEM((b_per_w, _D), jnp.float32),
            pltpu.SemaphoreType.DMA,
        ],
    )
    def k(table_hbm, idx_hbm, out_hbm, idx_v, rows_v, sem):
        wid = lax.axis_index("s") * 2 + lax.axis_index("c")
        pltpu.sync_copy(idx_hbm.at[pl.ds(wid * nch, nch)], idx_v)
        copies = []
        for j in range(nch):
            copies.append(pltpu.async_copy(
                table_hbm.at[idx_v.at[j]],
                rows_v.at[pl.ds(j * ch, ch)], sem))
        for c in copies:
            c.wait()
        pltpu.sync_copy(rows_v, out_hbm.at[pl.ds(wid * b_per_w, b_per_w)])

    return k(table, idx2d)


def _chunk(x, off, b, ew1, eb1, ew2, eb2, gw1, gb1, gw2, gb2):
    grid = (b // _BB,)
    offb = off // _BB
    full = lambda shape: pl.BlockSpec(shape, lambda i: (0,) * len(shape))
    khot, fsel = pl.pallas_call(
        _stage_a_body,
        grid=grid,
        in_specs=[
            pl.BlockSpec((_BB, 128), lambda i: (i + offb, 0)),
            full((256, 128)), full((1, 256)),
            full((256, 256)), full((1, 256)),
            full((256, 256)), full((1, 256)),
            full((16, 256)), full((1, 16)),
        ],
        out_specs=[
            pl.BlockSpec((_BB, 256), lambda i: (i, 0)),
            pl.BlockSpec((_BB, _K), lambda i: (i, 0)),
        ],
        out_shape=[
            jax.ShapeDtypeStruct((b, 256), jnp.float32),
            jax.ShapeDtypeStruct((b, _K), jnp.int32),
        ],
    )(x, ew1, eb1.reshape(1, -1), ew2, eb2.reshape(1, -1), gw1,
      gb1.reshape(1, -1), gw2, gb2.reshape(1, -1))

    info = plsc.get_sparse_core_info()
    nw = info.num_cores * info.num_subcores
    rows_total = b * _K
    b_per_w = rows_total // nw
    ch = 128
    nch = b_per_w // ch
    table = khot.reshape(b * _N, _D)
    idx2d = fsel.reshape(rows_total // ch, ch)
    hot_rows = _sc_gather(table, idx2d, rows_total, b_per_w, nch, ch)
    return hot_rows.reshape(b, _K * _D)


def _decode(hot, cbw, dw1, db1, dw2, db2):
    b = hot.shape[0]
    grid = (b // _BB,)
    full = lambda shape: pl.BlockSpec(shape, lambda i: (0,) * len(shape))
    recon, kk = pl.pallas_call(
        _stage_b_body,
        grid=grid,
        in_specs=[
            pl.BlockSpec((_BB, 128), lambda i: (i, 0)),
            full((64, 128)),
            full((256, 64)), full((1, 256)),
            full((128, 256)), full((1, 128)),
        ],
        out_specs=[
            pl.BlockSpec((_BB, 128), lambda i: (i, 0)),
            pl.BlockSpec((_BB, 1), lambda i: (i, 0)),
        ],
        out_shape=[
            jax.ShapeDtypeStruct((b, 128), jnp.float32),
            jax.ShapeDtypeStruct((b, 1), jnp.float32),
        ],
    )(hot, cbw, dw1, db1.reshape(1, -1), dw2, db2.reshape(1, -1))
    return recon, kk


_SPLITS = (14336, 2048)


@jax.jit
def _run(x, ew1, eb1, ew2, eb2, gw1, gb1, gw2, gb2, cbw, dw1, db1, dw2, db2):
    hots, off = [], 0
    for cs in _SPLITS:
        hots.append(_chunk(x, off, cs, ew1, eb1, ew2, eb2,
                           gw1, gb1, gw2, gb2))
        off += cs
    hot = jnp.concatenate(hots) if len(hots) > 1 else hots[0]
    recon, kk = _decode(hot, cbw, dw1, db1, dw2, db2)
    return recon, hot, kk


def kernel(x, enc_w1, enc_b1, enc_w2, enc_b2, gate_w1, gate_b1, gate_w2,
           gate_b2, cb_w, dec_w1, dec_b1, dec_w2, dec_b2):
    recon, hot, kk = _run(x, enc_w1, enc_b1, enc_w2, enc_b2, gate_w1, gate_b1,
                          gate_w2, gate_b2, cb_w, dec_w1, dec_b1, dec_w2,
                          dec_b2)
    return (recon, hot, jnp.float32(0.0), kk)

# --- scband reference (transcript-rebuilt; emitter-appended) ---
"""Pipeline reference for scband-gather-by-gate-autoencoder-9998683865099 (READ-ONLY COPY).

The authoritative reference and input builder live on the scoring server;
editing this copy changes nothing except your own understanding.
"""

import jax, jax.numpy as jnp
import numpy as np

INPUT_DIM = 128
HIDDEN = 256
EMBED = 64
QUANT = 128
SHAPE_N = 16
SHAPE_DIM = 16
SHAPE_K = QUANT // SHAPE_DIM
B = 16384


def _lin(k, out_d, in_d):
    return jax.random.normal(k, (out_d, in_d), jnp.float32) * (1.0 / np.sqrt(in_d))


def setup_inputs(seed: int = 0) -> dict:
    key = jax.random.key(seed)
    ks = jax.random.split(key, 16)
    return {
        'x': jax.random.normal(ks[0], (B, INPUT_DIM), jnp.float32),
        'enc_w1': _lin(ks[1], HIDDEN, INPUT_DIM),
        'enc_b1': jnp.zeros((HIDDEN,), jnp.float32),
        'enc_w2': _lin(ks[2], SHAPE_N * SHAPE_DIM, HIDDEN),
        'enc_b2': jnp.zeros((SHAPE_N * SHAPE_DIM,), jnp.float32),
        'gate_w1': _lin(ks[3], HIDDEN, SHAPE_N * SHAPE_DIM),
        'gate_b1': jnp.zeros((HIDDEN,), jnp.float32),
        'gate_w2': _lin(ks[4], SHAPE_N, HIDDEN),
        'gate_b2': jnp.zeros((SHAPE_N,), jnp.float32),
        'cb_w': _lin(ks[5], EMBED, QUANT),
        'dec_w1': _lin(ks[6], HIDDEN, EMBED),
        'dec_b1': jnp.zeros((HIDDEN,), jnp.float32),
        'dec_w2': _lin(ks[7], INPUT_DIM, HIDDEN),
        'dec_b2': jnp.zeros((INPUT_DIM,), jnp.float32),
    }


def _silu(v):
    return v * jax.nn.sigmoid(v)


def reference(x, enc_w1, enc_b1, enc_w2, enc_b2, gate_w1, gate_b1, gate_w2, gate_b2, cb_w, dec_w1, dec_b1, dec_w2, dec_b2):
    b = x.shape[0]
    # encoder
    enc = _silu(x @ enc_w1.T + enc_b1) @ enc_w2.T + enc_b2          # [B, 256]
    # gate
    gate = _silu(enc @ gate_w1.T + gate_b1) @ gate_w2.T + gate_b2    # [B, 16]
    pool = enc.reshape(b, SHAPE_N, SHAPE_DIM)                        # [B, 16, 16]
    # GatherByGate2.forward: top-k over gate logits, gather rows of pool
    _, idx = jax.lax.top_k(gate, SHAPE_K)                            # [B, K]
    gg = jnp.take_along_axis(pool, idx[:, :, None], axis=1)          # [B, K, 16]
    # ThresHot.forward
    probs = jax.nn.softmax(gg, axis=-1)
    khot = jnp.where(probs > 1.0 / gg.shape[-1], 1.0, 0.0)
    hot = khot.reshape(b, -1)                                        # [B, QUANT]
    vq_loss = jnp.float32(0.0)
    # k_from_hot (detached)
    kk = jax.lax.stop_gradient(jnp.clip(jnp.sum(hot, axis=-1, keepdims=True), 1.0, QUANT))
    # dequant
    hot_n = hot / kk
    q = hot_n @ cb_w.T                                               # [B, EMBED]
    recon = _silu(q @ dec_w1.T + dec_b1) @ dec_w2.T + dec_b2         # [B, INPUT_DIM]
    return (recon, hot, vq_loss, kk)

if __name__ == "__main__":
    import jax
    _d = setup_inputs()
    print(jax.jit(kernel)(*tuple(_d.values())))

</pallas_src>

<mosaic_0001>
#map = affine_map<(d0, d1) -> (0, 0)>
module attributes {stable_mosaic.version = 14 : i64} {
  func.func @k(%arg0: i32, %arg1: i32, %arg2: memref<229376x16xf32, #tpu.memory_space<hbm>>, %arg3: memref<896x128xi32, #tpu.memory_space<hbm>>, %arg4: memref<114688x16xf32, #tpu.memory_space<hbm>>, %arg5: memref<28x128xi32, #tpu.memory_space<vmem>>, %arg6: memref<3584x16xf32, #tpu.memory_space<vmem>>, %arg7: memref<!tpu.dma_semaphore, #tpu.memory_space<semaphore_mem>>) attributes {dimension_semantics = [#tpu.dimension_semantics<core_parallel>, #tpu.dimension_semantics<subcore_parallel>], iteration_bounds = array<i64: 2, 16>, scalar_prefetch = 0 : i64, scratch_operands = 3 : i64, tpu.core_type = #tpu.core_type<sc_vector_subcore>, window_params = [{transform_indices = #map}, {transform_indices = #map}, {transform_indices = #map}]} {
    %mul3A = arith.constant 2 : i32
    %mul3A_0 = arith.muli %arg1, %mul3A : i32
    %add3A = arith.addi %mul3A_0, %arg0 : i32
    %mul3A_1 = arith.constant 28 : i32
    %mul3A_2 = arith.muli %add3A, %mul3A_1 : i32
    "tpu.region"() ({
      %run_scoped3A = tpu.sem_alloc : memref<!tpu.dma_semaphore, #tpu.memory_space<semaphore_mem>>
      %dma_start3A_563 = arith.constant 0 : i32
      %dma_start3A_564 = tpu.memref_slice %arg3[%mul3A_2, %dma_start3A_563] : memref<896x128xi32, #tpu.memory_space<hbm>> -> memref<28x128xi32, #tpu.memory_space<hbm>>
      %dma_start3A_565 = arith.constant 0 : i32
      %dma_start3A_566 = tpu.memref_slice %arg3[%mul3A_2, %dma_start3A_565] : memref<896x128xi32, #tpu.memory_space<hbm>> -> memref<28x128xi32, #tpu.memory_space<hbm>>
      tpu.enqueue_dma source(%dma_start3A_566 : memref<28x128xi32, #tpu.memory_space<hbm>>) target(%arg5 : memref<28x128xi32, #tpu.memory_space<vmem>>) target_semaphore(%run_scoped3A : memref<!tpu.dma_semaphore, #tpu.memory_space<semaphore_mem>>)
      %dma_wait3A_567 = arith.constant 0 : i32
      %dma_wait3A_568 = tpu.memref_slice %arg3[%mul3A_2, %dma_wait3A_567] : memref<896x128xi32, #tpu.memory_space<hbm>> -> memref<28x128xi32, #tpu.memory_space<hbm>>
      %dma_wait3A_569 = arith.constant 0 : i32
      %dma_wait3A_570 = tpu.memref_slice %arg3[%mul3A_2, %dma_wait3A_569] : memref<896x128xi32, #tpu.memory_space<hbm>> -> memref<28x128xi32, #tpu.memory_space<hbm>>
      tpu.wait_dma2 semaphore(%run_scoped3A : memref<!tpu.dma_semaphore, #tpu.memory_space<semaphore_mem>>) src(%dma_wait3A_570 : memref<28x128xi32, #tpu.memory_space<hbm>>) dst(%arg5 : memref<28x128xi32, #tpu.memory_space<vmem>>)
      tpu.yield
    }) : () -> ()
    %dma_start3A = arith.constant 0 : i32
    %dma_start3A_3 = arith.constant 0 : i32
    %dma_start3A_4 = arith.constant 0 : i32
    %dma_start3A_5 = tpu.memref_slice %arg6[%dma_start3A_3, %dma_start3A_4] : memref<3584x16xf32, #tpu.memory_space<vmem>> -> memref<128x16xf32, #tpu.memory_space<vmem>>
    %dma_start3A_6 = arith.constant 0 : i32
    %dma_start3A_7 = tpu.memref_slice %arg5[%dma_start3A, %dma_start3A_6] : memref<28x128xi32, #tpu.memory_space<vmem>> -> memref<1x128xi32, #tpu.memory_space<vmem>>
    %dma_start3A_8 = tpu.memref_squeeze %dma_start3A_7 : memref<1x128xi32, #tpu.memory_space<vmem>> -> memref<128xi32, #tpu.memory_space<vmem>>
    %dma_start3A_9 = arith.constant 0 : i32
    %dma_start3A_10 = arith.constant 0 : i32
    %dma_start3A_11 = tpu.memref_slice %arg2[%dma_start3A_9, %dma_start3A_10] : memref<229376x16xf32, #tpu.memory_space<hbm>> -> memref<229376x16xf32, #tpu.memory_space<hbm>>
    tpu.enqueue_indirect_dma source(%dma_start3A_11 : memref<229376x16xf32, #tpu.memory_space<hbm>>) target(%dma_start3A_5 : memref<128x16xf32, #tpu.memory_space<vmem>>) offsets(%dma_start3A_8 : memref<128xi32, #tpu.memory_space<vmem>>) semaphore(%arg7 : memref<!tpu.dma_semaphore, #tpu.memory_space<semaphore_mem>>)
    %dma_start3A_12 = arith.constant 1 : i32
    %dma_start3A_13 = arith.constant 128 : i32
    %dma_start3A_14 = arith.constant 0 : i32
    %dma_start3A_15 = tpu.memref_slice %arg6[%dma_start3A_13, %dma_start3A_14] : memref<3584x16xf32, #tpu.memory_space<vmem>> -> memref<128x16xf32, #tpu.memory_space<vmem>>
    %dma_start3A_16 = arith.constant 0 : i32
    %dma_start3A_17 = tpu.memref_slice %arg5[%dma_start3A_12, %dma_start3A_16] : memref<28x128xi32, #tpu.memory_space<vmem>> -> memref<1x128xi32, #tpu.memory_space<vmem>>
    %dma_start3A_18 = tpu.memref_squeeze %dma_start3A_17 : memref<1x128xi32, #tpu.memory_space<vmem>> -> memref<128xi32, #tpu.memory_space<vmem>>
    %dma_start3A_19 = arith.constant 0 : i32
    %dma_start3A_20 = arith.constant 0 : i32
    %dma_start3A_21 = tpu.memref_slice %arg2[%dma_start3A_19, %dma_start3A_20] : memref<229376x16xf32, #tpu.memory_space<hbm>> -> memref<229376x16xf32, #tpu.memory_space<hbm>>
    tpu.enqueue_indirect_dma source(%dma_start3A_21 : memref<229376x16xf32, #tpu.memory_space<hbm>>) target(%dma_start3A_15 : memref<128x16xf32, #tpu.memory_space<vmem>>) offsets(%dma_start3A_18 : memref<128xi32, #tpu.memory_space<vmem>>) semaphore(%arg7 : memref<!tpu.dma_semaphore, #tpu.memory_space<semaphore_mem>>)
    %dma_start3A_22 = arith.constant 2 : i32
    %dma_start3A_23 = arith.constant 256 : i32
    %dma_start3A_24 = arith.constant 0 : i32
    %dma_start3A_25 = tpu.memref_slice %arg6[%dma_start3A_23, %dma_start3A_24] : memref<3584x16xf32, #tpu.memory_space<vmem>> -> memref<128x16xf32, #tpu.memory_space<vmem>>
    %dma_start3A_26 = arith.constant 0 : i32
    %dma_start3A_27 = tpu.memref_slice %arg5[%dma_start3A_22, %dma_start3A_26] : memref<28x128xi32, #tpu.memory_space<vmem>> -> memref<1x128xi32, #tpu.memory_space<vmem>>
    %dma_start3A_28 = tpu.memref_squeeze %dma_start3A_27 : memref<1x128xi32, #tpu.memory_space<vmem>> -> memref<128xi32, #tpu.memory_space<vmem>>
    %dma_start3A_29 = arith.constant 0 : i32
    %dma_start3A_30 = arith.constant 0 : i32
    %dma_start3A_31 = tpu.memref_slice %arg2[%dma_start3A_29, %dma_start3A_30] : memref<229376x16xf32, #tpu.memory_space<hbm>> -> memref<229376x16xf32, #tpu.memory_space<hbm>>
    tpu.enqueue_indirect_dma source(%dma_start3A_31 : memref<229376x16xf32, #tpu.memory_space<hbm>>) target(%dma_start3A_25 : memref<128x16xf32, #tpu.memory_space<vmem>>) offsets(%dma_start3A_28 : memref<128xi32, #tpu.memory_space<vmem>>) semaphore(%arg7 : memref<!tpu.dma_semaphore, #tpu.memory_space<semaphore_mem>>)
    %dma_start3A_32 = arith.constant 3 : i32
    %dma_start3A_33 = arith.constant 384 : i32
    %dma_start3A_34 = arith.constant 0 : i32
    %dma_start3A_35 = tpu.memref_slice %arg6[%dma_start3A_33, %dma_start3A_34] : memref<3584x16xf32, #tpu.memory_space<vmem>> -> memref<128x16xf32, #tpu.memory_space<vmem>>
    %dma_start3A_36 = arith.constant 0 : i32
    %dma_start3A_37 = tpu.memref_slice %arg5[%dma_start3A_32, %dma_start3A_36] : memref<28x128xi32, #tpu.memory_space<vmem>> -> memref<1x128xi32, #tpu.memory_space<vmem>>
    %dma_start3A_38 = tpu.memref_squeeze %dma_start3A_37 : memref<1x128xi32, #tpu.memory_space<vmem>> -> memref<128xi32, #tpu.memory_space<vmem>>
    %dma_start3A_39 = arith.constant 0 : i32
    %dma_start3A_40 = arith.constant 0 : i32
    %dma_start3A_41 = tpu.memref_slice %arg2[%dma_start3A_39, %dma_start3A_40] : memref<229376x16xf32, #tpu.memory_space<hbm>> -> memref<229376x16xf32, #tpu.memory_space<hbm>>
    tpu.enqueue_indirect_dma source(%dma_start3A_41 : memref<229376x16xf32, #tpu.memory_space<hbm>>) target(%dma_start3A_35 : memref<128x16xf32, #tpu.memory_space<vmem>>) offsets(%dma_start3A_38 : memref<128xi32, #tpu.memory_space<vmem>>) semaphore(%arg7 : memref<!tpu.dma_semaphore, #tpu.memory_space<semaphore_mem>>)
    %dma_start3A_42 = arith.constant 4 : i32
    %dma_start3A_43 = arith.constant 512 : i32
    %dma_start3A_44 = arith.constant 0 : i32
    %dma_start3A_45 = tpu.memref_slice %arg6[%dma_start3A_43, %dma_start3A_44] : memref<3584x16xf32, #tpu.memory_space<vmem>> -> memref<128x16xf32, #tpu.memory_space<vmem>>
    %dma_start3A_46 = arith.constant 0 : i32
    %dma_start3A_47 = tpu.memref_slice %arg5[%dma_start3A_42, %dma_start3A_46] : memref<28x128xi32, #tpu.memory_space<vmem>> -> memref<1x128xi32, #tpu.memory_space<vmem>>
    %dma_start3A_48 = tpu.memref_squeeze %dma_start3A_47 : memref<1x128xi32, #tpu.memory_space<vmem>> -> memref<128xi32, #tpu.memory_space<vmem>>
    %dma_start3A_49 = arith.constant 0 : i32
    %dma_start3A_50 = arith.constant 0 : i32
    %dma_start3A_51 = tpu.memref_slice %arg2[%dma_start3A_49, %dma_start3A_50] : memref<229376x16xf32, #tpu.memory_space<hbm>> -> memref<229376x16xf32, #tpu.memory_space<hbm>>
    tpu.enqueue_indirect_dma source(%dma_start3A_51 : memref<229376x16xf32, #tpu.memory_space<hbm>>) target(%dma_start3A_45 : memref<128x16xf32, #tpu.memory_space<vmem>>) offsets(%dma_start3A_48 : memref<128xi32, #tpu.memory_space<vmem>>) semaphore(%arg7 : memref<!tpu.dma_semaphore, #tpu.memory_space<semaphore_mem>>)
    %dma_start3A_52 = arith.constant 5 : i32
    %dma_start3A_53 = arith.constant 640 : i32
    %dma_start3A_54 = arith.constant 0 : i32
    %dma_start3A_55 = tpu.memref_slice %arg6[%dma_start3A_53, %dma_start3A_54] : memref<3584x16xf32, #tpu.memory_space<vmem>> -> memref<128x16xf32, #tpu.memory_space<vmem>>
    %dma_start3A_56 = arith.constant 0 : i32
    %dma_start3A_57 = tpu.memref_slice %arg5[%dma_start3A_52, %dma_start3A_56] : memref<28x128xi32, #tpu.memory_space<vmem>> -> memref<1x128xi32, #tpu.memory_space<vmem>>
    %dma_start3A_58 = tpu.memref_squeeze %dma_start3A_57 : memref<1x128xi32, #tpu.memory_space<vmem>> -> memref<128xi32, #tpu.memory_space<vmem>>
    %dma_start3A_59 = arith.constant 0 : i32
    %dma_start3A_60 = arith.constant 0 : i32
    %dma_start3A_61 = tpu.memref_slice %arg2[%dma_start3A_59, %dma_start3A_60] : memref<229376x16xf32, #tpu.memory_space<hbm>> -> memref<229376x16xf32, #tpu.memory_space<hbm>>
    tpu.enqueue_indirect_dma source(%dma_start3A_61 : memref<229376x16xf32, #tpu.memory_space<hbm>>) target(%dma_start3A_55 : memref<128x16xf32, #tpu.memory_space<vmem>>) offsets(%dma_start3A_58 : memref<128xi32, #tpu.memory_space<vmem>>) semaphore(%arg7 : memref<!tpu.dma_semaphore, #tpu.memory_space<semaphore_mem>>)
    %dma_start3A_62 = arith.constant 6 : i32
    %dma_start3A_63 = arith.constant 768 : i32
    %dma_start3A_64 = arith.constant 0 : i32
    %dma_start3A_65 = tpu.memref_slice %arg6[%dma_start3A_63, %dma_start3A_64] : memref<3584x16xf32, #tpu.memory_space<vmem>> -> memref<128x16xf32, #tpu.memory_space<vmem>>
    %dma_start3A_66 = arith.constant 0 : i32
    %dma_start3A_67 = tpu.memref_slice %arg5[%dma_start3A_62, %dma_start3A_66] : memref<28x128xi32, #tpu.memory_space<vmem>> -> memref<1x128xi32, #tpu.memory_space<vmem>>
    %dma_start3A_68 = tpu.memref_squeeze %dma_start3A_67 : memref<1x128xi32, #tpu.memory_space<vmem>> -> memref<128xi32, #tpu.memory_space<vmem>>
    %dma_start3A_69 = arith.constant 0 : i32
    %dma_start3A_70 = arith.constant 0 : i32
    %dma_start3A_71 = tpu.memref_slice %arg2[%dma_start3A_69, %dma_start3A_70] : memref<229376x16xf32, #tpu.memory_space<hbm>> -> memref<229376x16xf32, #tpu.memory_space<hbm>>
    tpu.enqueue_indirect_dma source(%dma_start3A_71 : memref<229376x16xf32, #tpu.memory_space<hbm>>) target(%dma_start3A_65 : memref<128x16xf32, #tpu.memory_space<vmem>>) offsets(%dma_start3A_68 : memref<128xi32, #tpu.memory_space<vmem>>) semaphore(%arg7 : memref<!tpu.dma_semaphore, #tpu.memory_space<semaphore_mem>>)
    %dma_start3A_72 = arith.constant 7 : i32
    %dma_start3A_73 = arith.constant 896 : i32
    %dma_start3A_74 = arith.constant 0 : i32
    %dma_start3A_75 = tpu.memref_slice %arg6[%dma_start3A_73, %dma_start3A_74] : memref<3584x16xf32, #tpu.memory_space<vmem>> -> memref<128x16xf32, #tpu.memory_space<vmem>>
    %dma_start3A_76 = arith.constant 0 : i32
    %dma_start3A_77 = tpu.memref_slice %arg5[%dma_start3A_72, %dma_start3A_76] : memref<28x128xi32, #tpu.memory_space<vmem>> -> memref<1x128xi32, #tpu.memory_space<vmem>>
    %dma_start3A_78 = tpu.memref_squeeze %dma_start3A_77 : memref<1x128xi32, #tpu.memory_space<vmem>> -> memref<128xi32, #tpu.memory_space<vmem>>
    %dma_start3A_79 = arith.constant 0 : i32
    %dma_start3A_80 = arith.constant 0 : i32
    %dma_start3A_81 = tpu.memref_slice %arg2[%dma_start3A_79, %dma_start3A_80] : memref<229376x16xf32, #tpu.memory_space<hbm>> -> memref<229376x16xf32, #tpu.memory_space<hbm>>
    tpu.enqueue_indirect_dma source(%dma_start3A_81 : memref<229376x16xf32, #tpu.memory_space<hbm>>) target(%dma_start3A_75 : memref<128x16xf32, #tpu.memory_space<vmem>>) offsets(%dma_start3A_78 : memref<128xi32, #tpu.memory_space<vmem>>) semaphore(%arg7 : memref<!tpu.dma_semaphore, #tpu.memory_space<semaphore_mem>>)
    %dma_start3A_82 = arith.constant 8 : i32
    %dma_start3A_83 = arith.constant 1024 : i32
    %dma_start3A_84 = arith.constant 0 : i32
    %dma_start3A_85 = tpu.memref_slice %arg6[%dma_start3A_83, %dma_start3A_84] : memref<3584x16xf32, #tpu.memory_space<vmem>> -> memref<128x16xf32, #tpu.memory_space<vmem>>
    %dma_start3A_86 = arith.constant 0 : i32
    %dma_start3A_87 = tpu.memref_slice %arg5[%dma_start3A_82, %dma_start3A_86] : memref<28x128xi32, #tpu.memory_space<vmem>> -> memref<1x128xi32, #tpu.memory_space<vmem>>
    %dma_start3A_88 = tpu.memref_squeeze %dma_start3A_87 : memref<1x128xi32, #tpu.memory_space<vmem>> -> memref<128xi32, #tpu.memory_space<vmem>>
    %dma_start3A_89 = arith.constant 0 : i32
    %dma_start3A_90 = arith.constant 0 : i32
    %dma_start3A_91 = tpu.memref_slice %arg2[%dma_start3A_89, %dma_start3A_90] : memref<229376x16xf32, #tpu.memory_space<hbm>> -> memref<229376x16xf32, #tpu.memory_space<hbm>>
    tpu.enqueue_indirect_dma source(%dma_start3A_91 : memref<229376x16xf32, #tpu.memory_space<hbm>>) target(%dma_start3A_85 : memref<128x16xf32, #tpu.memory_space<vmem>>) offsets(%dma_start3A_88 : memref<128xi32, #tpu.memory_space<vmem>>) semaphore(%arg7 : memref<!tpu.dma_semaphore, #tpu.memory_space<semaphore_mem>>)
    %dma_start3A_92 = arith.constant 9 : i32
    %dma_start3A_93 = arith.constant 1152 : i32
    %dma_start3A_94 = arith.constant 0 : i32
    %dma_start3A_95 = tpu.memref_slice %arg6[%dma_start3A_93, %dma_start3A_94] : memref<3584x16xf32, #tpu.memory_space<vmem>> -> memref<128x16xf32, #tpu.memory_space<vmem>>
    %dma_start3A_96 = arith.constant 0 : i32
    %dma_start3A_97 = tpu.memref_slice %arg5[%dma_start3A_92, %dma_start3A_96] : memref<28x128xi32, #tpu.memory_space<vmem>> -> memref<1x128xi32, #tpu.memory_space<vmem>>
    %dma_start3A_98 = tpu.memref_squeeze %dma_start3A_97 : memref<1x128xi32, #tpu.memory_space<vmem>> -> memref<128xi32, #tpu.memory_space<vmem>>
    %dma_start3A_99 = arith.constant 0 : i32
    %dma_start3A_100 = arith.constant 0 : i32
    %dma_start3A_101 = tpu.memref_slice %arg2[%dma_start3A_99, %dma_start3A_100] : memref<229376x16xf32, #tpu.memory_space<hbm>> -> memref<229376x16xf32, #tpu.memory_space<hbm>>
    tpu.enqueue_indirect_dma source(%dma_start3A_101 : memref<229376x16xf32, #tpu.memory_space<hbm>>) target(%dma_start3A_95 : memref<128x16xf32, #tpu.memory_space<vmem>>) offsets(%dma_start3A_98 : memref<128xi32, #tpu.memory_space<vmem>>) semaphore(%arg7 : memref<!tpu.dma_semaphore, #tpu.memory_space<semaphore_mem>>)
    %dma_start3A_102 = arith.constant 10 : i32
    %dma_start3A_103 = arith.constant 1280 : i32
    %dma_start3A_104 = arith.constant 0 : i32
    %dma_start3A_105 = tpu.memref_slice %arg6[%dma_start3A_103, %dma_start3A_104] : memref<3584x16xf32, #tpu.memory_space<vmem>> -> memref<128x16xf32, #tpu.memory_space<vmem>>
    %dma_start3A_106 = arith.constant 0 : i32
    %dma_start3A_107 = tpu.memref_slice %arg5[%dma_start3A_102, %dma_start3A_106] : memref<28x128xi32, #tpu.memory_space<vmem>> -> memref<1x128xi32, #tpu.memory_space<vmem>>
    %dma_start3A_108 = tpu.memref_squeeze %dma_start3A_107 : memref<1x128xi32, #tpu.memory_space<vmem>> -> memref<128xi32, #tpu.memory_space<vmem>>
    %dma_start3A_109 = arith.constant 0 : i32
    %dma_start3A_110 = arith.constant 0 : i32
    %dma_start3A_111 = tpu.memref_slice %arg2[%dma_start3A_109, %dma_start3A_110] : memref<229376x16xf32, #tpu.memory_space<hbm>> -> memref<229376x16xf32, #tpu.memory_space<hbm>>
    tpu.enqueue_indirect_dma source(%dma_start3A_111 : memref<229376x16xf32, #tpu.memory_space<hbm>>) target(%dma_start3A_105 : memref<128x16xf32, #tpu.memory_space<vmem>>) offsets(%dma_start3A_108 : memref<128xi32, #tpu.memory_space<vmem>>) semaphore(%arg7 : memref<!tpu.dma_semaphore, #tpu.memory_space<semaphore_mem>>)
    %dma_start3A_112 = arith.constant 11 : i32
    %dma_start3A_113 = arith.constant 1408 : i32
    %dma_start3A_114 = arith.constant 0 : i32
    %dma_start3A_115 = tpu.memref_slice %arg6[%dma_start3A_113, %dma_start3A_114] : memref<3584x16xf32, #tpu.memory_space<vmem>> -> memref<128x16xf32, #tpu.memory_space<vmem>>
    %dma_start3A_116 = arith.constant 0 : i32
    %dma_start3A_117 = tpu.memref_slice %arg5[%dma_start3A_112, %dma_start3A_116] : memref<28x128xi32, #tpu.memory_space<vmem>> -> memref<1x128xi32, #tpu.memory_space<vmem>>
    %dma_start3A_118 = tpu.memref_squeeze %dma_start3A_117 : memref<1x128xi32, #tpu.memory_space<vmem>> -> memref<128xi32, #tpu.memory_space<vmem>>
    %dma_start3A_119 = arith.constant 0 : i32
    %dma_start3A_120 = arith.constant 0 : i32
    %dma_start3A_121 = tpu.memref_slice %arg2[%dma_start3A_119, %dma_start3A_120] : memref<229376x16xf32, #tpu.memory_space<hbm>> -> memref<229376x16xf32, #tpu.memory_space<hbm>>
    tpu.enqueue_indirect_dma source(%dma_start3A_121 : memref<229376x16xf32, #tpu.memory_space<hbm>>) target(%dma_start3A_115 : memref<128x16xf32, #tpu.memory_space<vmem>>) offsets(%dma_start3A_118 : memref<128xi32, #tpu.memory_space<vmem>>) semaphore(%arg7 : memref<!tpu.dma_semaphore, #tpu.memory_space<semaphore_mem>>)
    %dma_start3A_122 = arith.constant 12 : i32
    %dma_start3A_123 = arith.constant 1536 : i32
    %dma_start3A_124 = arith.constant 0 : i32
    %dma_start3A_125 = tpu.memref_slice %arg6[%dma_start3A_123, %dma_start3A_124] : memref<3584x16xf32, #tpu.memory_space<vmem>> -> memref<128x16xf32, #tpu.memory_space<vmem>>
    %dma_start3A_126 = arith.constant 0 : i32
    %dma_start3A_127 = tpu.memref_slice %arg5[%dma_start3A_122, %dma_start3A_126] : memref<28x128xi32, #tpu.memory_space<vmem>> -> memref<1x128xi32, #tpu.memory_space<vmem>>
    %dma_start3A_128 = tpu.memref_squeeze %dma_start3A_127 : memref<1x128xi32, #tpu.memory_space<vmem>> -> memref<128xi32, #tpu.memory_space<vmem>>
    %dma_start3A_129 = arith.constant 0 : i32
    %dma_start3A_130 = arith.constant 0 : i32
    %dma_start3A_131 = tpu.memref_slice %arg2[%dma_start3A_129, %dma_start3A_130] : memref<229376x16xf32, #tpu.memory_space<hbm>> -> memref<229376x16xf32, #tpu.memory_space<hbm>>
    tpu.enqueue_indirect_dma source(%dma_start3A_131 : memref<229376x16xf32, #tpu.memory_space<hbm>>) target(%dma_start3A_125 : memref<128x16xf32, #tpu.memory_space<vmem>>) offsets(%dma_start3A_128 : memref<128xi32, #tpu.memory_space<vmem>>) semaphore(%arg7 : memref<!tpu.dma_semaphore, #tpu.memory_space<semaphore_mem>>)
    %dma_start3A_132 = arith.constant 13 : i32
    %dma_start3A_133 = arith.constant 1664 : i32
    %dma_start3A_134 = arith.constant 0 : i32
    %dma_start3A_135 = tpu.memref_slice %arg6[%dma_start3A_133, %dma_start3A_134] : memref<3584x16xf32, #tpu.memory_space<vmem>> -> memref<128x16xf32, #tpu.memory_space<vmem>>
    %dma_start3A_136 = arith.constant 0 : i32
    %dma_start3A_137 = tpu.memref_slice %arg5[%dma_start3A_132, %dma_start3A_136] : memref<28x128xi32, #tpu.memory_space<vmem>> -> memref<1x128xi32, #tpu.memory_space<vmem>>
    %dma_start3A_138 = tpu.memref_squeeze %dma_start3A_137 : memref<1x128xi32, #tpu.memory_space<vmem>> -> memref<128xi32, #tpu.memory_space<vmem>>
    %dma_start3A_139 = arith.constant 0 : i32
    %dma_start3A_140 = arith.constant 0 : i32
    %dma_start3A_141 = tpu.memref_slice %arg2[%dma_start3A_139, %dma_start3A_140] : memref<229376x16xf32, #tpu.memory_space<hbm>> -> memref<229376x16xf32, #tpu.memory_space<hbm>>
    tpu.enqueue_indirect_dma source(%dma_start3A_141 : memref<229376x16xf32, #tpu.memory_space<hbm>>) target(%dma_start3A_135 : memref<128x16xf32, #tpu.memory_space<vmem>>) offsets(%dma_start3A_138 : memref<128xi32, #tpu.memory_space<vmem>>) semaphore(%arg7 : memref<!tpu.dma_semaphore, #tpu.memory_space<semaphore_mem>>)
    %dma_start3A_142 = arith.constant 14 : i32
    %dma_start3A_143 = arith.constant 1792 : i32
    %dma_start3A_144 = arith.constant 0 : i32
    %dma_start3A_145 = tpu.memref_slice %arg6[%dma_start3A_143, %dma_start3A_144] : memref<3584x16xf32, #tpu.memory_space<vmem>> -> memref<128x16xf32, #tpu.memory_space<vmem>>
    %dma_start3A_146 = arith.constant 0 : i32
    %dma_start3A_147 = tpu.memref_slice %arg5[%dma_start3A_142, %dma_start3A_146] : memref<28x128xi32, #tpu.memory_space<vmem>> -> memref<1x128xi32, #tpu.memory_space<vmem>>
    %dma_start3A_148 = tpu.memref_squeeze %dma_start3A_147 : memref<1x128xi32, #tpu.memory_space<vmem>> -> memref<128xi32, #tpu.memory_space<vmem>>
    %dma_start3A_149 = arith.constant 0 : i32
    %dma_start3A_150 = arith.constant 0 : i32
    %dma_start3A_151 = tpu.memref_slice %arg2[%dma_start3A_149, %dma_start3A_150] : memref<229376x16xf32, #tpu.memory_space<hbm>> -> memref<229376x16xf32, #tpu.memory_space<hbm>>
    tpu.enqueue_indirect_dma source(%dma_start3A_151 : memref<229376x16xf32, #tpu.memory_space<hbm>>) target(%dma_start3A_145 : memref<128x16xf32, #tpu.memory_space<vmem>>) offsets(%dma_start3A_148 : memref<128xi32, #tpu.memory_space<vmem>>) semaphore(%arg7 : memref<!tpu.dma_semaphore, #tpu.memory_space<semaphore_mem>>)
    %dma_start3A_152 = arith.constant 15 : i32
    %dma_start3A_153 = arith.constant 1920 : i32
    %dma_start3A_154 = arith.constant 0 : i32
    %dma_start3A_155 = tpu.memref_slice %arg6[%dma_start3A_153, %dma_start3A_154] : memref<3584x16xf32, #tpu.memory_space<vmem>> -> memref<128x16xf32, #tpu.memory_space<vmem>>
    %dma_start3A_156 = arith.constant 0 : i32
    %dma_start3A_157 = tpu.memref_slice %arg5[%dma_start3A_152, %dma_start3A_156] : memref<28x128xi32, #tpu.memory_space<vmem>> -> memref<1x128xi32, #tpu.memory_space<vmem>>
    %dma_start3A_158 = tpu.memref_squeeze %dma_start3A_157 : memref<1x128xi32, #tpu.memory_space<vmem>> -> memref<128xi32, #tpu.memory_space<vmem>>
    %dma_start3A_159 = arith.constant 0 : i32
    %dma_start3A_160 = arith.constant 0 : i32
    %dma_start3A_161 = tpu.memref_slice %arg2[%dma_start3A_159, %dma_start3A_160] : memref<229376x16xf32, #tpu.memory_space<hbm>> -> memref<229376x16xf32, #tpu.memory_space<hbm>>
    tpu.enqueue_indirect_dma source(%dma_start3A_161 : memref<229376x16xf32, #tpu.memory_space<hbm>>) target(%dma_start3A_155 : memref<128x16xf32, #tpu.memory_space<vmem>>) offsets(%dma_start3A_158 : memref<128xi32, #tpu.memory_space<vmem>>) semaphore(%arg7 : memref<!tpu.dma_semaphore, #tpu.memory_space<semaphore_mem>>)
    %dma_start3A_162 = arith.constant 16 : i32
    %dma_start3A_163 = arith.constant 2048 : i32
    %dma_start3A_164 = arith.constant 0 : i32
    %dma_start3A_165 = tpu.memref_slice %arg6[%dma_start3A_163, %dma_start3A_164] : memref<3584x16xf32, #tpu.memory_space<vmem>> -> memref<128x16xf32, #tpu.memory_space<vmem>>
    %dma_start3A_166 = arith.constant 0 : i32
    %dma_start3A_167 = tpu.memref_slice %arg5[%dma_start3A_162, %dma_start3A_166] : memref<28x128xi32, #tpu.memory_space<vmem>> -> memref<1x128xi32, #tpu.memory_space<vmem>>
    %dma_start3A_168 = tpu.memref_squeeze %dma_start3A_167 : memref<1x128xi32, #tpu.memory_space<vmem>> -> memref<128xi32, #tpu.memory_space<vmem>>
    %dma_start3A_169 = arith.constant 0 : i32
    %dma_start3A_170 = arith.constant 0 : i32
    %dma_start3A_171 = tpu.memref_slice %arg2[%dma_start3A_169, %dma_start3A_170] : memref<229376x16xf32, #tpu.memory_space<hbm>> -> memref<229376x16xf32, #tpu.memory_space<hbm>>
    tpu.enqueue_indirect_dma source(%dma_start3A_171 : memref<229376x16xf32, #tpu.memory_space<hbm>>) target(%dma_start3A_165 : memref<128x16xf32, #tpu.memory_space<vmem>>) offsets(%dma_start3A_168 : memref<128xi32, #tpu.memory_space<vmem>>) semaphore(%arg7 : memref<!tpu.dma_semaphore, #tpu.memory_space<semaphore_mem>>)
    %dma_start3A_172 = arith.constant 17 : i32
    %dma_start3A_173 = arith.constant 2176 : i32
    %dma_start3A_174 = arith.constant 0 : i32
    %dma_start3A_175 = tpu.memref_slice %arg6[%dma_start3A_173, %dma_start3A_174] : memref<3584x16xf32, #tpu.memory_space<vmem>> -> memref<128x16xf32, #tpu.memory_space<vmem>>
    %dma_start3A_176 = arith.constant 0 : i32
    %dma_start3A_177 = tpu.memref_slice %arg5[%dma_start3A_172, %dma_start3A_176] : memref<28x128xi32, #tpu.memory_space<vmem>> -> memref<1x128xi32, #tpu.memory_space<vmem>>
    %dma_start3A_178 = tpu.memref_squeeze %dma_start3A_177 : memref<1x128xi32, #tpu.memory_space<vmem>> -> memref<128xi32, #tpu.memory_space<vmem>>
    %dma_start3A_179 = arith.constant 0 : i32
    %dma_start3A_180 = arith.constant 0 : i32
    %dma_start3A_181 = tpu.memref_slice %arg2[%dma_start3A_179, %dma_start3A_180] : memref<229376x16xf32, #tpu.memory_space<hbm>> -> memref<229376x16xf32, #tpu.memory_space<hbm>>
    tpu.enqueue_indirect_dma source(%dma_start3A_181 : memref<229376x16xf32, #tpu.memory_space<hbm>>) target(%dma_start3A_175 : memref<128x16xf32, #tpu.memory_space<vmem>>) offsets(%dma_start3A_178 : memref<128xi32, #tpu.memory_space<vmem>>) semaphore(%arg7 : memref<!tpu.dma_semaphore, #tpu.memory_space<semaphore_mem>>)
    %dma_start3A_182 = arith.constant 18 : i32
    %dma_start3A_183 = arith.constant 2304 : i32
    %dma_start3A_184 = arith.constant 0 : i32
    %dma_start3A_185 = tpu.memref_slice %arg6[%dma_start3A_183, %dma_start3A_184] : memref<3584x16xf32, #tpu.memory_space<vmem>> -> memref<128x16xf32, #tpu.memory_space<vmem>>
    %dma_start3A_186 = arith.constant 0 : i32
    %dma_start3A_187 = tpu.memref_slice %arg5[%dma_start3A_182, %dma_start3A_186] : memref<28x128xi32, #tpu.memory_space<vmem>> -> memref<1x128xi32, #tpu.memory_space<vmem>>
    %dma_start3A_188 = tpu.memref_squeeze %dma_start3A_187 : memref<1x128xi32, #tpu.memory_space<vmem>> -> memref<128xi32, #tpu.memory_space<vmem>>
    %dma_start3A_189 = arith.constant 0 : i32
    %dma_start3A_190 = arith.constant 0 : i32
    %dma_start3A_191 = tpu.memref_slice %arg2[%dma_start3A_189, %dma_start3A_190] : memref<229376x16xf32, #tpu.memory_space<hbm>> -> memref<229376x16xf32, #tpu.memory_space<hbm>>
    tpu.enqueue_indirect_dma source(%dma_start3A_191 : memref<229376x16xf32, #tpu.memory_space<hbm>>) target(%dma_start3A_185 : memref<128x16xf32, #tpu.memory_space<vmem>>) offsets(%dma_start3A_188 : memref<128xi32, #tpu.memory_space<vmem>>) semaphore(%arg7 : memref<!tpu.dma_semaphore, #tpu.memory_space<semaphore_mem>>)
    %dma_start3A_192 = arith.constant 19 : i32
    %dma_start3A_193 = arith.constant 2432 : i32
    %dma_start3A_194 = arith.constant 0 : i32
    %dma_start3A_195 = tpu.memref_slice %arg6[%dma_start3A_193, %dma_start3A_194] : memref<3584x16xf32, #tpu.memory_space<vmem>> -> memref<128x16xf32, #tpu.memory_space<vmem>>
    %dma_start3A_196 = arith.constant 0 : i32
    %dma_start3A_197 = tpu.memref_slice %arg5[%dma_start3A_192, %dma_start3A_196] : memref<28x128xi32, #tpu.memory_space<vmem>> -> memref<1x128xi32, #tpu.memory_space<vmem>>
    %dma_start3A_198 = tpu.memref_squeeze %dma_start3A_197 : memref<1x128xi32, #tpu.memory_space<vmem>> -> memref<128xi32, #tpu.memory_space<vmem>>
    %dma_start3A_199 = arith.constant 0 : i32
    %dma_start3A_200 = arith.constant 0 : i32
    %dma_start3A_201 = tpu.memref_slice %arg2[%dma_start3A_199, %dma_start3A_200] : memref<229376x16xf32, #tpu.memory_space<hbm>> -> memref<229376x16xf32, #tpu.memory_space<hbm>>
    tpu.enqueue_indirect_dma source(%dma_start3A_201 : memref<229376x16xf32, #tpu.memory_space<hbm>>) target(%dma_start3A_195 : memref<128x16xf32, #tpu.memory_space<vmem>>) offsets(%dma_start3A_198 : memref<128xi32, #tpu.memory_space<vmem>>) semaphore(%arg7 : memref<!tpu.dma_semaphore, #tpu.memory_space<semaphore_mem>>)
    %dma_start3A_202 = arith.constant 20 : i32
    %dma_start3A_203 = arith.constant 2560 : i32
    %dma_start3A_204 = arith.constant 0 : i32
    %dma_start3A_205 = tpu.memref_slice %arg6[%dma_start3A_203, %dma_start3A_204] : memref<3584x16xf32, #tpu.memory_space<vmem>> -> memref<128x16xf32, #tpu.memory_space<vmem>>
    %dma_start3A_206 = arith.constant 0 : i32
    %dma_start3A_207 = tpu.memref_slice %arg5[%dma_start3A_202, %dma_start3A_206] : memref<28x128xi32, #tpu.memory_space<vmem>> -> memref<1x128xi32, #tpu.memory_space<vmem>>
    %dma_start3A_208 = tpu.memref_squeeze %dma_start3A_207 : memref<1x128xi32, #tpu.memory_space<vmem>> -> memref<128xi32, #tpu.memory_space<vmem>>
    %dma_start3A_209 = arith.constant 0 : i32
    %dma_start3A_210 = arith.constant 0 : i32
    %dma_start3A_211 = tpu.memref_slice %arg2[%dma_start3A_209, %dma_start3A_210] : memref<229376x16xf32, #tpu.memory_space<hbm>> -> memref<229376x16xf32, #tpu.memory_space<hbm>>
    tpu.enqueue_indirect_dma source(%dma_start3A_211 : memref<229376x16xf32, #tpu.memory_space<hbm>>) target(%dma_start3A_205 : memref<128x16xf32, #tpu.memory_space<vmem>>) offsets(%dma_start3A_208 : memref<128xi32, #tpu.memory_space<vmem>>) semaphore(%arg7 : memref<!tpu.dma_semaphore, #tpu.memory_space<semaphore_mem>>)
    %dma_start3A_212 = arith.constant 21 : i32
    %dma_start3A_213 = arith.constant 2688 : i32
    %dma_start3A_214 = arith.constant 0 : i32
    %dma_start3A_215 = tpu.memref_slice %arg6[%dma_start3A_213, %dma_start3A_214] : memref<3584x16xf32, #tpu.memory_space<vmem>> -> memref<128x16xf32, #tpu.memory_space<vmem>>
    %dma_start3A_216 = arith.constant 0 : i32
    %dma_start3A_217 = tpu.memref_slice %arg5[%dma_start3A_212, %dma_start3A_216] : memref<28x128xi32, #tpu.memory_space<vmem>> -> memref<1x128xi32, #tpu.memory_space<vmem>>
    %dma_start3A_218 = tpu.memref_squeeze %dma_start3A_217 : memref<1x128xi32, #tpu.memory_space<vmem>> -> memref<128xi32, #tpu.memory_space<vmem>>
    %dma_start3A_219 = arith.constant 0 : i32
    %dma_start3A_220 = arith.constant 0 : i32
    %dma_start3A_221 = tpu.memref_slice %arg2[%dma_start3A_219, %dma_start3A_220] : memref<229376x16xf32, #tpu.memory_space<hbm>> -> memref<229376x16xf32, #tpu.memory_space<hbm>>
    tpu.enqueue_indirect_dma source(%dma_start3A_221 : memref<229376x16xf32, #tpu.memory_space<hbm>>) target(%dma_start3A_215 : memref<128x16xf32, #tpu.memory_space<vmem>>) offsets(%dma_start3A_218 : memref<128xi32, #tpu.memory_space<vmem>>) semaphore(%arg7 : memref<!tpu.dma_semaphore, #tpu.memory_space<semaphore_mem>>)
    %dma_start3A_222 = arith.constant 22 : i32
    %dma_start3A_223 = arith.constant 2816 : i32
    %dma_start3A_224 = arith.constant 0 : i32
    %dma_start3A_225 = tpu.memref_slice %arg6[%dma_start3A_223, %dma_start3A_224] : memref<3584x16xf32, #tpu.memory_space<vmem>> -> memref<128x16xf32, #tpu.memory_space<vmem>>
    %dma_start3A_226 = arith.constant 0 : i32
    %dma_start3A_227 = tpu.memref_slice %arg5[%dma_start3A_222, %dma_start3A_226] : memref<28x128xi32, #tpu.memory_space<vmem>> -> memref<1x128xi32, #tpu.memory_space<vmem>>
    %dma_start3A_228 = tpu.memref_squeeze %dma_start3A_227 : memref<1x128xi32, #tpu.memory_space<vmem>> -> memref<128xi32, #tpu.memory_space<vmem>>
    %dma_start3A_229 = arith.constant 0 : i32
    %dma_start3A_230 = arith.constant 0 : i32
    %dma_start3A_231 = tpu.memref_slice %arg2[%dma_start3A_229, %dma_start3A_230] : memref<229376x16xf32, #tpu.memory_space<hbm>> -> memref<229376x16xf32, #tpu.memory_space<hbm>>
    tpu.enqueue_indirect_dma source(%dma_start3A_231 : memref<229376x16xf32, #tpu.memory_space<hbm>>) target(%dma_start3A_225 : memref<128x16xf32, #tpu.memory_space<vmem>>) offsets(%dma_start3A_228 : memref<128xi32, #tpu.memory_space<vmem>>) semaphore(%arg7 : memref<!tpu.dma_semaphore, #tpu.memory_space<semaphore_mem>>)
    %dma_start3A_232 = arith.constant 23 : i32
    %dma_start3A_233 = arith.constant 2944 : i32
    %dma_start3A_234 = arith.constant 0 : i32
    %dma_start3A_235 = tpu.memref_slice %arg6[%dma_start3A_233, %dma_start3A_234] : memref<3584x16xf32, #tpu.memory_space<vmem>> -> memref<128x16xf32, #tpu.memory_space<vmem>>
    %dma_start3A_236 = arith.constant 0 : i32
    %dma_start3A_237 = tpu.memref_slice %arg5[%dma_start3A_232, %dma_start3A_236] : memref<28x128xi32, #tpu.memory_space<vmem>> -> memref<1x128xi32, #tpu.memory_space<vmem>>
    %dma_start3A_238 = tpu.memref_squeeze %dma_start3A_237 : memref<1x128xi32, #tpu.memory_space<vmem>> -> memref<128xi32, #tpu.memory_space<vmem>>
    %dma_start3A_239 = arith.constant 0 : i32
    %dma_start3A_240 = arith.constant 0 : i32
    %dma_start3A_241 = tpu.memref_slice %arg2[%dma_start3A_239, %dma_start3A_240] : memref<229376x16xf32, #tpu.memory_space<hbm>> -> memref<229376x16xf32, #tpu.memory_space<hbm>>
    tpu.enqueue_indirect_dma source(%dma_start3A_241 : memref<229376x16xf32, #tpu.memory_space<hbm>>) target(%dma_start3A_235 : memref<128x16xf32, #tpu.memory_space<vmem>>) offsets(%dma_start3A_238 : memref<128xi32, #tpu.memory_space<vmem>>) semaphore(%arg7 : memref<!tpu.dma_semaphore, #tpu.memory_space<semaphore_mem>>)
    %dma_start3A_242 = arith.constant 24 : i32
    %dma_start3A_243 = arith.constant 3072 : i32
    %dma_start3A_244 = arith.constant 0 : i32
    %dma_start3A_245 = tpu.memref_slice %arg6[%dma_start3A_243, %dma_start3A_244] : memref<3584x16xf32, #tpu.memory_space<vmem>> -> memref<128x16xf32, #tpu.memory_space<vmem>>
    %dma_start3A_246 = arith.constant 0 : i32
    %dma_start3A_247 = tpu.memref_slice %arg5[%dma_start3A_242, %dma_start3A_246] : memref<28x128xi32, #tpu.memory_space<vmem>> -> memref<1x128xi32, #tpu.memory_space<vmem>>
    %dma_start3A_248 = tpu.memref_squeeze %dma_start3A_247 : memref<1x128xi32, #tpu.memory_space<vmem>> -> memref<128xi32, #tpu.memory_space<vmem>>
    %dma_start3A_249 = arith.constant 0 : i32
    %dma_start3A_250 = arith.constant 0 : i32
    %dma_start3A_251 = tpu.memref_slice %arg2[%dma_start3A_249, %dma_start3A_250] : memref<229376x16xf32, #tpu.memory_space<hbm>> -> memref<229376x16xf32, #tpu.memory_space<hbm>>
    tpu.enqueue_indirect_dma source(%dma_start3A_251 : memref<229376x16xf32, #tpu.memory_space<hbm>>) target(%dma_start3A_245 : memref<128x16xf32, #tpu.memory_space<vmem>>) offsets(%dma_start3A_248 : memref<128xi32, #tpu.memory_space<vmem>>) semaphore(%arg7 : memref<!tpu.dma_semaphore, #tpu.memory_space<semaphore_mem>>)
    %dma_start3A_252 = arith.constant 25 : i32
    %dma_start3A_253 = arith.constant 3200 : i32
    %dma_start3A_254 = arith.constant 0 : i32
    %dma_start3A_255 = tpu.memref_slice %arg6[%dma_start3A_253, %dma_start3A_254] : memref<3584x16xf32, #tpu.memory_space<vmem>> -> memref<128x16xf32, #tpu.memory_space<vmem>>
    %dma_start3A_256 = arith.constant 0 : i32
    %dma_start3A_257 = tpu.memref_slice %arg5[%dma_start3A_252, %dma_start3A_256] : memref<28x128xi32, #tpu.memory_space<vmem>> -> memref<1x128xi32, #tpu.memory_space<vmem>>
    %dma_start3A_258 = tpu.memref_squeeze %dma_start3A_257 : memref<1x128xi32, #tpu.memory_space<vmem>> -> memref<128xi32, #tpu.memory_space<vmem>>
    %dma_start3A_259 = arith.constant 0 : i32
    %dma_start3A_260 = arith.constant 0 : i32
    %dma_start3A_261 = tpu.memref_slice %arg2[%dma_start3A_259, %dma_start3A_260] : memref<229376x16xf32, #tpu.memory_space<hbm>> -> memref<229376x16xf32, #tpu.memory_space<hbm>>
    tpu.enqueue_indirect_dma source(%dma_start3A_261 : memref<229376x16xf32, #tpu.memory_space<hbm>>) target(%dma_start3A_255 : memref<128x16xf32, #tpu.memory_space<vmem>>) offsets(%dma_start3A_258 : memref<128xi32, #tpu.memory_space<vmem>>) semaphore(%arg7 : memref<!tpu.dma_semaphore, #tpu.memory_space<semaphore_mem>>)
    %dma_start3A_262 = arith.constant 26 : i32
    %dma_start3A_263 = arith.constant 3328 : i32
    %dma_start3A_264 = arith.constant 0 : i32
    %dma_start3A_265 = tpu.memref_slice %arg6[%dma_start3A_263, %dma_start3A_264] : memref<3584x16xf32, #tpu.memory_space<vmem>> -> memref<128x16xf32, #tpu.memory_space<vmem>>
    %dma_start3A_266 = arith.constant 0 : i32
    %dma_start3A_267 = tpu.memref_slice %arg5[%dma_start3A_262, %dma_start3A_266] : memref<28x128xi32, #tpu.memory_space<vmem>> -> memref<1x128xi32, #tpu.memory_space<vmem>>
    %dma_start3A_268 = tpu.memref_squeeze %dma_start3A_267 : memref<1x128xi32, #tpu.memory_space<vmem>> -> memref<128xi32, #tpu.memory_space<vmem>>
    %dma_start3A_269 = arith.constant 0 : i32
    %dma_start3A_270 = arith.constant 0 : i32
    %dma_start3A_271 = tpu.memref_slice %arg2[%dma_start3A_269, %dma_start3A_270] : memref<229376x16xf32, #tpu.memory_space<hbm>> -> memref<229376x16xf32, #tpu.memory_space<hbm>>
    tpu.enqueue_indirect_dma source(%dma_start3A_271 : memref<229376x16xf32, #tpu.memory_space<hbm>>) target(%dma_start3A_265 : memref<128x16xf32, #tpu.memory_space<vmem>>) offsets(%dma_start3A_268 : memref<128xi32, #tpu.memory_space<vmem>>) semaphore(%arg7 : memref<!tpu.dma_semaphore, #tpu.memory_space<semaphore_mem>>)
    %dma_start3A_272 = arith.constant 27 : i32
    %dma_start3A_273 = arith.constant 3456 : i32
    %dma_start3A_274 = arith.constant 0 : i32
    %dma_start3A_275 = tpu.memref_slice %arg6[%dma_start3A_273, %dma_start3A_274] : memref<3584x16xf32, #tpu.memory_space<vmem>> -> memref<128x16xf32, #tpu.memory_space<vmem>>
    %dma_start3A_276 = arith.constant 0 : i32
    %dma_start3A_277 = tpu.memref_slice %arg5[%dma_start3A_272, %dma_start3A_276] : memref<28x128xi32, #tpu.memory_space<vmem>> -> memref<1x128xi32, #tpu.memory_space<vmem>>
    %dma_start3A_278 = tpu.memref_squeeze %dma_start3A_277 : memref<1x128xi32, #tpu.memory_space<vmem>> -> memref<128xi32, #tpu.memory_space<vmem>>
    %dma_start3A_279 = arith.constant 0 : i32
    %dma_start3A_280 = arith.constant 0 : i32
    %dma_start3A_281 = tpu.memref_slice %arg2[%dma_start3A_279, %dma_start3A_280] : memref<229376x16xf32, #tpu.memory_space<hbm>> -> memref<229376x16xf32, #tpu.memory_space<hbm>>
    tpu.enqueue_indirect_dma source(%dma_start3A_281 : memref<229376x16xf32, #tpu.memory_space<hbm>>) target(%dma_start3A_275 : memref<128x16xf32, #tpu.memory_space<vmem>>) offsets(%dma_start3A_278 : memref<128xi32, #tpu.memory_space<vmem>>) semaphore(%arg7 : memref<!tpu.dma_semaphore, #tpu.memory_space<semaphore_mem>>)
    %dma_wait3A = arith.constant 0 : i32
    %dma_wait3A_282 = arith.constant 0 : i32
    %dma_wait3A_283 = arith.constant 0 : i32
    %dma_wait3A_284 = tpu.memref_slice %arg6[%dma_wait3A_282, %dma_wait3A_283] : memref<3584x16xf32, #tpu.memory_space<vmem>> -> memref<128x16xf32, #tpu.memory_space<vmem>>
    %dma_wait3A_285 = arith.constant 0 : i32
    %dma_wait3A_286 = tpu.memref_slice %arg5[%dma_wait3A, %dma_wait3A_285] : memref<28x128xi32, #tpu.memory_space<vmem>> -> memref<1x128xi32, #tpu.memory_space<vmem>>
    %dma_wait3A_287 = tpu.memref_squeeze %dma_wait3A_286 : memref<1x128xi32, #tpu.memory_space<vmem>> -> memref<128xi32, #tpu.memory_space<vmem>>
    %dma_wait3A_288 = arith.constant 0 : i32
    %dma_wait3A_289 = arith.constant 0 : i32
    %dma_wait3A_290 = tpu.memref_slice %arg2[%dma_wait3A_288, %dma_wait3A_289] : memref<229376x16xf32, #tpu.memory_space<hbm>> -> memref<229376x16xf32, #tpu.memory_space<hbm>>
    tpu.wait_indirect_dma semaphore(%arg7 : memref<!tpu.dma_semaphore, #tpu.memory_space<semaphore_mem>>) src(%dma_wait3A_290 : memref<229376x16xf32, #tpu.memory_space<hbm>>) dst(%dma_wait3A_284 : memref<128x16xf32, #tpu.memory_space<vmem>>)
    %dma_wait3A_291 = arith.constant 1 : i32
    %dma_wait3A_292 = arith.constant 128 : i32
    %dma_wait3A_293 = arith.constant 0 : i32
    %dma_wait3A_294 = tpu.memref_slice %arg6[%dma_wait3A_292, %dma_wait3A_293] : memref<3584x16xf32, #tpu.memory_space<vmem>> -> memref<128x16xf32, #tpu.memory_space<vmem>>
    %dma_wait3A_295 = arith.constant 0 : i32
    %dma_wait3A_296 = tpu.memref_slice %arg5[%dma_wait3A_291, %dma_wait3A_295] : memref<28x128xi32, #tpu.memory_space<vmem>> -> memref<1x128xi32, #tpu.memory_space<vmem>>
    %dma_wait3A_297 = tpu.memref_squeeze %dma_wait3A_296 : memref<1x128xi32, #tpu.memory_space<vmem>> -> memref<128xi32, #tpu.memory_space<vmem>>
    %dma_wait3A_298 = arith.constant 0 : i32
    %dma_wait3A_299 = arith.constant 0 : i32
    %dma_wait3A_300 = tpu.memref_slice %arg2[%dma_wait3A_298, %dma_wait3A_299] : memref<229376x16xf32, #tpu.memory_space<hbm>> -> memref<229376x16xf32, #tpu.memory_space<hbm>>
    tpu.wait_indirect_dma semaphore(%arg7 : memref<!tpu.dma_semaphore, #tpu.memory_space<semaphore_mem>>) src(%dma_wait3A_300 : memref<229376x16xf32, #tpu.memory_space<hbm>>) dst(%dma_wait3A_294 : memref<128x16xf32, #tpu.memory_space<vmem>>)
    %dma_wait3A_301 = arith.constant 2 : i32
    %dma_wait3A_302 = arith.constant 256 : i32
    %dma_wait3A_303 = arith.constant 0 : i32
    %dma_wait3A_304 = tpu.memref_slice %arg6[%dma_wait3A_302, %dma_wait3A_303] : memref<3584x16xf32, #tpu.memory_space<vmem>> -> memref<128x16xf32, #tpu.memory_space<vmem>>
    %dma_wait3A_305 = arith.constant 0 : i32
    %dma_wait3A_306 = tpu.memref_slice %arg5[%dma_wait3A_301, %dma_wait3A_305] : memref<28x128xi32, #tpu.memory_space<vmem>> -> memref<1x128xi32, #tpu.memory_space<vmem>>
    %dma_wait3A_307 = tpu.memref_squeeze %dma_wait3A_306 : memref<1x128xi32, #tpu.memory_space<vmem>> -> memref<128xi32, #tpu.memory_space<vmem>>
    %dma_wait3A_308 = arith.constant 0 : i32
    %dma_wait3A_309 = arith.constant 0 : i32
    %dma_wait3A_310 = tpu.memref_slice %arg2[%dma_wait3A_308, %dma_wait3A_309] : memref<229376x16xf32, #tpu.memory_space<hbm>> -> memref<229376x16xf32, #tpu.memory_space<hbm>>
    tpu.wait_indirect_dma semaphore(%arg7 : memref<!tpu.dma_semaphore, #tpu.memory_space<semaphore_mem>>) src(%dma_wait3A_310 : memref<229376x16xf32, #tpu.memory_space<hbm>>) dst(%dma_wait3A_304 : memref<128x16xf32, #tpu.memory_space<vmem>>)
    %dma_wait3A_311 = arith.constant 3 : i32
    %dma_wait3A_312 = arith.constant 384 : i32
    %dma_wait3A_313 = arith.constant 0 : i32
    %dma_wait3A_314 = tpu.memref_slice %arg6[%dma_wait3A_312, %dma_wait3A_313] : memref<3584x16xf32, #tpu.memory_space<vmem>> -> memref<128x16xf32, #tpu.memory_space<vmem>>
    %dma_wait3A_315 = arith.constant 0 : i32
    %dma_wait3A_316 = tpu.memref_slice %arg5[%dma_wait3A_311, %dma_wait3A_315] : memref<28x128xi32, #tpu.memory_space<vmem>> -> memref<1x128xi32, #tpu.memory_space<vmem>>
    %dma_wait3A_317 = tpu.memref_squeeze %dma_wait3A_316 : memref<1x128xi32, #tpu.memory_space<vmem>> -> memref<128xi32, #tpu.memory_space<vmem>>
    %dma_wait3A_318 = arith.constant 0 : i32
    %dma_wait3A_319 = arith.constant 0 : i32
    %dma_wait3A_320 = tpu.memref_slice %arg2[%dma_wait3A_318, %dma_wait3A_319] : memref<229376x16xf32, #tpu.memory_space<hbm>> -> memref<229376x16xf32, #tpu.memory_space<hbm>>
    tpu.wait_indirect_dma semaphore(%arg7 : memref<!tpu.dma_semaphore, #tpu.memory_space<semaphore_mem>>) src(%dma_wait3A_320 : memref<229376x16xf32, #tpu.memory_space<hbm>>) dst(%dma_wait3A_314 : memref<128x16xf32, #tpu.memory_space<vmem>>)
    %dma_wait3A_321 = arith.constant 4 : i32
    %dma_wait3A_322 = arith.constant 512 : i32
    %dma_wait3A_323 = arith.constant 0 : i32
    %dma_wait3A_324 = tpu.memref_slice %arg6[%dma_wait3A_322, %dma_wait3A_323] : memref<3584x16xf32, #tpu.memory_space<vmem>> -> memref<128x16xf32, #tpu.memory_space<vmem>>
    %dma_wait3A_325 = arith.constant 0 : i32
    %dma_wait3A_326 = tpu.memref_slice %arg5[%dma_wait3A_321, %dma_wait3A_325] : memref<28x128xi32, #tpu.memory_space<vmem>> -> memref<1x128xi32, #tpu.memory_space<vmem>>
    %dma_wait3A_327 = tpu.memref_squeeze %dma_wait3A_326 : memref<1x128xi32, #tpu.memory_space<vmem>> -> memref<128xi32, #tpu.memory_space<vmem>>
    %dma_wait3A_328 = arith.constant 0 : i32
    %dma_wait3A_329 = arith.constant 0 : i32
    %dma_wait3A_330 = tpu.memref_slice %arg2[%dma_wait3A_328, %dma_wait3A_329] : memref<229376x16xf32, #tpu.memory_space<hbm>> -> memref<229376x16xf32, #tpu.memory_space<hbm>>
    tpu.wait_indirect_dma semaphore(%arg7 : memref<!tpu.dma_semaphore, #tpu.memory_space<semaphore_mem>>) src(%dma_wait3A_330 : memref<229376x16xf32, #tpu.memory_space<hbm>>) dst(%dma_wait3A_324 : memref<128x16xf32, #tpu.memory_space<vmem>>)
    %dma_wait3A_331 = arith.constant 5 : i32
    %dma_wait3A_332 = arith.constant 640 : i32
    %dma_wait3A_333 = arith.constant 0 : i32
    %dma_wait3A_334 = tpu.memref_slice %arg6[%dma_wait3A_332, %dma_wait3A_333] : memref<3584x16xf32, #tpu.memory_space<vmem>> -> memref<128x16xf32, #tpu.memory_space<vmem>>
    %dma_wait3A_335 = arith.constant 0 : i32
    %dma_wait3A_336 = tpu.memref_slice %arg5[%dma_wait3A_331, %dma_wait3A_335] : memref<28x128xi32, #tpu.memory_space<vmem>> -> memref<1x128xi32, #tpu.memory_space<vmem>>
    %dma_wait3A_337 = tpu.memref_squeeze %dma_wait3A_336 : memref<1x128xi32, #tpu.memory_space<vmem>> -> memref<128xi32, #tpu.memory_space<vmem>>
    %dma_wait3A_338 = arith.constant 0 : i32
    %dma_wait3A_339 = arith.constant 0 : i32
    %dma_wait3A_340 = tpu.memref_slice %arg2[%dma_wait3A_338, %dma_wait3A_339] : memref<229376x16xf32, #tpu.memory_space<hbm>> -> memref<229376x16xf32, #tpu.memory_space<hbm>>
    tpu.wait_indirect_dma semaphore(%arg7 : memref<!tpu.dma_semaphore, #tpu.memory_space<semaphore_mem>>) src(%dma_wait3A_340 : memref<229376x16xf32, #tpu.memory_space<hbm>>) dst(%dma_wait3A_334 : memref<128x16xf32, #tpu.memory_space<vmem>>)
    %dma_wait3A_341 = arith.constant 6 : i32
    %dma_wait3A_342 = arith.constant 768 : i32
    %dma_wait3A_343 = arith.constant 0 : i32
    %dma_wait3A_344 = tpu.memref_slice %arg6[%dma_wait3A_342, %dma_wait3A_343] : memref<3584x16xf32, #tpu.memory_space<vmem>> -> memref<128x16xf32, #tpu.memory_space<vmem>>
    %dma_wait3A_345 = arith.constant 0 : i32
    %dma_wait3A_346 = tpu.memref_slice %arg5[%dma_wait3A_341, %dma_wait3A_345] : memref<28x128xi32, #tpu.memory_space<vmem>> -> memref<1x128xi32, #tpu.memory_space<vmem>>
    %dma_wait3A_347 = tpu.memref_squeeze %dma_wait3A_346 : memref<1x128xi32, #tpu.memory_space<vmem>> -> memref<128xi32, #tpu.memory_space<vmem>>
    %dma_wait3A_348 = arith.constant 0 : i32
    %dma_wait3A_349 = arith.constant 0 : i32
    %dma_wait3A_350 = tpu.memref_slice %arg2[%dma_wait3A_348, %dma_wait3A_349] : memref<229376x16xf32, #tpu.memory_space<hbm>> -> memref<229376x16xf32, #tpu.memory_space<hbm>>
    tpu.wait_indirect_dma semaphore(%arg7 : memref<!tpu.dma_semaphore, #tpu.memory_space<semaphore_mem>>) src(%dma_wait3A_350 : memref<229376x16xf32, #tpu.memory_space<hbm>>) dst(%dma_wait3A_344 : memref<128x16xf32, #tpu.memory_space<vmem>>)
    %dma_wait3A_351 = arith.constant 7 : i32
    %dma_wait3A_352 = arith.constant 896 : i32
    %dma_wait3A_353 = arith.constant 0 : i32
    %dma_wait3A_354 = tpu.memref_slice %arg6[%dma_wait3A_352, %dma_wait3A_353] : memref<3584x16xf32, #tpu.memory_space<vmem>> -> memref<128x16xf32, #tpu.memory_space<vmem>>
    %dma_wait3A_355 = arith.constant 0 : i32
    %dma_wait3A_356 = tpu.memref_slice %arg5[%dma_wait3A_351, %dma_wait3A_355] : memref<28x128xi32, #tpu.memory_space<vmem>> -> memref<1x128xi32, #tpu.memory_space<vmem>>
    %dma_wait3A_357 = tpu.memref_squeeze %dma_wait3A_356 : memref<1x128xi32, #tpu.memory_space<vmem>> -> memref<128xi32, #tpu.memory_space<vmem>>
    %dma_wait3A_358 = arith.constant 0 : i32
    %dma_wait3A_359 = arith.constant 0 : i32
    %dma_wait3A_360 = tpu.memref_slice %arg2[%dma_wait3A_358, %dma_wait3A_359] : memref<229376x16xf32, #tpu.memory_space<hbm>> -> memref<229376x16xf32, #tpu.memory_space<hbm>>
    tpu.wait_indirect_dma semaphore(%arg7 : memref<!tpu.dma_semaphore, #tpu.memory_space<semaphore_mem>>) src(%dma_wait3A_360 : memref<229376x16xf32, #tpu.memory_space<hbm>>) dst(%dma_wait3A_354 : memref<128x16xf32, #tpu.memory_space<vmem>>)
    %dma_wait3A_361 = arith.constant 8 : i32
    %dma_wait3A_362 = arith.constant 1024 : i32
    %dma_wait3A_363 = arith.constant 0 : i32
    %dma_wait3A_364 = tpu.memref_slice %arg6[%dma_wait3A_362, %dma_wait3A_363] : memref<3584x16xf32, #tpu.memory_space<vmem>> -> memref<128x16xf32, #tpu.memory_space<vmem>>
    %dma_wait3A_365 = arith.constant 0 : i32
    %dma_wait3A_366 = tpu.memref_slice %arg5[%dma_wait3A_361, %dma_wait3A_365] : memref<28x128xi32, #tpu.memory_space<vmem>> -> memref<1x128xi32, #tpu.memory_space<vmem>>
    %dma_wait3A_367 = tpu.memref_squeeze %dma_wait3A_366 : memref<1x128xi32, #tpu.memory_space<vmem>> -> memref<128xi32, #tpu.memory_space<vmem>>
    %dma_wait3A_368 = arith.constant 0 : i32
    %dma_wait3A_369 = arith.constant 0 : i32
    %dma_wait3A_370 = tpu.memref_slice %arg2[%dma_wait3A_368, %dma_wait3A_369] : memref<229376x16xf32, #tpu.memory_space<hbm>> -> memref<229376x16xf32, #tpu.memory_space<hbm>>
    tpu.wait_indirect_dma semaphore(%arg7 : memref<!tpu.dma_semaphore, #tpu.memory_space<semaphore_mem>>) src(%dma_wait3A_370 : memref<229376x16xf32, #tpu.memory_space<hbm>>) dst(%dma_wait3A_364 : memref<128x16xf32, #tpu.memory_space<vmem>>)
    %dma_wait3A_371 = arith.constant 9 : i32
    %dma_wait3A_372 = arith.constant 1152 : i32
    %dma_wait3A_373 = arith.constant 0 : i32
    %dma_wait3A_374 = tpu.memref_slice %arg6[%dma_wait3A_372, %dma_wait3A_373] : memref<3584x16xf32, #tpu.memory_space<vmem>> -> memref<128x16xf32, #tpu.memory_space<vmem>>
    %dma_wait3A_375 = arith.constant 0 : i32
    %dma_wait3A_376 = tpu.memref_slice %arg5[%dma_wait3A_371, %dma_wait3A_375] : memref<28x128xi32, #tpu.memory_space<vmem>> -> memref<1x128xi32, #tpu.memory_space<vmem>>
    %dma_wait3A_377 = tpu.memref_squeeze %dma_wait3A_376 : memref<1x128xi32, #tpu.memory_space<vmem>> -> memref<128xi32, #tpu.memory_space<vmem>>
    %dma_wait3A_378 = arith.constant 0 : i32
    %dma_wait3A_379 = arith.constant 0 : i32
    %dma_wait3A_380 = tpu.memref_slice %arg2[%dma_wait3A_378, %dma_wait3A_379] : memref<229376x16xf32, #tpu.memory_space<hbm>> -> memref<229376x16xf32, #tpu.memory_space<hbm>>
    tpu.wait_indirect_dma semaphore(%arg7 : memref<!tpu.dma_semaphore, #tpu.memory_space<semaphore_mem>>) src(%dma_wait3A_380 : memref<229376x16xf32, #tpu.memory_space<hbm>>) dst(%dma_wait3A_374 : memref<128x16xf32, #tpu.memory_space<vmem>>)
    %dma_wait3A_381 = arith.constant 10 : i32
    %dma_wait3A_382 = arith.constant 1280 : i32
    %dma_wait3A_383 = arith.constant 0 : i32
    %dma_wait3A_384 = tpu.memref_slice %arg6[%dma_wait3A_382, %dma_wait3A_383] : memref<3584x16xf32, #tpu.memory_space<vmem>> -> memref<128x16xf32, #tpu.memory_space<vmem>>
    %dma_wait3A_385 = arith.constant 0 : i32
    %dma_wait3A_386 = tpu.memref_slice %arg5[%dma_wait3A_381, %dma_wait3A_385] : memref<28x128xi32, #tpu.memory_space<vmem>> -> memref<1x128xi32, #tpu.memory_space<vmem>>
    %dma_wait3A_387 = tpu.memref_squeeze %dma_wait3A_386 : memref<1x128xi32, #tpu.memory_space<vmem>> -> memref<128xi32, #tpu.memory_space<vmem>>
    %dma_wait3A_388 = arith.constant 0 : i32
    %dma_wait3A_389 = arith.constant 0 : i32
    %dma_wait3A_390 = tpu.memref_slice %arg2[%dma_wait3A_388, %dma_wait3A_389] : memref<229376x16xf32, #tpu.memory_space<hbm>> -> memref<229376x16xf32, #tpu.memory_space<hbm>>
    tpu.wait_indirect_dma semaphore(%arg7 : memref<!tpu.dma_semaphore, #tpu.memory_space<semaphore_mem>>) src(%dma_wait3A_390 : memref<229376x16xf32, #tpu.memory_space<hbm>>) dst(%dma_wait3A_384 : memref<128x16xf32, #tpu.memory_space<vmem>>)
    %dma_wait3A_391 = arith.constant 11 : i32
    %dma_wait3A_392 = arith.constant 1408 : i32
    %dma_wait3A_393 = arith.constant 0 : i32
    %dma_wait3A_394 = tpu.memref_slice %arg6[%dma_wait3A_392, %dma_wait3A_393] : memref<3584x16xf32, #tpu.memory_space<vmem>> -> memref<128x16xf32, #tpu.memory_space<vmem>>
    %dma_wait3A_395 = arith.constant 0 : i32
    %dma_wait3A_396 = tpu.memref_slice %arg5[%dma_wait3A_391, %dma_wait3A_395] : memref<28x128xi32, #tpu.memory_space<vmem>> -> memref<1x128xi32, #tpu.memory_space<vmem>>
    %dma_wait3A_397 = tpu.memref_squeeze %dma_wait3A_396 : memref<1x128xi32, #tpu.memory_space<vmem>> -> memref<128xi32, #tpu.memory_space<vmem>>
    %dma_wait3A_398 = arith.constant 0 : i32
    %dma_wait3A_399 = arith.constant 0 : i32
    %dma_wait3A_400 = tpu.memref_slice %arg2[%dma_wait3A_398, %dma_wait3A_399] : memref<229376x16xf32, #tpu.memory_space<hbm>> -> memref<229376x16xf32, #tpu.memory_space<hbm>>
    tpu.wait_indirect_dma semaphore(%arg7 : memref<!tpu.dma_semaphore, #tpu.memory_space<semaphore_mem>>) src(%dma_wait3A_400 : memref<229376x16xf32, #tpu.memory_space<hbm>>) dst(%dma_wait3A_394 : memref<128x16xf32, #tpu.memory_space<vmem>>)
    %dma_wait3A_401 = arith.constant 12 : i32
    %dma_wait3A_402 = arith.constant 1536 : i32
    %dma_wait3A_403 = arith.constant 0 : i32
    %dma_wait3A_404 = tpu.memref_slice %arg6[%dma_wait3A_402, %dma_wait3A_403] : memref<3584x16xf32, #tpu.memory_space<vmem>> -> memref<128x16xf32, #tpu.memory_space<vmem>>
    %dma_wait3A_405 = arith.constant 0 : i32
    %dma_wait3A_406 = tpu.memref_slice %arg5[%dma_wait3A_401, %dma_wait3A_405] : memref<28x128xi32, #tpu.memory_space<vmem>> -> memref<1x128xi32, #tpu.memory_space<vmem>>
    %dma_wait3A_407 = tpu.memref_squeeze %dma_wait3A_406 : memref<1x128xi32, #tpu.memory_space<vmem>> -> memref<128xi32, #tpu.memory_space<vmem>>
    %dma_wait3A_408 = arith.constant 0 : i32
    %dma_wait3A_409 = arith.constant 0 : i32
    %dma_wait3A_410 = tpu.memref_slice %arg2[%dma_wait3A_408, %dma_wait3A_409] : memref<229376x16xf32, #tpu.memory_space<hbm>> -> memref<229376x16xf32, #tpu.memory_space<hbm>>
    tpu.wait_indirect_dma semaphore(%arg7 : memref<!tpu.dma_semaphore, #tpu.memory_space<semaphore_mem>>) src(%dma_wait3A_410 : memref<229376x16xf32, #tpu.memory_space<hbm>>) dst(%dma_wait3A_404 : memref<128x16xf32, #tpu.memory_space<vmem>>)
    %dma_wait3A_411 = arith.constant 13 : i32
    %dma_wait3A_412 = arith.constant 1664 : i32
    %dma_wait3A_413 = arith.constant 0 : i32
    %dma_wait3A_414 = tpu.memref_slice %arg6[%dma_wait3A_412, %dma_wait3A_413] : memref<3584x16xf32, #tpu.memory_space<vmem>> -> memref<128x16xf32, #tpu.memory_space<vmem>>
    %dma_wait3A_415 = arith.constant 0 : i32
    %dma_wait3A_416 = tpu.memref_slice %arg5[%dma_wait3A_411, %dma_wait3A_415] : memref<28x128xi32, #tpu.memory_space<vmem>> -> memref<1x128xi32, #tpu.memory_space<vmem>>
    %dma_wait3A_417 = tpu.memref_squeeze %dma_wait3A_416 : memref<1x128xi32, #tpu.memory_space<vmem>> -> memref<128xi32, #tpu.memory_space<vmem>>
    %dma_wait3A_418 = arith.constant 0 : i32
    %dma_wait3A_419 = arith.constant 0 : i32
    %dma_wait3A_420 = tpu.memref_slice %arg2[%dma_wait3A_418, %dma_wait3A_419] : memref<229376x16xf32, #tpu.memory_space<hbm>> -> memref<229376x16xf32, #tpu.memory_space<hbm>>
    tpu.wait_indirect_dma semaphore(%arg7 : memref<!tpu.dma_semaphore, #tpu.memory_space<semaphore_mem>>) src(%dma_wait3A_420 : memref<229376x16xf32, #tpu.memory_space<hbm>>) dst(%dma_wait3A_414 : memref<128x16xf32, #tpu.memory_space<vmem>>)
    %dma_wait3A_421 = arith.constant 14 : i32
    %dma_wait3A_422 = arith.constant 1792 : i32
    %dma_wait3A_423 = arith.constant 0 : i32
    %dma_wait3A_424 = tpu.memref_slice %arg6[%dma_wait3A_422, %dma_wait3A_423] : memref<3584x16xf32, #tpu.memory_space<vmem>> -> memref<128x16xf32, #tpu.memory_space<vmem>>
    %dma_wait3A_425 = arith.constant 0 : i32
    %dma_wait3A_426 = tpu.memref_slice %arg5[%dma_wait3A_421, %dma_wait3A_425] : memref<28x128xi32, #tpu.memory_space<vmem>> -> memref<1x128xi32, #tpu.memory_space<vmem>>
    %dma_wait3A_427 = tpu.memref_squeeze %dma_wait3A_426 : memref<1x128xi32, #tpu.memory_space<vmem>> -> memref<128xi32, #tpu.memory_space<vmem>>
    %dma_wait3A_428 = arith.constant 0 : i32
    %dma_wait3A_429 = arith.constant 0 : i32
    %dma_wait3A_430 = tpu.memref_slice %arg2[%dma_wait3A_428, %dma_wait3A_429] : memref<229376x16xf32, #tpu.memory_space<hbm>> -> memref<229376x16xf32, #tpu.memory_space<hbm>>
    tpu.wait_indirect_dma semaphore(%arg7 : memref<!tpu.dma_semaphore, #tpu.memory_space<semaphore_mem>>) src(%dma_wait3A_430 : memref<229376x16xf32, #tpu.memory_space<hbm>>) dst(%dma_wait3A_424 : memref<128x16xf32, #tpu.memory_space<vmem>>)
    %dma_wait3A_431 = arith.constant 15 : i32
    %dma_wait3A_432 = arith.constant 1920 : i32
    %dma_wait3A_433 = arith.constant 0 : i32
    %dma_wait3A_434 = tpu.memref_slice %arg6[%dma_wait3A_432, %dma_wait3A_433] : memref<3584x16xf32, #tpu.memory_space<vmem>> -> memref<128x16xf32, #tpu.memory_space<vmem>>
    %dma_wait3A_435 = arith.constant 0 : i32
    %dma_wait3A_436 = tpu.memref_slice %arg5[%dma_wait3A_431, %dma_wait3A_435] : memref<28x128xi32, #tpu.memory_space<vmem>> -> memref<1x128xi32, #tpu.memory_space<vmem>>
    %dma_wait3A_437 = tpu.memref_squeeze %dma_wait3A_436 : memref<1x128xi32, #tpu.memory_space<vmem>> -> memref<128xi32, #tpu.memory_space<vmem>>
    %dma_wait3A_438 = arith.constant 0 : i32
    %dma_wait3A_439 = arith.constant 0 : i32
    %dma_wait3A_440 = tpu.memref_slice %arg2[%dma_wait3A_438, %dma_wait3A_439] : memref<229376x16xf32, #tpu.memory_space<hbm>> -> memref<229376x16xf32, #tpu.memory_space<hbm>>
    tpu.wait_indirect_dma semaphore(%arg7 : memref<!tpu.dma_semaphore, #tpu.memory_space<semaphore_mem>>) src(%dma_wait3A_440 : memref<229376x16xf32, #tpu.memory_space<hbm>>) dst(%dma_wait3A_434 : memref<128x16xf32, #tpu.memory_space<vmem>>)
    %dma_wait3A_441 = arith.constant 16 : i32
    %dma_wait3A_442 = arith.constant 2048 : i32
    %dma_wait3A_443 = arith.constant 0 : i32
    %dma_wait3A_444 = tpu.memref_slice %arg6[%dma_wait3A_442, %dma_wait3A_443] : memref<3584x16xf32, #tpu.memory_space<vmem>> -> memref<128x16xf32, #tpu.memory_space<vmem>>
    %dma_wait3A_445 = arith.constant 0 : i32
    %dma_wait3A_446 = tpu.memref_slice %arg5[%dma_wait3A_441, %dma_wait3A_445] : memref<28x128xi32, #tpu.memory_space<vmem>> -> memref<1x128xi32, #tpu.memory_space<vmem>>
    %dma_wait3A_447 = tpu.memref_squeeze %dma_wait3A_446 : memref<1x128xi32, #tpu.memory_space<vmem>> -> memref<128xi32, #tpu.memory_space<vmem>>
    %dma_wait3A_448 = arith.constant 0 : i32
    %dma_wait3A_449 = arith.constant 0 : i32
    %dma_wait3A_450 = tpu.memref_slice %arg2[%dma_wait3A_448, %dma_wait3A_449] : memref<229376x16xf32, #tpu.memory_space<hbm>> -> memref<229376x16xf32, #tpu.memory_space<hbm>>
    tpu.wait_indirect_dma semaphore(%arg7 : memref<!tpu.dma_semaphore, #tpu.memory_space<semaphore_mem>>) src(%dma_wait3A_450 : memref<229376x16xf32, #tpu.memory_space<hbm>>) dst(%dma_wait3A_444 : memref<128x16xf32, #tpu.memory_space<vmem>>)
    %dma_wait3A_451 = arith.constant 17 : i32
    %dma_wait3A_452 = arith.constant 2176 : i32
    %dma_wait3A_453 = arith.constant 0 : i32
    %dma_wait3A_454 = tpu.memref_slice %arg6[%dma_wait3A_452, %dma_wait3A_453] : memref<3584x16xf32, #tpu.memory_space<vmem>> -> memref<128x16xf32, #tpu.memory_space<vmem>>
    %dma_wait3A_455 = arith.constant 0 : i32
    %dma_wait3A_456 = tpu.memref_slice %arg5[%dma_wait3A_451, %dma_wait3A_455] : memref<28x128xi32, #tpu.memory_space<vmem>> -> memref<1x128xi32, #tpu.memory_space<vmem>>
    %dma_wait3A_457 = tpu.memref_squeeze %dma_wait3A_456 : memref<1x128xi32, #tpu.memory_space<vmem>> -> memref<128xi32, #tpu.memory_space<vmem>>
    %dma_wait3A_458 = arith.constant 0 : i32
    %dma_wait3A_459 = arith.constant 0 : i32
    %dma_wait3A_460 = tpu.memref_slice %arg2[%dma_wait3A_458, %dma_wait3A_459] : memref<229376x16xf32, #tpu.memory_space<hbm>> -> memref<229376x16xf32, #tpu.memory_space<hbm>>
    tpu.wait_indirect_dma semaphore(%arg7 : memref<!tpu.dma_semaphore, #tpu.memory_space<semaphore_mem>>) src(%dma_wait3A_460 : memref<229376x16xf32, #tpu.memory_space<hbm>>) dst(%dma_wait3A_454 : memref<128x16xf32, #tpu.memory_space<vmem>>)
    %dma_wait3A_461 = arith.constant 18 : i32
    %dma_wait3A_462 = arith.constant 2304 : i32
    %dma_wait3A_463 = arith.constant 0 : i32
    %dma_wait3A_464 = tpu.memref_slice %arg6[%dma_wait3A_462, %dma_wait3A_463] : memref<3584x16xf32, #tpu.memory_space<vmem>> -> memref<128x16xf32, #tpu.memory_space<vmem>>
    %dma_wait3A_465 = arith.constant 0 : i32
    %dma_wait3A_466 = tpu.memref_slice %arg5[%dma_wait3A_461, %dma_wait3A_465] : memref<28x128xi32, #tpu.memory_space<vmem>> -> memref<1x128xi32, #tpu.memory_space<vmem>>
    %dma_wait3A_467 = tpu.memref_squeeze %dma_wait3A_466 : memref<1x128xi32, #tpu.memory_space<vmem>> -> memref<128xi32, #tpu.memory_space<vmem>>
    %dma_wait3A_468 = arith.constant 0 : i32
    %dma_wait3A_469 = arith.constant 0 : i32
    %dma_wait3A_470 = tpu.memref_slice %arg2[%dma_wait3A_468, %dma_wait3A_469] : memref<229376x16xf32, #tpu.memory_space<hbm>> -> memref<229376x16xf32, #tpu.memory_space<hbm>>
    tpu.wait_indirect_dma semaphore(%arg7 : memref<!tpu.dma_semaphore, #tpu.memory_space<semaphore_mem>>) src(%dma_wait3A_470 : memref<229376x16xf32, #tpu.memory_space<hbm>>) dst(%dma_wait3A_464 : memref<128x16xf32, #tpu.memory_space<vmem>>)
    %dma_wait3A_471 = arith.constant 19 : i32
    %dma_wait3A_472 = arith.constant 2432 : i32
    %dma_wait3A_473 = arith.constant 0 : i32
    %dma_wait3A_474 = tpu.memref_slice %arg6[%dma_wait3A_472, %dma_wait3A_473] : memref<3584x16xf32, #tpu.memory_space<vmem>> -> memref<128x16xf32, #tpu.memory_space<vmem>>
    %dma_wait3A_475 = arith.constant 0 : i32
    %dma_wait3A_476 = tpu.memref_slice %arg5[%dma_wait3A_471, %dma_wait3A_475] : memref<28x128xi32, #tpu.memory_space<vmem>> -> memref<1x128xi32, #tpu.memory_space<vmem>>
    %dma_wait3A_477 = tpu.memref_squeeze %dma_wait3A_476 : memref<1x128xi32, #tpu.memory_space<vmem>> -> memref<128xi32, #tpu.memory_space<vmem>>
    %dma_wait3A_478 = arith.constant 0 : i32
    %dma_wait3A_479 = arith.constant 0 : i32
    %dma_wait3A_480 = tpu.memref_slice %arg2[%dma_wait3A_478, %dma_wait3A_479] : memref<229376x16xf32, #tpu.memory_space<hbm>> -> memref<229376x16xf32, #tpu.memory_space<hbm>>
    tpu.wait_indirect_dma semaphore(%arg7 : memref<!tpu.dma_semaphore, #tpu.memory_space<semaphore_mem>>) src(%dma_wait3A_480 : memref<229376x16xf32, #tpu.memory_space<hbm>>) dst(%dma_wait3A_474 : memref<128x16xf32, #tpu.memory_space<vmem>>)
    %dma_wait3A_481 = arith.constant 20 : i32
    %dma_wait3A_482 = arith.constant 2560 : i32
    %dma_wait3A_483 = arith.constant 0 : i32
    %dma_wait3A_484 = tpu.memref_slice %arg6[%dma_wait3A_482, %dma_wait3A_483] : memref<3584x16xf32, #tpu.memory_space<vmem>> -> memref<128x16xf32, #tpu.memory_space<vmem>>
    %dma_wait3A_485 = arith.constant 0 : i32
    %dma_wait3A_486 = tpu.memref_slice %arg5[%dma_wait3A_481, %dma_wait3A_485] : memref<28x128xi32, #tpu.memory_space<vmem>> -> memref<1x128xi32, #tpu.memory_space<vmem>>
    %dma_wait3A_487 = tpu.memref_squeeze %dma_wait3A_486 : memref<1x128xi32, #tpu.memory_space<vmem>> -> memref<128xi32, #tpu.memory_space<vmem>>
    %dma_wait3A_488 = arith.constant 0 : i32
    %dma_wait3A_489 = arith.constant 0 : i32
    %dma_wait3A_490 = tpu.memref_slice %arg2[%dma_wait3A_488, %dma_wait3A_489] : memref<229376x16xf32, #tpu.memory_space<hbm>> -> memref<229376x16xf32, #tpu.memory_space<hbm>>
    tpu.wait_indirect_dma semaphore(%arg7 : memref<!tpu.dma_semaphore, #tpu.memory_space<semaphore_mem>>) src(%dma_wait3A_490 : memref<229376x16xf32, #tpu.memory_space<hbm>>) dst(%dma_wait3A_484 : memref<128x16xf32, #tpu.memory_space<vmem>>)
    %dma_wait3A_491 = arith.constant 21 : i32
    %dma_wait3A_492 = arith.constant 2688 : i32
    %dma_wait3A_493 = arith.constant 0 : i32
    %dma_wait3A_494 = tpu.memref_slice %arg6[%dma_wait3A_492, %dma_wait3A_493] : memref<3584x16xf32, #tpu.memory_space<vmem>> -> memref<128x16xf32, #tpu.memory_space<vmem>>
    %dma_wait3A_495 = arith.constant 0 : i32
    %dma_wait3A_496 = tpu.memref_slice %arg5[%dma_wait3A_491, %dma_wait3A_495] : memref<28x128xi32, #tpu.memory_space<vmem>> -> memref<1x128xi32, #tpu.memory_space<vmem>>
    %dma_wait3A_497 = tpu.memref_squeeze %dma_wait3A_496 : memref<1x128xi32, #tpu.memory_space<vmem>> -> memref<128xi32, #tpu.memory_space<vmem>>
    %dma_wait3A_498 = arith.constant 0 : i32
    %dma_wait3A_499 = arith.constant 0 : i32
    %dma_wait3A_500 = tpu.memref_slice %arg2[%dma_wait3A_498, %dma_wait3A_499] : memref<229376x16xf32, #tpu.memory_space<hbm>> -> memref<229376x16xf32, #tpu.memory_space<hbm>>
    tpu.wait_indirect_dma semaphore(%arg7 : memref<!tpu.dma_semaphore, #tpu.memory_space<semaphore_mem>>) src(%dma_wait3A_500 : memref<229376x16xf32, #tpu.memory_space<hbm>>) dst(%dma_wait3A_494 : memref<128x16xf32, #tpu.memory_space<vmem>>)
    %dma_wait3A_501 = arith.constant 22 : i32
    %dma_wait3A_502 = arith.constant 2816 : i32
    %dma_wait3A_503 = arith.constant 0 : i32
    %dma_wait3A_504 = tpu.memref_slice %arg6[%dma_wait3A_502, %dma_wait3A_503] : memref<3584x16xf32, #tpu.memory_space<vmem>> -> memref<128x16xf32, #tpu.memory_space<vmem>>
    %dma_wait3A_505 = arith.constant 0 : i32
    %dma_wait3A_506 = tpu.memref_slice %arg5[%dma_wait3A_501, %dma_wait3A_505] : memref<28x128xi32, #tpu.memory_space<vmem>> -> memref<1x128xi32, #tpu.memory_space<vmem>>
    %dma_wait3A_507 = tpu.memref_squeeze %dma_wait3A_506 : memref<1x128xi32, #tpu.memory_space<vmem>> -> memref<128xi32, #tpu.memory_space<vmem>>
    %dma_wait3A_508 = arith.constant 0 : i32
    %dma_wait3A_509 = arith.constant 0 : i32
    %dma_wait3A_510 = tpu.memref_slice %arg2[%dma_wait3A_508, %dma_wait3A_509] : memref<229376x16xf32, #tpu.memory_space<hbm>> -> memref<229376x16xf32, #tpu.memory_space<hbm>>
    tpu.wait_indirect_dma semaphore(%arg7 : memref<!tpu.dma_semaphore, #tpu.memory_space<semaphore_mem>>) src(%dma_wait3A_510 : memref<229376x16xf32, #tpu.memory_space<hbm>>) dst(%dma_wait3A_504 : memref<128x16xf32, #tpu.memory_space<vmem>>)
    %dma_wait3A_511 = arith.constant 23 : i32
    %dma_wait3A_512 = arith.constant 2944 : i32
    %dma_wait3A_513 = arith.constant 0 : i32
    %dma_wait3A_514 = tpu.memref_slice %arg6[%dma_wait3A_512, %dma_wait3A_513] : memref<3584x16xf32, #tpu.memory_space<vmem>> -> memref<128x16xf32, #tpu.memory_space<vmem>>
    %dma_wait3A_515 = arith.constant 0 : i32
    %dma_wait3A_516 = tpu.memref_slice %arg5[%dma_wait3A_511, %dma_wait3A_515] : memref<28x128xi32, #tpu.memory_space<vmem>> -> memref<1x128xi32, #tpu.memory_space<vmem>>
    %dma_wait3A_517 = tpu.memref_squeeze %dma_wait3A_516 : memref<1x128xi32, #tpu.memory_space<vmem>> -> memref<128xi32, #tpu.memory_space<vmem>>
    %dma_wait3A_518 = arith.constant 0 : i32
    %dma_wait3A_519 = arith.constant 0 : i32
    %dma_wait3A_520 = tpu.memref_slice %arg2[%dma_wait3A_518, %dma_wait3A_519] : memref<229376x16xf32, #tpu.memory_space<hbm>> -> memref<229376x16xf32, #tpu.memory_space<hbm>>
    tpu.wait_indirect_dma semaphore(%arg7 : memref<!tpu.dma_semaphore, #tpu.memory_space<semaphore_mem>>) src(%dma_wait3A_520 : memref<229376x16xf32, #tpu.memory_space<hbm>>) dst(%dma_wait3A_514 : memref<128x16xf32, #tpu.memory_space<vmem>>)
    %dma_wait3A_521 = arith.constant 24 : i32
    %dma_wait3A_522 = arith.constant 3072 : i32
    %dma_wait3A_523 = arith.constant 0 : i32
    %dma_wait3A_524 = tpu.memref_slice %arg6[%dma_wait3A_522, %dma_wait3A_523] : memref<3584x16xf32, #tpu.memory_space<vmem>> -> memref<128x16xf32, #tpu.memory_space<vmem>>
    %dma_wait3A_525 = arith.constant 0 : i32
    %dma_wait3A_526 = tpu.memref_slice %arg5[%dma_wait3A_521, %dma_wait3A_525] : memref<28x128xi32, #tpu.memory_space<vmem>> -> memref<1x128xi32, #tpu.memory_space<vmem>>
    %dma_wait3A_527 = tpu.memref_squeeze %dma_wait3A_526 : memref<1x128xi32, #tpu.memory_space<vmem>> -> memref<128xi32, #tpu.memory_space<vmem>>
    %dma_wait3A_528 = arith.constant 0 : i32
    %dma_wait3A_529 = arith.constant 0 : i32
    %dma_wait3A_530 = tpu.memref_slice %arg2[%dma_wait3A_528, %dma_wait3A_529] : memref<229376x16xf32, #tpu.memory_space<hbm>> -> memref<229376x16xf32, #tpu.memory_space<hbm>>
    tpu.wait_indirect_dma semaphore(%arg7 : memref<!tpu.dma_semaphore, #tpu.memory_space<semaphore_mem>>) src(%dma_wait3A_530 : memref<229376x16xf32, #tpu.memory_space<hbm>>) dst(%dma_wait3A_524 : memref<128x16xf32, #tpu.memory_space<vmem>>)
    %dma_wait3A_531 = arith.constant 25 : i32
    %dma_wait3A_532 = arith.constant 3200 : i32
    %dma_wait3A_533 = arith.constant 0 : i32
    %dma_wait3A_534 = tpu.memref_slice %arg6[%dma_wait3A_532, %dma_wait3A_533] : memref<3584x16xf32, #tpu.memory_space<vmem>> -> memref<128x16xf32, #tpu.memory_space<vmem>>
    %dma_wait3A_535 = arith.constant 0 : i32
    %dma_wait3A_536 = tpu.memref_slice %arg5[%dma_wait3A_531, %dma_wait3A_535] : memref<28x128xi32, #tpu.memory_space<vmem>> -> memref<1x128xi32, #tpu.memory_space<vmem>>
    %dma_wait3A_537 = tpu.memref_squeeze %dma_wait3A_536 : memref<1x128xi32, #tpu.memory_space<vmem>> -> memref<128xi32, #tpu.memory_space<vmem>>
    %dma_wait3A_538 = arith.constant 0 : i32
    %dma_wait3A_539 = arith.constant 0 : i32
    %dma_wait3A_540 = tpu.memref_slice %arg2[%dma_wait3A_538, %dma_wait3A_539] : memref<229376x16xf32, #tpu.memory_space<hbm>> -> memref<229376x16xf32, #tpu.memory_space<hbm>>
    tpu.wait_indirect_dma semaphore(%arg7 : memref<!tpu.dma_semaphore, #tpu.memory_space<semaphore_mem>>) src(%dma_wait3A_540 : memref<229376x16xf32, #tpu.memory_space<hbm>>) dst(%dma_wait3A_534 : memref<128x16xf32, #tpu.memory_space<vmem>>)
    %dma_wait3A_541 = arith.constant 26 : i32
    %dma_wait3A_542 = arith.constant 3328 : i32
    %dma_wait3A_543 = arith.constant 0 : i32
    %dma_wait3A_544 = tpu.memref_slice %arg6[%dma_wait3A_542, %dma_wait3A_543] : memref<3584x16xf32, #tpu.memory_space<vmem>> -> memref<128x16xf32, #tpu.memory_space<vmem>>
    %dma_wait3A_545 = arith.constant 0 : i32
    %dma_wait3A_546 = tpu.memref_slice %arg5[%dma_wait3A_541, %dma_wait3A_545] : memref<28x128xi32, #tpu.memory_space<vmem>> -> memref<1x128xi32, #tpu.memory_space<vmem>>
    %dma_wait3A_547 = tpu.memref_squeeze %dma_wait3A_546 : memref<1x128xi32, #tpu.memory_space<vmem>> -> memref<128xi32, #tpu.memory_space<vmem>>
    %dma_wait3A_548 = arith.constant 0 : i32
    %dma_wait3A_549 = arith.constant 0 : i32
    %dma_wait3A_550 = tpu.memref_slice %arg2[%dma_wait3A_548, %dma_wait3A_549] : memref<229376x16xf32, #tpu.memory_space<hbm>> -> memref<229376x16xf32, #tpu.memory_space<hbm>>
    tpu.wait_indirect_dma semaphore(%arg7 : memref<!tpu.dma_semaphore, #tpu.memory_space<semaphore_mem>>) src(%dma_wait3A_550 : memref<229376x16xf32, #tpu.memory_space<hbm>>) dst(%dma_wait3A_544 : memref<128x16xf32, #tpu.memory_space<vmem>>)
    %dma_wait3A_551 = arith.constant 27 : i32
    %dma_wait3A_552 = arith.constant 3456 : i32
    %dma_wait3A_553 = arith.constant 0 : i32
    %dma_wait3A_554 = tpu.memref_slice %arg6[%dma_wait3A_552, %dma_wait3A_553] : memref<3584x16xf32, #tpu.memory_space<vmem>> -> memref<128x16xf32, #tpu.memory_space<vmem>>
    %dma_wait3A_555 = arith.constant 0 : i32
    %dma_wait3A_556 = tpu.memref_slice %arg5[%dma_wait3A_551, %dma_wait3A_555] : memref<28x128xi32, #tpu.memory_space<vmem>> -> memref<1x128xi32, #tpu.memory_space<vmem>>
    %dma_wait3A_557 = tpu.memref_squeeze %dma_wait3A_556 : memref<1x128xi32, #tpu.memory_space<vmem>> -> memref<128xi32, #tpu.memory_space<vmem>>
    %dma_wait3A_558 = arith.constant 0 : i32
    %dma_wait3A_559 = arith.constant 0 : i32
    %dma_wait3A_560 = tpu.memref_slice %arg2[%dma_wait3A_558, %dma_wait3A_559] : memref<229376x16xf32, #tpu.memory_space<hbm>> -> memref<229376x16xf32, #tpu.memory_space<hbm>>
    tpu.wait_indirect_dma semaphore(%arg7 : memref<!tpu.dma_semaphore, #tpu.memory_space<semaphore_mem>>) src(%dma_wait3A_560 : memref<229376x16xf32, #tpu.memory_space<hbm>>) dst(%dma_wait3A_554 : memref<128x16xf32, #tpu.memory_space<vmem>>)
    %mul3A_561 = arith.constant 3584 : i32
    %mul3A_562 = arith.muli %add3A, %mul3A_561 : i32
    "tpu.region"() ({
      %run_scoped3A = tpu.sem_alloc : memref<!tpu.dma_semaphore, #tpu.memory_space<semaphore_mem>>
      %dma_start3A_563 = arith.constant 0 : i32
      %dma_start3A_564 = tpu.memref_slice %arg4[%mul3A_562, %dma_start3A_563] : memref<114688x16xf32, #tpu.memory_space<hbm>> -> memref<3584x16xf32, #tpu.memory_space<hbm>>
      %dma_start3A_565 = arith.constant 0 : i32
      %dma_start3A_566 = tpu.memref_slice %arg4[%mul3A_562, %dma_start3A_565] : memref<114688x16xf32, #tpu.memory_space<hbm>> -> memref<3584x16xf32, #tpu.memory_space<hbm>>
      tpu.enqueue_dma source(%arg6 : memref<3584x16xf32, #tpu.memory_space<vmem>>) target(%dma_start3A_566 : memref<3584x16xf32, #tpu.memory_space<hbm>>) target_semaphore(%run_scoped3A : memref<!tpu.dma_semaphore, #tpu.memory_space<semaphore_mem>>)
      %dma_wait3A_567 = arith.constant 0 : i32
      %dma_wait3A_568 = tpu.memref_slice %arg4[%mul3A_562, %dma_wait3A_567] : memref<114688x16xf32, #tpu.memory_space<hbm>> -> memref<3584x16xf32, #tpu.memory_space<hbm>>
      %dma_wait3A_569 = arith.constant 0 : i32
      %dma_wait3A_570 = tpu.memref_slice %arg4[%mul3A_562, %dma_wait3A_569] : memref<114688x16xf32, #tpu.memory_space<hbm>> -> memref<3584x16xf32, #tpu.memory_space<hbm>>
      tpu.wait_dma2 semaphore(%run_scoped3A : memref<!tpu.dma_semaphore, #tpu.memory_space<semaphore_mem>>) src(%arg6 : memref<3584x16xf32, #tpu.memory_space<vmem>>) dst(%dma_wait3A_570 : memref<3584x16xf32, #tpu.memory_space<hbm>>)
      tpu.yield
    }) : () -> ()
    return
  }
}

#map = affine_map<(d0, d1) -> (0, 0)>
module attributes {stable_mosaic.version = 14 : i64} {
  func.func @k(%arg0: i32, %arg1: i32, %arg2: memref<32768x16xf32, #tpu.memory_space<hbm>>, %arg3: memref<128x128xi32, #tpu.memory_space<hbm>>, %arg4: memref<16384x16xf32, #tpu.memory_space<hbm>>, %arg5: memref<4x128xi32, #tpu.memory_space<vmem>>, %arg6: memref<512x16xf32, #tpu.memory_space<vmem>>, %arg7: memref<!tpu.dma_semaphore, #tpu.memory_space<semaphore_mem>>) attributes {dimension_semantics = [#tpu.dimension_semantics<core_parallel>, #tpu.dimension_semantics<subcore_parallel>], iteration_bounds = array<i64: 2, 16>, scalar_prefetch = 0 : i64, scratch_operands = 3 : i64, tpu.core_type = #tpu.core_type<sc_vector_subcore>, window_params = [{transform_indices = #map}, {transform_indices = #map}, {transform_indices = #map}]} {
    %mul3A = arith.constant 2 : i32
    %mul3A_0 = arith.muli %arg1, %mul3A : i32
    %add3A = arith.addi %mul3A_0, %arg0 : i32
    %mul3A_1 = arith.constant 4 : i32
    %mul3A_2 = arith.muli %add3A, %mul3A_1 : i32
    "tpu.region"() ({
      %run_scoped3A = tpu.sem_alloc : memref<!tpu.dma_semaphore, #tpu.memory_space<semaphore_mem>>
      %dma_start3A_83 = arith.constant 0 : i32
      %dma_start3A_84 = tpu.memref_slice %arg3[%mul3A_2, %dma_start3A_83] : memref<128x128xi32, #tpu.memory_space<hbm>> -> memref<4x128xi32, #tpu.memory_space<hbm>>
      %dma_start3A_85 = arith.constant 0 : i32
      %dma_start3A_86 = tpu.memref_slice %arg3[%mul3A_2, %dma_start3A_85] : memref<128x128xi32, #tpu.memory_space<hbm>> -> memref<4x128xi32, #tpu.memory_space<hbm>>
      tpu.enqueue_dma source(%dma_start3A_86 : memref<4x128xi32, #tpu.memory_space<hbm>>) target(%arg5 : memref<4x128xi32, #tpu.memory_space<vmem>>) target_semaphore(%run_scoped3A : memref<!tpu.dma_semaphore, #tpu.memory_space<semaphore_mem>>)
      %dma_wait3A_87 = arith.constant 0 : i32
      %dma_wait3A_88 = tpu.memref_slice %arg3[%mul3A_2, %dma_wait3A_87] : memref<128x128xi32, #tpu.memory_space<hbm>> -> memref<4x128xi32, #tpu.memory_space<hbm>>
      %dma_wait3A_89 = arith.constant 0 : i32
      %dma_wait3A_90 = tpu.memref_slice %arg3[%mul3A_2, %dma_wait3A_89] : memref<128x128xi32, #tpu.memory_space<hbm>> -> memref<4x128xi32, #tpu.memory_space<hbm>>
      tpu.wait_dma2 semaphore(%run_scoped3A : memref<!tpu.dma_semaphore, #tpu.memory_space<semaphore_mem>>) src(%dma_wait3A_90 : memref<4x128xi32, #tpu.memory_space<hbm>>) dst(%arg5 : memref<4x128xi32, #tpu.memory_space<vmem>>)
      tpu.yield
    }) : () -> ()
    %dma_start3A = arith.constant 0 : i32
    %dma_start3A_3 = arith.constant 0 : i32
    %dma_start3A_4 = arith.constant 0 : i32
    %dma_start3A_5 = tpu.memref_slice %arg6[%dma_start3A_3, %dma_start3A_4] : memref<512x16xf32, #tpu.memory_space<vmem>> -> memref<128x16xf32, #tpu.memory_space<vmem>>
    %dma_start3A_6 = arith.constant 0 : i32
    %dma_start3A_7 = tpu.memref_slice %arg5[%dma_start3A, %dma_start3A_6] : memref<4x128xi32, #tpu.memory_space<vmem>> -> memref<1x128xi32, #tpu.memory_space<vmem>>
    %dma_start3A_8 = tpu.memref_squeeze %dma_start3A_7 : memref<1x128xi32, #tpu.memory_space<vmem>> -> memref<128xi32, #tpu.memory_space<vmem>>
    %dma_start3A_9 = arith.constant 0 : i32
    %dma_start3A_10 = arith.constant 0 : i32
    %dma_start3A_11 = tpu.memref_slice %arg2[%dma_start3A_9, %dma_start3A_10] : memref<32768x16xf32, #tpu.memory_space<hbm>> -> memref<32768x16xf32, #tpu.memory_space<hbm>>
    tpu.enqueue_indirect_dma source(%dma_start3A_11 : memref<32768x16xf32, #tpu.memory_space<hbm>>) target(%dma_start3A_5 : memref<128x16xf32, #tpu.memory_space<vmem>>) offsets(%dma_start3A_8 : memref<128xi32, #tpu.memory_space<vmem>>) semaphore(%arg7 : memref<!tpu.dma_semaphore, #tpu.memory_space<semaphore_mem>>)
    %dma_start3A_12 = arith.constant 1 : i32
    %dma_start3A_13 = arith.constant 128 : i32
    %dma_start3A_14 = arith.constant 0 : i32
    %dma_start3A_15 = tpu.memref_slice %arg6[%dma_start3A_13, %dma_start3A_14] : memref<512x16xf32, #tpu.memory_space<vmem>> -> memref<128x16xf32, #tpu.memory_space<vmem>>
    %dma_start3A_16 = arith.constant 0 : i32
    %dma_start3A_17 = tpu.memref_slice %arg5[%dma_start3A_12, %dma_start3A_16] : memref<4x128xi32, #tpu.memory_space<vmem>> -> memref<1x128xi32, #tpu.memory_space<vmem>>
    %dma_start3A_18 = tpu.memref_squeeze %dma_start3A_17 : memref<1x128xi32, #tpu.memory_space<vmem>> -> memref<128xi32, #tpu.memory_space<vmem>>
    %dma_start3A_19 = arith.constant 0 : i32
    %dma_start3A_20 = arith.constant 0 : i32
    %dma_start3A_21 = tpu.memref_slice %arg2[%dma_start3A_19, %dma_start3A_20] : memref<32768x16xf32, #tpu.memory_space<hbm>> -> memref<32768x16xf32, #tpu.memory_space<hbm>>
    tpu.enqueue_indirect_dma source(%dma_start3A_21 : memref<32768x16xf32, #tpu.memory_space<hbm>>) target(%dma_start3A_15 : memref<128x16xf32, #tpu.memory_space<vmem>>) offsets(%dma_start3A_18 : memref<128xi32, #tpu.memory_space<vmem>>) semaphore(%arg7 : memref<!tpu.dma_semaphore, #tpu.memory_space<semaphore_mem>>)
    %dma_start3A_22 = arith.constant 2 : i32
    %dma_start3A_23 = arith.constant 256 : i32
    %dma_start3A_24 = arith.constant 0 : i32
    %dma_start3A_25 = tpu.memref_slice %arg6[%dma_start3A_23, %dma_start3A_24] : memref<512x16xf32, #tpu.memory_space<vmem>> -> memref<128x16xf32, #tpu.memory_space<vmem>>
    %dma_start3A_26 = arith.constant 0 : i32
    %dma_start3A_27 = tpu.memref_slice %arg5[%dma_start3A_22, %dma_start3A_26] : memref<4x128xi32, #tpu.memory_space<vmem>> -> memref<1x128xi32, #tpu.memory_space<vmem>>
    %dma_start3A_28 = tpu.memref_squeeze %dma_start3A_27 : memref<1x128xi32, #tpu.memory_space<vmem>> -> memref<128xi32, #tpu.memory_space<vmem>>
    %dma_start3A_29 = arith.constant 0 : i32
    %dma_start3A_30 = arith.constant 0 : i32
    %dma_start3A_31 = tpu.memref_slice %arg2[%dma_start3A_29, %dma_start3A_30] : memref<32768x16xf32, #tpu.memory_space<hbm>> -> memref<32768x16xf32, #tpu.memory_space<hbm>>
    tpu.enqueue_indirect_dma source(%dma_start3A_31 : memref<32768x16xf32, #tpu.memory_space<hbm>>) target(%dma_start3A_25 : memref<128x16xf32, #tpu.memory_space<vmem>>) offsets(%dma_start3A_28 : memref<128xi32, #tpu.memory_space<vmem>>) semaphore(%arg7 : memref<!tpu.dma_semaphore, #tpu.memory_space<semaphore_mem>>)
    %dma_start3A_32 = arith.constant 3 : i32
    %dma_start3A_33 = arith.constant 384 : i32
    %dma_start3A_34 = arith.constant 0 : i32
    %dma_start3A_35 = tpu.memref_slice %arg6[%dma_start3A_33, %dma_start3A_34] : memref<512x16xf32, #tpu.memory_space<vmem>> -> memref<128x16xf32, #tpu.memory_space<vmem>>
    %dma_start3A_36 = arith.constant 0 : i32
    %dma_start3A_37 = tpu.memref_slice %arg5[%dma_start3A_32, %dma_start3A_36] : memref<4x128xi32, #tpu.memory_space<vmem>> -> memref<1x128xi32, #tpu.memory_space<vmem>>
    %dma_start3A_38 = tpu.memref_squeeze %dma_start3A_37 : memref<1x128xi32, #tpu.memory_space<vmem>> -> memref<128xi32, #tpu.memory_space<vmem>>
    %dma_start3A_39 = arith.constant 0 : i32
    %dma_start3A_40 = arith.constant 0 : i32
    %dma_start3A_41 = tpu.memref_slice %arg2[%dma_start3A_39, %dma_start3A_40] : memref<32768x16xf32, #tpu.memory_space<hbm>> -> memref<32768x16xf32, #tpu.memory_space<hbm>>
    tpu.enqueue_indirect_dma source(%dma_start3A_41 : memref<32768x16xf32, #tpu.memory_space<hbm>>) target(%dma_start3A_35 : memref<128x16xf32, #tpu.memory_space<vmem>>) offsets(%dma_start3A_38 : memref<128xi32, #tpu.memory_space<vmem>>) semaphore(%arg7 : memref<!tpu.dma_semaphore, #tpu.memory_space<semaphore_mem>>)
    %dma_wait3A = arith.constant 0 : i32
    %dma_wait3A_42 = arith.constant 0 : i32
    %dma_wait3A_43 = arith.constant 0 : i32
    %dma_wait3A_44 = tpu.memref_slice %arg6[%dma_wait3A_42, %dma_wait3A_43] : memref<512x16xf32, #tpu.memory_space<vmem>> -> memref<128x16xf32, #tpu.memory_space<vmem>>
    %dma_wait3A_45 = arith.constant 0 : i32
    %dma_wait3A_46 = tpu.memref_slice %arg5[%dma_wait3A, %dma_wait3A_45] : memref<4x128xi32, #tpu.memory_space<vmem>> -> memref<1x128xi32, #tpu.memory_space<vmem>>
    %dma_wait3A_47 = tpu.memref_squeeze %dma_wait3A_46 : memref<1x128xi32, #tpu.memory_space<vmem>> -> memref<128xi32, #tpu.memory_space<vmem>>
    %dma_wait3A_48 = arith.constant 0 : i32
    %dma_wait3A_49 = arith.constant 0 : i32
    %dma_wait3A_50 = tpu.memref_slice %arg2[%dma_wait3A_48, %dma_wait3A_49] : memref<32768x16xf32, #tpu.memory_space<hbm>> -> memref<32768x16xf32, #tpu.memory_space<hbm>>
    tpu.wait_indirect_dma semaphore(%arg7 : memref<!tpu.dma_semaphore, #tpu.memory_space<semaphore_mem>>) src(%dma_wait3A_50 : memref<32768x16xf32, #tpu.memory_space<hbm>>) dst(%dma_wait3A_44 : memref<128x16xf32, #tpu.memory_space<vmem>>)
    %dma_wait3A_51 = arith.constant 1 : i32
    %dma_wait3A_52 = arith.constant 128 : i32
    %dma_wait3A_53 = arith.constant 0 : i32
    %dma_wait3A_54 = tpu.memref_slice %arg6[%dma_wait3A_52, %dma_wait3A_53] : memref<512x16xf32, #tpu.memory_space<vmem>> -> memref<128x16xf32, #tpu.memory_space<vmem>>
    %dma_wait3A_55 = arith.constant 0 : i32
    %dma_wait3A_56 = tpu.memref_slice %arg5[%dma_wait3A_51, %dma_wait3A_55] : memref<4x128xi32, #tpu.memory_space<vmem>> -> memref<1x128xi32, #tpu.memory_space<vmem>>
    %dma_wait3A_57 = tpu.memref_squeeze %dma_wait3A_56 : memref<1x128xi32, #tpu.memory_space<vmem>> -> memref<128xi32, #tpu.memory_space<vmem>>
    %dma_wait3A_58 = arith.constant 0 : i32
    %dma_wait3A_59 = arith.constant 0 : i32
    %dma_wait3A_60 = tpu.memref_slice %arg2[%dma_wait3A_58, %dma_wait3A_59] : memref<32768x16xf32, #tpu.memory_space<hbm>> -> memref<32768x16xf32, #tpu.memory_space<hbm>>
    tpu.wait_indirect_dma semaphore(%arg7 : memref<!tpu.dma_semaphore, #tpu.memory_space<semaphore_mem>>) src(%dma_wait3A_60 : memref<32768x16xf32, #tpu.memory_space<hbm>>) dst(%dma_wait3A_54 : memref<128x16xf32, #tpu.memory_space<vmem>>)
    %dma_wait3A_61 = arith.constant 2 : i32
    %dma_wait3A_62 = arith.constant 256 : i32
    %dma_wait3A_63 = arith.constant 0 : i32
    %dma_wait3A_64 = tpu.memref_slice %arg6[%dma_wait3A_62, %dma_wait3A_63] : memref<512x16xf32, #tpu.memory_space<vmem>> -> memref<128x16xf32, #tpu.memory_space<vmem>>
    %dma_wait3A_65 = arith.constant 0 : i32
    %dma_wait3A_66 = tpu.memref_slice %arg5[%dma_wait3A_61, %dma_wait3A_65] : memref<4x128xi32, #tpu.memory_space<vmem>> -> memref<1x128xi32, #tpu.memory_space<vmem>>
    %dma_wait3A_67 = tpu.memref_squeeze %dma_wait3A_66 : memref<1x128xi32, #tpu.memory_space<vmem>> -> memref<128xi32, #tpu.memory_space<vmem>>
    %dma_wait3A_68 = arith.constant 0 : i32
    %dma_wait3A_69 = arith.constant 0 : i32
    %dma_wait3A_70 = tpu.memref_slice %arg2[%dma_wait3A_68, %dma_wait3A_69] : memref<32768x16xf32, #tpu.memory_space<hbm>> -> memref<32768x16xf32, #tpu.memory_space<hbm>>
    tpu.wait_indirect_dma semaphore(%arg7 : memref<!tpu.dma_semaphore, #tpu.memory_space<semaphore_mem>>) src(%dma_wait3A_70 : memref<32768x16xf32, #tpu.memory_space<hbm>>) dst(%dma_wait3A_64 : memref<128x16xf32, #tpu.memory_space<vmem>>)
    %dma_wait3A_71 = arith.constant 3 : i32
    %dma_wait3A_72 = arith.constant 384 : i32
    %dma_wait3A_73 = arith.constant 0 : i32
    %dma_wait3A_74 = tpu.memref_slice %arg6[%dma_wait3A_72, %dma_wait3A_73] : memref<512x16xf32, #tpu.memory_space<vmem>> -> memref<128x16xf32, #tpu.memory_space<vmem>>
    %dma_wait3A_75 = arith.constant 0 : i32
    %dma_wait3A_76 = tpu.memref_slice %arg5[%dma_wait3A_71, %dma_wait3A_75] : memref<4x128xi32, #tpu.memory_space<vmem>> -> memref<1x128xi32, #tpu.memory_space<vmem>>
    %dma_wait3A_77 = tpu.memref_squeeze %dma_wait3A_76 : memref<1x128xi32, #tpu.memory_space<vmem>> -> memref<128xi32, #tpu.memory_space<vmem>>
    %dma_wait3A_78 = arith.constant 0 : i32
    %dma_wait3A_79 = arith.constant 0 : i32
    %dma_wait3A_80 = tpu.memref_slice %arg2[%dma_wait3A_78, %dma_wait3A_79] : memref<32768x16xf32, #tpu.memory_space<hbm>> -> memref<32768x16xf32, #tpu.memory_space<hbm>>
    tpu.wait_indirect_dma semaphore(%arg7 : memref<!tpu.dma_semaphore, #tpu.memory_space<semaphore_mem>>) src(%dma_wait3A_80 : memref<32768x16xf32, #tpu.memory_space<hbm>>) dst(%dma_wait3A_74 : memref<128x16xf32, #tpu.memory_space<vmem>>)
    %mul3A_81 = arith.constant 512 : i32
    %mul3A_82 = arith.muli %add3A, %mul3A_81 : i32
    "tpu.region"() ({
      %run_scoped3A = tpu.sem_alloc : memref<!tpu.dma_semaphore, #tpu.memory_space<semaphore_mem>>
      %dma_start3A_83 = arith.constant 0 : i32
      %dma_start3A_84 = tpu.memref_slice %arg4[%mul3A_82, %dma_start3A_83] : memref<16384x16xf32, #tpu.memory_space<hbm>> -> memref<512x16xf32, #tpu.memory_space<hbm>>
      %dma_start3A_85 = arith.constant 0 : i32
      %dma_start3A_86 = tpu.memref_slice %arg4[%mul3A_82, %dma_start3A_85] : memref<16384x16xf32, #tpu.memory_space<hbm>> -> memref<512x16xf32, #tpu.memory_space<hbm>>
      tpu.enqueue_dma source(%arg6 : memref<512x16xf32, #tpu.memory_space<vmem>>) target(%dma_start3A_86 : memref<512x16xf32, #tpu.memory_space<hbm>>) target_semaphore(%run_scoped3A : memref<!tpu.dma_semaphore, #tpu.memory_space<semaphore_mem>>)
      %dma_wait3A_87 = arith.constant 0 : i32
      %dma_wait3A_88 = tpu.memref_slice %arg4[%mul3A_82, %dma_wait3A_87] : memref<16384x16xf32, #tpu.memory_space<hbm>> -> memref<512x16xf32, #tpu.memory_space<hbm>>
      %dma_wait3A_89 = arith.constant 0 : i32
      %dma_wait3A_90 = tpu.memref_slice %arg4[%mul3A_82, %dma_wait3A_89] : memref<16384x16xf32, #tpu.memory_space<hbm>> -> memref<512x16xf32, #tpu.memory_space<hbm>>
      tpu.wait_dma2 semaphore(%run_scoped3A : memref<!tpu.dma_semaphore, #tpu.memory_space<semaphore_mem>>) src(%arg6 : memref<512x16xf32, #tpu.memory_space<vmem>>) dst(%dma_wait3A_90 : memref<512x16xf32, #tpu.memory_space<hbm>>)
      tpu.yield
    }) : () -> ()
    return
  }
}

module attributes {stable_mosaic.version = 14 : i64} {
  func.func @_stage_a_body(%arg0: i32, %arg1: memref<2048x128xf32, #tpu.memory_space<vmem>>, %arg2: memref<256x128xf32, #tpu.memory_space<vmem>>, %arg3: memref<1x256xf32, #tpu.memory_space<vmem>>, %arg4: memref<256x256xf32, #tpu.memory_space<vmem>>, %arg5: memref<1x256xf32, #tpu.memory_space<vmem>>, %arg6: memref<256x256xf32, #tpu.memory_space<vmem>>, %arg7: memref<1x256xf32, #tpu.memory_space<vmem>>, %arg8: memref<16x256xf32, #tpu.memory_space<vmem>>, %arg9: memref<1x16xf32, #tpu.memory_space<vmem>>, %arg10: memref<2048x256xf32, #tpu.memory_space<vmem>>, %arg11: memref<2048x8xi32, #tpu.memory_space<vmem>>) attributes {dimension_semantics = [#tpu.dimension_semantics<arbitrary>], iteration_bounds = array<i64: 1>, scalar_prefetch = 0 : i64, scratch_operands = 0 : i64, tpu.core_type = #tpu.core_type<tc>, window_params = [{transform_indices = @transform_0, window_bounds = array<i64: 2048, 128>}, {pipeline_mode = #tpu.pipeline_mode<synchronous>, transform_indices = @transform_1, window_bounds = array<i64: 256, 128>}, {pipeline_mode = #tpu.pipeline_mode<synchronous>, transform_indices = @transform_2, window_bounds = array<i64: 1, 256>}, {pipeline_mode = #tpu.pipeline_mode<synchronous>, transform_indices = @transform_3, window_bounds = array<i64: 256, 256>}, {pipeline_mode = #tpu.pipeline_mode<synchronous>, transform_indices = @transform_4, window_bounds = array<i64: 1, 256>}, {pipeline_mode = #tpu.pipeline_mode<synchronous>, transform_indices = @transform_5, window_bounds = array<i64: 256, 256>}, {pipeline_mode = #tpu.pipeline_mode<synchronous>, transform_indices = @transform_6, window_bounds = array<i64: 1, 256>}, {pipeline_mode = #tpu.pipeline_mode<synchronous>, transform_indices = @transform_7, window_bounds = array<i64: 16, 256>}, {pipeline_mode = #tpu.pipeline_mode<synchronous>, transform_indices = @transform_8, window_bounds = array<i64: 1, 16>}, {transform_indices = @transform_9, window_bounds = array<i64: 2048, 256>}, {transform_indices = @transform_10, window_bounds = array<i64: 2048, 8>}]} {
    %get3A = arith.constant 0 : index
    %get3A_0 = arith.constant 0 : index
    %get3A_1 = vector.load %arg1[%get3A, %get3A_0] : memref<2048x128xf32, #tpu.memory_space<vmem>>, vector<2048x128xf32>
    %get3A_2 = arith.constant 0 : index
    %get3A_3 = arith.constant 0 : index
    %get3A_4 = vector.load %arg2[%get3A_2, %get3A_3] : memref<256x128xf32, #tpu.memory_space<vmem>>, vector<256x128xf32>
    %convert_element_type3A = arith.truncf %get3A_1 : vector<2048x128xf32> to vector<2048x128xbf16>
    %convert_element_type3A_5 = arith.truncf %get3A_4 : vector<256x128xf32> to vector<256x128xbf16>
    %dot_general3A = arith.constant dense<0.000000e+00> : vector<2048x256xf32>
    %dot_general3A_6 = tpu.matmul %convert_element_type3A, %convert_element_type3A_5, %dot_general3A {dimension_numbers = #tpu.dot_dimension_numbers<[1], [1], [0], [0], [0, 0, 1, 0], [], []>, transpose_lhs_hint = false} : vector<2048x128xbf16>, vector<256x128xbf16>, vector<2048x256xf32> -> vector<2048x256xf32>
    %get3A_7 = arith.constant 0 : index
    %get3A_8 = arith.constant 0 : index
    %get3A_9 = vector.load %arg3[%get3A_7, %get3A_8] : memref<1x256xf32, #tpu.memory_space<vmem>>, vector<1x256xf32>
    %add3A = vector.broadcast %get3A_9 : vector<1x256xf32> to vector<2048x256xf32>
    %add3A_10 = arith.addf %dot_general3A_6, %add3A : vector<2048x256xf32>
    %logistic3A = arith.negf %add3A_10 : vector<2048x256xf32>
    %logistic3A_11 = math.exp %logistic3A : vector<2048x256xf32>
    %logistic3A_12 = arith.constant 1.000000e+00 : f32
    %logistic3A_13 = vector.broadcast %logistic3A_12 : f32 to vector<2048x256xf32>
    %logistic3A_14 = arith.addf %logistic3A_13, %logistic3A_11 : vector<2048x256xf32>
    %logistic3A_15 = arith.divf %logistic3A_13, %logistic3A_14 : vector<2048x256xf32>
    %mul3A = arith.mulf %add3A_10, %logistic3A_15 : vector<2048x256xf32>
    %get3A_16 = arith.constant 0 : index
    %get3A_17 = arith.constant 0 : index
    %get3A_18 = vector.load %arg4[%get3A_16, %get3A_17] : memref<256x256xf32, #tpu.memory_space<vmem>>, vector<256x256xf32>
    %convert_element_type3A_19 = arith.truncf %mul3A : vector<2048x256xf32> to vector<2048x256xbf16>
    %convert_element_type3A_20 = arith.truncf %get3A_18 : vector<256x256xf32> to vector<256x256xbf16>
    %dot_general3A_21 = arith.constant dense<0.000000e+00> : vector<2048x256xf32>
    %dot_general3A_22 = tpu.matmul %convert_element_type3A_19, %convert_element_type3A_20, %dot_general3A_21 {dimension_numbers = #tpu.dot_dimension_numbers<[1], [1], [0], [0], [0, 0, 1, 0], [], []>, transpose_lhs_hint = false} : vector<2048x256xbf16>, vector<256x256xbf16>, vector<2048x256xf32> -> vector<2048x256xf32>
    %get3A_23 = arith.constant 0 : index
    %get3A_24 = arith.constant 0 : index
    %get3A_25 = vector.load %arg5[%get3A_23, %get3A_24] : memref<1x256xf32, #tpu.memory_space<vmem>>, vector<1x256xf32>
    %add3A_26 = vector.broadcast %get3A_25 : vector<1x256xf32> to vector<2048x256xf32>
    %add3A_27 = arith.addf %dot_general3A_22, %add3A_26 : vector<2048x256xf32>
    %get3A_28 = arith.constant 0 : index
    %get3A_29 = arith.constant 0 : index
    %get3A_30 = vector.load %arg6[%get3A_28, %get3A_29] : memref<256x256xf32, #tpu.memory_space<vmem>>, vector<256x256xf32>
    %convert_element_type3A_31 = arith.truncf %add3A_27 : vector<2048x256xf32> to vector<2048x256xbf16>
    %convert_element_type3A_32 = arith.truncf %get3A_30 : vector<256x256xf32> to vector<256x256xbf16>
    %dot_general3A_33 = arith.constant dense<0.000000e+00> : vector<2048x256xf32>
    %dot_general3A_34 = tpu.matmul %convert_element_type3A_31, %convert_element_type3A_32, %dot_general3A_33 {dimension_numbers = #tpu.dot_dimension_numbers<[1], [1], [0], [0], [0, 0, 1, 0], [], []>, transpose_lhs_hint = false} : vector<2048x256xbf16>, vector<256x256xbf16>, vector<2048x256xf32> -> vector<2048x256xf32>
    %get3A_35 = arith.constant 0 : index
    %get3A_36 = arith.constant 0 : index
    %get3A_37 = vector.load %arg7[%get3A_35, %get3A_36] : memref<1x256xf32, #tpu.memory_space<vmem>>, vector<1x256xf32>
    %add3A_38 = vector.broadcast %get3A_37 : vector<1x256xf32> to vector<2048x256xf32>
    %add3A_39 = arith.addf %dot_general3A_34, %add3A_38 : vector<2048x256xf32>
    %logistic3A_40 = arith.negf %add3A_39 : vector<2048x256xf32>
    %logistic3A_41 = math.exp %logistic3A_40 : vector<2048x256xf32>
    %logistic3A_42 = arith.constant 1.000000e+00 : f32
    %logistic3A_43 = vector.broadcast %logistic3A_42 : f32 to vector<2048x256xf32>
    %logistic3A_44 = arith.addf %logistic3A_43, %logistic3A_41 : vector<2048x256xf32>
    %logistic3A_45 = arith.divf %logistic3A_43, %logistic3A_44 : vector<2048x256xf32>
    %mul3A_46 = arith.mulf %add3A_39, %logistic3A_45 : vector<2048x256xf32>
    %get3A_47 = arith.constant 0 : index
    %get3A_48 = arith.constant 0 : index
    %get3A_49 = vector.load %arg8[%get3A_47, %get3A_48] : memref<16x256xf32, #tpu.memory_space<vmem>>, vector<16x256xf32>
    %convert_element_type3A_50 = arith.truncf %mul3A_46 : vector<2048x256xf32> to vector<2048x256xbf16>
    %convert_element_type3A_51 = arith.truncf %get3A_49 : vector<16x256xf32> to vector<16x256xbf16>
    %dot_general3A_52 = arith.constant dense<0.000000e+00> : vector<2048x16xf32>
    %dot_general3A_53 = tpu.matmul %convert_element_type3A_50, %convert_element_type3A_51, %dot_general3A_52 {dimension_numbers = #tpu.dot_dimension_numbers<[1], [1], [0], [0], [0, 0, 1, 0], [], []>, transpose_lhs_hint = false} : vector<2048x256xbf16>, vector<16x256xbf16>, vector<2048x16xf32> -> vector<2048x16xf32>
    %get3A_54 = arith.constant 0 : index
    %get3A_55 = arith.constant 0 : index
    %get3A_56 = vector.load %arg9[%get3A_54, %get3A_55] : memref<1x16xf32, #tpu.memory_space<vmem>>, vector<1x16xf32>
    %add3A_57 = vector.broadcast %get3A_56 : vector<1x16xf32> to vector<2048x16xf32>
    %add3A_58 = arith.addf %dot_general3A_53, %add3A_57 : vector<2048x16xf32>
    %iota3A = tpu.iota {dimensions = array<i32: 1>} : vector<1x256xi32>
    %jit3A = arith.constant 16 : i32
    %div3A = vector.broadcast %jit3A : i32 to vector<1x256xi32>
    %div3A_59 = arith.divsi %iota3A, %div3A : vector<1x256xi32>
    %sign3A = arith.constant 0 : i32
    %sign3A_60 = vector.broadcast %sign3A : i32 to vector<1x256xi32>
    %sign3A_61 = arith.cmpi sgt, %iota3A, %sign3A_60 : vector<1x256xi32>
    %sign3A_62 = arith.extui %sign3A_61 : vector<1x256xi1> to vector<1x256xi32>
    %sign3A_63 = arith.constant 0 : i32
    %sign3A_64 = vector.broadcast %sign3A_63 : i32 to vector<1x256xi32>
    %sign3A_65 = arith.cmpi slt, %iota3A, %sign3A_64 : vector<1x256xi32>
    %sign3A_66 = arith.extui %sign3A_65 : vector<1x256xi1> to vector<1x256xi32>
    %sign3A_67 = arith.subi %sign3A_62, %sign3A_66 : vector<1x256xi32>
    %sign3A_68 = arith.constant 0 : i32
    %sign3A_69 = arith.cmpi sgt, %jit3A, %sign3A_68 : i32
    %sign3A_70 = arith.extui %sign3A_69 : i1 to i32
    %sign3A_71 = arith.constant 0 : i32
    %sign3A_72 = arith.cmpi slt, %jit3A, %sign3A_71 : i32
    %sign3A_73 = arith.extui %sign3A_72 : i1 to i32
    %sign3A_74 = arith.subi %sign3A_70, %sign3A_73 : i32
    %ne3A = vector.broadcast %sign3A_74 : i32 to vector<1x256xi32>
    %ne3A_75 = arith.cmpi ne, %sign3A_67, %ne3A : vector<1x256xi32>
    %rem3A = vector.broadcast %jit3A : i32 to vector<1x256xi32>
    %rem3A_76 = arith.remsi %iota3A, %rem3A : vector<1x256xi32>
    %ne3A_77 = arith.constant 0 : i32
    %ne3A_78 = vector.broadcast %ne3A_77 : i32 to vector<1x256xi32>
    %ne3A_79 = arith.cmpi ne, %rem3A_76, %ne3A_78 : vector<1x256xi32>
    %and3A = arith.andi %ne3A_75, %ne3A_79 : vector<1x256xi1>
    %sub3A = arith.constant 1 : i32
    %sub3A_80 = vector.broadcast %sub3A : i32 to vector<1x256xi32>
    %sub3A_81 = arith.subi %div3A_59, %sub3A_80 : vector<1x256xi32>
    %select_n3A = arith.select %and3A, %sub3A_81, %div3A_59 : vector<1x256xi1>, vector<1x256xi32>
    %jit3A_82 = arith.constant 16 : i32
    %eq3A = arith.constant 0 : i32
    %eq3A_83 = arith.cmpi eq, %jit3A_82, %eq3A : i32
    %jit3A_84 = arith.constant 1 : i32
    %select_n3A_85 = arith.select %eq3A_83, %jit3A_84, %jit3A_82 : i32
    %rem3A_86 = vector.broadcast %select_n3A_85 : i32 to vector<1x256xi32>
    %rem3A_87 = arith.remsi %iota3A, %rem3A_86 : vector<1x256xi32>
    %ne3A_88 = arith.constant 0 : i32
    %ne3A_89 = vector.broadcast %ne3A_88 : i32 to vector<1x256xi32>
    %ne3A_90 = arith.cmpi ne, %rem3A_87, %ne3A_89 : vector<1x256xi32>
    %lt3A = arith.constant 0 : i32
    %lt3A_91 = vector.broadcast %lt3A : i32 to vector<1x256xi32>
    %lt3A_92 = arith.cmpi slt, %rem3A_87, %lt3A_91 : vector<1x256xi32>
    %lt3A_93 = arith.constant 0 : i32
    %lt3A_94 = arith.cmpi slt, %select_n3A_85, %lt3A_93 : i32
    %ne3A_95 = vector.broadcast %lt3A_94 : i1 to vector<1x256xi1>
    %ne3A_96 = vector.broadcast %ne3A_95 : vector<1x256xi1> to vector<1x256xi1>
    %ne3A_97 = arith.xori %lt3A_92, %ne3A_96 : vector<1x256xi1>
    %and3A_98 = arith.andi %ne3A_97, %ne3A_90 : vector<1x256xi1>
    %add3A_99 = vector.broadcast %select_n3A_85 : i32 to vector<1x256xi32>
    %add3A_100 = arith.addi %rem3A_87, %add3A_99 : vector<1x256xi32>
    %select_n3A_101 = arith.select %and3A_98, %add3A_100, %rem3A_87 : vector<1x256xi1>, vector<1x256xi32>
    %iota3A_102 = tpu.iota {dimensions = array<i32: 0>} : vector<16x256xi32>
    %eq3A_103 = vector.broadcast %select_n3A : vector<1x256xi32> to vector<16x256xi32>
    %eq3A_104 = arith.cmpi eq, %iota3A_102, %eq3A_103 : vector<16x256xi32>
    %convert_element_type3A_105 = arith.extui %eq3A_104 : vector<16x256xi1> to vector<16x256xi32>
    %convert_element_type3A_106 = arith.sitofp %convert_element_type3A_105 : vector<16x256xi32> to vector<16x256xf32>
    %transpose3A = tpu.transpose %select_n3A, [1, 0] : vector<1x256xi32> -> vector<256x1xi32>
    %iota3A_107 = tpu.iota {dimensions = array<i32: 1>} : vector<256x16xi32>
    %eq3A_108 = vector.broadcast %transpose3A : vector<256x1xi32> to vector<256x16xi32>
    %eq3A_109 = arith.cmpi eq, %eq3A_108, %iota3A_107 : vector<256x16xi32>
    %convert_element_type3A_110 = arith.extui %eq3A_109 : vector<256x16xi1> to vector<256x16xi32>
    %convert_element_type3A_111 = arith.sitofp %convert_element_type3A_110 : vector<256x16xi32> to vector<256x16xf32>
    %tile3A = tpu.concatenate %add3A_58, %add3A_58, %add3A_58, %add3A_58, %add3A_58, %add3A_58, %add3A_58, %add3A_58, %add3A_58, %add3A_58, %add3A_58, %add3A_58, %add3A_58, %add3A_58, %add3A_58, %add3A_58 in 1 : vector<2048x16xf32>, vector<2048x16xf32>, vector<2048x16xf32>, vector<2048x16xf32>, vector<2048x16xf32>, vector<2048x16xf32>, vector<2048x16xf32>, vector<2048x16xf32>, vector<2048x16xf32>, vector<2048x16xf32>, vector<2048x16xf32>, vector<2048x16xf32>, vector<2048x16xf32>, vector<2048x16xf32>, vector<2048x16xf32>, vector<2048x16xf32> -> vector<2048x256xf32>
    %dot_general3A_112 = arith.constant dense<0.000000e+00> : vector<2048x256xf32>
    %dot_general3A_113 = tpu.matmul %add3A_58, %convert_element_type3A_106, %dot_general3A_112 {dimension_numbers = #tpu.dot_dimension_numbers<[1], [0], [0], [1], [0, 0, 1, 1], [], []>, precision = #tpu.contract_precision<fp32>, transpose_lhs_hint = false} : vector<2048x16xf32>, vector<16x256xf32>, vector<2048x256xf32> -> vector<2048x256xf32>
    %lt3A_114 = arith.cmpi slt, %select_n3A_101, %select_n3A : vector<1x256xi32>
    %gt3A = arith.cmpf ogt, %tile3A, %dot_general3A_113 : vector<2048x256xf32>
    %eq3A_115 = arith.cmpf oeq, %tile3A, %dot_general3A_113 : vector<2048x256xf32>
    %and3A_116 = vector.broadcast %lt3A_114 : vector<1x256xi1> to vector<2048x256xi1>
    %and3A_117 = arith.andi %eq3A_115, %and3A_116 : vector<2048x256xi1>
    %or3A = arith.ori %gt3A, %and3A_117 : vector<2048x256xi1>
    %jit3A_118 = arith.constant 1.000000e+00 : f32
    %jit3A_119 = arith.constant 0.000000e+00 : f32
    %broadcast_in_dim3A = vector.broadcast %jit3A_118 : f32 to vector<2048x256xf32>
    %broadcast_in_dim3A_120 = vector.broadcast %jit3A_119 : f32 to vector<2048x256xf32>
    %select_n3A_121 = arith.select %or3A, %broadcast_in_dim3A, %broadcast_in_dim3A_120 : vector<2048x256xi1>, vector<2048x256xf32>
    %dot_general3A_122 = arith.constant dense<0.000000e+00> : vector<2048x16xf32>
    %dot_general3A_123 = tpu.matmul %select_n3A_121, %convert_element_type3A_111, %dot_general3A_122 {dimension_numbers = #tpu.dot_dimension_numbers<[1], [0], [0], [1], [0, 0, 1, 1], [], []>, transpose_lhs_hint = false} : vector<2048x256xf32>, vector<256x16xf32>, vector<2048x16xf32> -> vector<2048x16xf32>
    %transpose3A_124 = tpu.transpose %select_n3A, [1, 0] : vector<1x256xi32> -> vector<256x1xi32>
    %eq3A_125 = vector.broadcast %transpose3A_124 : vector<256x1xi32> to vector<256x256xi32>
    %eq3A_126 = vector.broadcast %select_n3A : vector<1x256xi32> to vector<256x256xi32>
    %eq3A_127 = arith.cmpi eq, %eq3A_125, %eq3A_126 : vector<256x256xi32>
    %convert_element_type3A_128 = arith.extui %eq3A_127 : vector<256x256xi1> to vector<256x256xi32>
    %convert_element_type3A_129 = arith.sitofp %convert_element_type3A_128 : vector<256x256xi32> to vector<256x256xf32>
    %reduce_max3A = arith.constant dense<0xFF800000> : vector<2048xf32>
    %reduce_max3A_130 = vector.multi_reduction <maximumf>, %add3A_27, %reduce_max3A [1] : vector<2048x256xf32> to vector<2048xf32>
    %broadcast_in_dim3A_131 = vector.shape_cast %reduce_max3A_130 : vector<2048xf32> to vector<2048x1xf32>
    %sub3A_132 = vector.broadcast %broadcast_in_dim3A_131 : vector<2048x1xf32> to vector<2048x256xf32>
    %sub3A_133 = arith.subf %add3A_27, %sub3A_132 : vector<2048x256xf32>
    %exp3A = math.exp %sub3A_133 : vector<2048x256xf32>
    %dot_general3A_134 = arith.constant dense<0.000000e+00> : vector<2048x256xf32>
    %dot_general3A_135 = tpu.matmul %exp3A, %convert_element_type3A_129, %dot_general3A_134 {dimension_numbers = #tpu.dot_dimension_numbers<[1], [0], [0], [1], [0, 0, 1, 1], [], []>, precision = #tpu.contract_precision<fp32>, transpose_lhs_hint = false} : vector<2048x256xf32>, vector<256x256xf32>, vector<2048x256xf32> -> vector<2048x256xf32>
    %mul3A_136 = arith.constant 1.600000e+01 : f32
    %mul3A_137 = vector.broadcast %mul3A_136 : f32 to vector<2048x256xf32>
    %mul3A_138 = arith.mulf %exp3A, %mul3A_137 : vector<2048x256xf32>
    %gt3A_139 = arith.cmpf ogt, %mul3A_138, %dot_general3A_135 : vector<2048x256xf32>
    %jit3A_140 = arith.constant 1.000000e+00 : f32
    %jit3A_141 = arith.constant 0.000000e+00 : f32
    %broadcast_in_dim3A_142 = vector.broadcast %jit3A_140 : f32 to vector<2048x256xf32>
    %broadcast_in_dim3A_143 = vector.broadcast %jit3A_141 : f32 to vector<2048x256xf32>
    %select_n3A_144 = arith.select %gt3A_139, %broadcast_in_dim3A_142, %broadcast_in_dim3A_143 : vector<2048x256xi1>, vector<2048x256xf32>
    %swap3A = arith.constant 0 : index
    %swap3A_145 = arith.constant 0 : index
    %swap3A_146 = vector.load %arg10[%swap3A, %swap3A_145] : memref<2048x256xf32, #tpu.memory_space<vmem>>, vector<2048x256xf32>
    tpu.vector_store %arg10[%swap3A, %swap3A_145], %select_n3A_144 {strides = array<i32>} : memref<2048x256xf32, #tpu.memory_space<vmem>>, vector<2048x256xf32>,
    %iota3A_147 = tpu.iota {dimensions = array<i32: 1>} : vector<1x128xi32>
    %jit3A_148 = arith.constant 16 : i32
    %div3A_149 = vector.broadcast %jit3A_148 : i32 to vector<1x128xi32>
    %div3A_150 = arith.divsi %iota3A_147, %div3A_149 : vector<1x128xi32>
    %sign3A_151 = arith.constant 0 : i32
    %sign3A_152 = vector.broadcast %sign3A_151 : i32 to vector<1x128xi32>
    %sign3A_153 = arith.cmpi sgt, %iota3A_147, %sign3A_152 : vector<1x128xi32>
    %sign3A_154 = arith.extui %sign3A_153 : vector<1x128xi1> to vector<1x128xi32>
    %sign3A_155 = arith.constant 0 : i32
    %sign3A_156 = vector.broadcast %sign3A_155 : i32 to vector<1x128xi32>
    %sign3A_157 = arith.cmpi slt, %iota3A_147, %sign3A_156 : vector<1x128xi32>
    %sign3A_158 = arith.extui %sign3A_157 : vector<1x128xi1> to vector<1x128xi32>
    %sign3A_159 = arith.subi %sign3A_154, %sign3A_158 : vector<1x128xi32>
    %sign3A_160 = arith.constant 0 : i32
    %sign3A_161 = arith.cmpi sgt, %jit3A_148, %sign3A_160 : i32
    %sign3A_162 = arith.extui %sign3A_161 : i1 to i32
    %sign3A_163 = arith.constant 0 : i32
    %sign3A_164 = arith.cmpi slt, %jit3A_148, %sign3A_163 : i32
    %sign3A_165 = arith.extui %sign3A_164 : i1 to i32
    %sign3A_166 = arith.subi %sign3A_162, %sign3A_165 : i32
    %ne3A_167 = vector.broadcast %sign3A_166 : i32 to vector<1x128xi32>
    %ne3A_168 = arith.cmpi ne, %sign3A_159, %ne3A_167 : vector<1x128xi32>
    %rem3A_169 = vector.broadcast %jit3A_148 : i32 to vector<1x128xi32>
    %rem3A_170 = arith.remsi %iota3A_147, %rem3A_169 : vector<1x128xi32>
    %ne3A_171 = arith.constant 0 : i32
    %ne3A_172 = vector.broadcast %ne3A_171 : i32 to vector<1x128xi32>
    %ne3A_173 = arith.cmpi ne, %rem3A_170, %ne3A_172 : vector<1x128xi32>
    %and3A_174 = arith.andi %ne3A_168, %ne3A_173 : vector<1x128xi1>
    %sub3A_175 = arith.constant 1 : i32
    %sub3A_176 = vector.broadcast %sub3A_175 : i32 to vector<1x128xi32>
    %sub3A_177 = arith.subi %div3A_150, %sub3A_176 : vector<1x128xi32>
    %select_n3A_178 = arith.select %and3A_174, %sub3A_177, %div3A_150 : vector<1x128xi1>, vector<1x128xi32>
    %jit3A_179 = arith.constant 16 : i32
    %eq3A_180 = arith.constant 0 : i32
    %eq3A_181 = arith.cmpi eq, %jit3A_179, %eq3A_180 : i32
    %jit3A_182 = arith.constant 1 : i32
    %select_n3A_183 = arith.select %eq3A_181, %jit3A_182, %jit3A_179 : i32
    %rem3A_184 = vector.broadcast %select_n3A_183 : i32 to vector<1x128xi32>
    %rem3A_185 = arith.remsi %iota3A_147, %rem3A_184 : vector<1x128xi32>
    %ne3A_186 = arith.constant 0 : i32
    %ne3A_187 = vector.broadcast %ne3A_186 : i32 to vector<1x128xi32>
    %ne3A_188 = arith.cmpi ne, %rem3A_185, %ne3A_187 : vector<1x128xi32>
    %lt3A_189 = arith.constant 0 : i32
    %lt3A_190 = vector.broadcast %lt3A_189 : i32 to vector<1x128xi32>
    %lt3A_191 = arith.cmpi slt, %rem3A_185, %lt3A_190 : vector<1x128xi32>
    %lt3A_192 = arith.constant 0 : i32
    %lt3A_193 = arith.cmpi slt, %select_n3A_183, %lt3A_192 : i32
    %ne3A_194 = vector.broadcast %lt3A_193 : i1 to vector<1x128xi1>
    %ne3A_195 = vector.broadcast %ne3A_194 : vector<1x128xi1> to vector<1x128xi1>
    %ne3A_196 = arith.xori %lt3A_191, %ne3A_195 : vector<1x128xi1>
    %and3A_197 = arith.andi %ne3A_196, %ne3A_188 : vector<1x128xi1>
    %add3A_198 = vector.broadcast %select_n3A_183 : i32 to vector<1x128xi32>
    %add3A_199 = arith.addi %rem3A_185, %add3A_198 : vector<1x128xi32>
    %select_n3A_200 = arith.select %and3A_197, %add3A_199, %rem3A_185 : vector<1x128xi1>, vector<1x128xi32>
    %convert_element_type3A_201 = arith.sitofp %select_n3A_200 : vector<1x128xi32> to vector<1x128xf32>
    %transpose3A_202 = tpu.transpose %iota3A_147, [1, 0] : vector<1x128xi32> -> vector<128x1xi32>
    %jit3A_203 = arith.constant 16 : i32
    %div3A_204 = vector.broadcast %jit3A_203 : i32 to vector<128x1xi32>
    %div3A_205 = arith.divsi %transpose3A_202, %div3A_204 : vector<128x1xi32>
    %sign3A_206 = arith.constant 0 : i32
    %sign3A_207 = vector.broadcast %sign3A_206 : i32 to vector<128x1xi32>
    %sign3A_208 = arith.cmpi sgt, %transpose3A_202, %sign3A_207 : vector<128x1xi32>
    %sign3A_209 = arith.extui %sign3A_208 : vector<128x1xi1> to vector<128x1xi32>
    %sign3A_210 = arith.constant 0 : i32
    %sign3A_211 = vector.broadcast %sign3A_210 : i32 to vector<128x1xi32>
    %sign3A_212 = arith.cmpi slt, %transpose3A_202, %sign3A_211 : vector<128x1xi32>
    %sign3A_213 = arith.extui %sign3A_212 : vector<128x1xi1> to vector<128x1xi32>
    %sign3A_214 = arith.subi %sign3A_209, %sign3A_213 : vector<128x1xi32>
    %sign3A_215 = arith.constant 0 : i32
    %sign3A_216 = arith.cmpi sgt, %jit3A_203, %sign3A_215 : i32
    %sign3A_217 = arith.extui %sign3A_216 : i1 to i32
    %sign3A_218 = arith.constant 0 : i32
    %sign3A_219 = arith.cmpi slt, %jit3A_203, %sign3A_218 : i32
    %sign3A_220 = arith.extui %sign3A_219 : i1 to i32
    %sign3A_221 = arith.subi %sign3A_217, %sign3A_220 : i32
    %ne3A_222 = vector.broadcast %sign3A_221 : i32 to vector<128x1xi32>
    %ne3A_223 = arith.cmpi ne, %sign3A_214, %ne3A_222 : vector<128x1xi32>
    %rem3A_224 = vector.broadcast %jit3A_203 : i32 to vector<128x1xi32>
    %rem3A_225 = arith.remsi %transpose3A_202, %rem3A_224 : vector<128x1xi32>
    %ne3A_226 = arith.constant 0 : i32
    %ne3A_227 = vector.broadcast %ne3A_226 : i32 to vector<128x1xi32>
    %ne3A_228 = arith.cmpi ne, %rem3A_225, %ne3A_227 : vector<128x1xi32>
    %and3A_229 = arith.andi %ne3A_223, %ne3A_228 : vector<128x1xi1>
    %sub3A_230 = arith.constant 1 : i32
    %sub3A_231 = vector.broadcast %sub3A_230 : i32 to vector<128x1xi32>
    %sub3A_232 = arith.subi %div3A_205, %sub3A_231 : vector<128x1xi32>
    %select_n3A_233 = arith.select %and3A_229, %sub3A_232, %div3A_205 : vector<128x1xi1>, vector<128x1xi32>
    %iota3A_234 = tpu.iota {dimensions = array<i32: 1>} : vector<128x8xi32>
    %eq3A_235 = vector.broadcast %select_n3A_233 : vector<128x1xi32> to vector<128x8xi32>
    %eq3A_236 = arith.cmpi eq, %eq3A_235, %iota3A_234 : vector<128x8xi32>
    %convert_element_type3A_237 = arith.extui %eq3A_236 : vector<128x8xi1> to vector<128x8xi32>
    %convert_element_type3A_238 = arith.sitofp %convert_element_type3A_237 : vector<128x8xi32> to vector<128x8xf32>
    %tile3A_239 = tpu.concatenate %dot_general3A_123, %dot_general3A_123, %dot_general3A_123, %dot_general3A_123, %dot_general3A_123, %dot_general3A_123, %dot_general3A_123, %dot_general3A_123 in 1 : vector<2048x16xf32>, vector<2048x16xf32>, vector<2048x16xf32>, vector<2048x16xf32>, vector<2048x16xf32>, vector<2048x16xf32>, vector<2048x16xf32>, vector<2048x16xf32> -> vector<2048x128xf32>
    %convert_element_type3A_240 = arith.sitofp %select_n3A_178 : vector<1x128xi32> to vector<1x128xf32>
    %eq3A_241 = vector.broadcast %convert_element_type3A_240 : vector<1x128xf32> to vector<2048x128xf32>
    %eq3A_242 = arith.cmpf oeq, %tile3A_239, %eq3A_241 : vector<2048x128xf32>
    %jit3A_243 = arith.constant 0.000000e+00 : f32
    %broadcast_in_dim3A_244 = vector.shape_cast %convert_element_type3A_201 : vector<1x128xf32> to vector<1x128xf32>
    %broadcast_in_dim3A_245 = vector.broadcast %broadcast_in_dim3A_244 : vector<1x128xf32> to vector<2048x128xf32>
    %broadcast_in_dim3A_246 = vector.broadcast %jit3A_243 : f32 to vector<2048x128xf32>
    %select_n3A_247 = arith.select %eq3A_242, %broadcast_in_dim3A_245, %broadcast_in_dim3A_246 : vector<2048x128xi1>, vector<2048x128xf32>
    %dot_general3A_248 = arith.constant dense<0.000000e+00> : vector<2048x8xf32>
    %dot_general3A_249 = tpu.matmul %select_n3A_247, %convert_element_type3A_238, %dot_general3A_248 {dimension_numbers = #tpu.dot_dimension_numbers<[1], [0], [0], [1], [0, 0, 1, 1], [], []>, transpose_lhs_hint = false} : vector<2048x128xf32>, vector<128x8xf32>, vector<2048x8xf32> -> vector<2048x8xf32>
    %mul3A_250 = arith.constant 2048 : i32
    %mul3A_251 = arith.muli %arg0, %mul3A_250 : i32
    %iota3A_252 = tpu.iota {dimensions = array<i32: 0>} : vector<2048x1xi32>
    %add3A_253 = vector.broadcast %mul3A_251 : i32 to vector<2048x1xi32>
    %add3A_254 = arith.addi %add3A_253, %iota3A_252 : vector<2048x1xi32>
    %convert_element_type3A_255 = arith.sitofp %add3A_254 : vector<2048x1xi32> to vector<2048x1xf32>
    %mul3A_256 = arith.constant 1.600000e+01 : f32
    %mul3A_257 = vector.broadcast %mul3A_256 : f32 to vector<2048x1xf32>
    %mul3A_258 = arith.mulf %mul3A_257, %convert_element_type3A_255 : vector<2048x1xf32>
    %add3A_259 = vector.broadcast %mul3A_258 : vector<2048x1xf32> to vector<2048x8xf32>
    %add3A_260 = arith.addf %dot_general3A_249, %add3A_259 : vector<2048x8xf32>
    %convert_element_type3A_261 = arith.fptosi %add3A_260 : vector<2048x8xf32> to vector<2048x8xi32>
    %swap3A_262 = arith.constant 0 : index
    %swap3A_263 = arith.constant 0 : index
    %swap3A_264 = vector.load %arg11[%swap3A_262, %swap3A_263] : memref<2048x8xi32, #tpu.memory_space<vmem>>, vector<2048x8xi32>
    tpu.vector_store %arg11[%swap3A_262, %swap3A_263], %convert_element_type3A_261 {strides = array<i32>} : memref<2048x8xi32, #tpu.memory_space<vmem>>, vector<2048x8xi32>,
    return
  }
  func.func @transform_0(%arg0: i32) -> (i32, i32) {
    %add3A = arith.constant 7 : i32
    %add3A_0 = arith.addi %arg0, %add3A : i32
    %c0_i32 = arith.constant 0 : i32
    %c0_i32_1 = arith.constant 0 : i32
    return %add3A_0, %c0_i32 : i32, i32
  }
  func.func @transform_1(%arg0: i32) -> (i32, i32) {
    %c0_i32 = arith.constant 0 : i32
    %c0_i32_0 = arith.constant 0 : i32
    %c0_i32_1 = arith.constant 0 : i32
    return %c0_i32, %c0_i32_0 : i32, i32
  }
  func.func @transform_2(%arg0: i32) -> (i32, i32) {
    %c0_i32 = arith.constant 0 : i32
    %c0_i32_0 = arith.constant 0 : i32
    %c0_i32_1 = arith.constant 0 : i32
    return %c0_i32, %c0_i32_0 : i32, i32
  }
  func.func @transform_3(%arg0: i32) -> (i32, i32) {
    %c0_i32 = arith.constant 0 : i32
    %c0_i32_0 = arith.constant 0 : i32
    %c0_i32_1 = arith.constant 0 : i32
    return %c0_i32, %c0_i32_0 : i32, i32
  }
  func.func @transform_4(%arg0: i32) -> (i32, i32) {
    %c0_i32 = arith.constant 0 : i32
    %c0_i32_0 = arith.constant 0 : i32
    %c0_i32_1 = arith.constant 0 : i32
    return %c0_i32, %c0_i32_0 : i32, i32
  }
  func.func @transform_5(%arg0: i32) -> (i32, i32) {
    %c0_i32 = arith.constant 0 : i32
    %c0_i32_0 = arith.constant 0 : i32
    %c0_i32_1 = arith.constant 0 : i32
    return %c0_i32, %c0_i32_0 : i32, i32
  }
  func.func @transform_6(%arg0: i32) -> (i32, i32) {
    %c0_i32 = arith.constant 0 : i32
    %c0_i32_0 = arith.constant 0 : i32
    %c0_i32_1 = arith.constant 0 : i32
    return %c0_i32, %c0_i32_0 : i32, i32
  }
  func.func @transform_7(%arg0: i32) -> (i32, i32) {
    %c0_i32 = arith.constant 0 : i32
    %c0_i32_0 = arith.constant 0 : i32
    %c0_i32_1 = arith.constant 0 : i32
    return %c0_i32, %c0_i32_0 : i32, i32
  }
  func.func @transform_8(%arg0: i32) -> (i32, i32) {
    %c0_i32 = arith.constant 0 : i32
    %c0_i32_0 = arith.constant 0 : i32
    %c0_i32_1 = arith.constant 0 : i32
    return %c0_i32, %c0_i32_0 : i32, i32
  }
  func.func @transform_9(%arg0: i32) -> (i32, i32) {
    %c0_i32 = arith.constant 0 : i32
    %c0_i32_0 = arith.constant 0 : i32
    return %arg0, %c0_i32 : i32, i32
  }
  func.func @transform_10(%arg0: i32) -> (i32, i32) {
    %c0_i32 = arith.constant 0 : i32
    %c0_i32_0 = arith.constant 0 : i32
    return %arg0, %c0_i32 : i32, i32
  }
}

module attributes {stable_mosaic.version = 14 : i64} {
  func.func @_stage_a_body(%arg0: i32, %arg1: memref<2048x128xf32, #tpu.memory_space<vmem>>, %arg2: memref<256x128xf32, #tpu.memory_space<vmem>>, %arg3: memref<1x256xf32, #tpu.memory_space<vmem>>, %arg4: memref<256x256xf32, #tpu.memory_space<vmem>>, %arg5: memref<1x256xf32, #tpu.memory_space<vmem>>, %arg6: memref<256x256xf32, #tpu.memory_space<vmem>>, %arg7: memref<1x256xf32, #tpu.memory_space<vmem>>, %arg8: memref<16x256xf32, #tpu.memory_space<vmem>>, %arg9: memref<1x16xf32, #tpu.memory_space<vmem>>, %arg10: memref<2048x256xf32, #tpu.memory_space<vmem>>, %arg11: memref<2048x8xi32, #tpu.memory_space<vmem>>) attributes {dimension_semantics = [#tpu.dimension_semantics<arbitrary>], iteration_bounds = array<i64: 7>, scalar_prefetch = 0 : i64, scratch_operands = 0 : i64, tpu.core_type = #tpu.core_type<tc>, window_params = [{transform_indices = @transform_0, window_bounds = array<i64: 2048, 128>}, {pipeline_mode = #tpu.pipeline_mode<synchronous>, transform_indices = @transform_1, window_bounds = array<i64: 256, 128>}, {pipeline_mode = #tpu.pipeline_mode<synchronous>, transform_indices = @transform_2, window_bounds = array<i64: 1, 256>}, {pipeline_mode = #tpu.pipeline_mode<synchronous>, transform_indices = @transform_3, window_bounds = array<i64: 256, 256>}, {pipeline_mode = #tpu.pipeline_mode<synchronous>, transform_indices = @transform_4, window_bounds = array<i64: 1, 256>}, {pipeline_mode = #tpu.pipeline_mode<synchronous>, transform_indices = @transform_5, window_bounds = array<i64: 256, 256>}, {pipeline_mode = #tpu.pipeline_mode<synchronous>, transform_indices = @transform_6, window_bounds = array<i64: 1, 256>}, {pipeline_mode = #tpu.pipeline_mode<synchronous>, transform_indices = @transform_7, window_bounds = array<i64: 16, 256>}, {pipeline_mode = #tpu.pipeline_mode<synchronous>, transform_indices = @transform_8, window_bounds = array<i64: 1, 16>}, {transform_indices = @transform_9, window_bounds = array<i64: 2048, 256>}, {transform_indices = @transform_10, window_bounds = array<i64: 2048, 8>}]} {
    %get3A = arith.constant 0 : index
    %get3A_0 = arith.constant 0 : index
    %get3A_1 = vector.load %arg1[%get3A, %get3A_0] : memref<2048x128xf32, #tpu.memory_space<vmem>>, vector<2048x128xf32>
    %get3A_2 = arith.constant 0 : index
    %get3A_3 = arith.constant 0 : index
    %get3A_4 = vector.load %arg2[%get3A_2, %get3A_3] : memref<256x128xf32, #tpu.memory_space<vmem>>, vector<256x128xf32>
    %convert_element_type3A = arith.truncf %get3A_1 : vector<2048x128xf32> to vector<2048x128xbf16>
    %convert_element_type3A_5 = arith.truncf %get3A_4 : vector<256x128xf32> to vector<256x128xbf16>
    %dot_general3A = arith.constant dense<0.000000e+00> : vector<2048x256xf32>
    %dot_general3A_6 = tpu.matmul %convert_element_type3A, %convert_element_type3A_5, %dot_general3A {dimension_numbers = #tpu.dot_dimension_numbers<[1], [1], [0], [0], [0, 0, 1, 0], [], []>, transpose_lhs_hint = false} : vector<2048x128xbf16>, vector<256x128xbf16>, vector<2048x256xf32> -> vector<2048x256xf32>
    %get3A_7 = arith.constant 0 : index
    %get3A_8 = arith.constant 0 : index
    %get3A_9 = vector.load %arg3[%get3A_7, %get3A_8] : memref<1x256xf32, #tpu.memory_space<vmem>>, vector<1x256xf32>
    %add3A = vector.broadcast %get3A_9 : vector<1x256xf32> to vector<2048x256xf32>
    %add3A_10 = arith.addf %dot_general3A_6, %add3A : vector<2048x256xf32>
    %logistic3A = arith.negf %add3A_10 : vector<2048x256xf32>
    %logistic3A_11 = math.exp %logistic3A : vector<2048x256xf32>
    %logistic3A_12 = arith.constant 1.000000e+00 : f32
    %logistic3A_13 = vector.broadcast %logistic3A_12 : f32 to vector<2048x256xf32>
    %logistic3A_14 = arith.addf %logistic3A_13, %logistic3A_11 : vector<2048x256xf32>
    %logistic3A_15 = arith.divf %logistic3A_13, %logistic3A_14 : vector<2048x256xf32>
    %mul3A = arith.mulf %add3A_10, %logistic3A_15 : vector<2048x256xf32>
    %get3A_16 = arith.constant 0 : index
    %get3A_17 = arith.constant 0 : index
    %get3A_18 = vector.load %arg4[%get3A_16, %get3A_17] : memref<256x256xf32, #tpu.memory_space<vmem>>, vector<256x256xf32>
    %convert_element_type3A_19 = arith.truncf %mul3A : vector<2048x256xf32> to vector<2048x256xbf16>
    %convert_element_type3A_20 = arith.truncf %get3A_18 : vector<256x256xf32> to vector<256x256xbf16>
    %dot_general3A_21 = arith.constant dense<0.000000e+00> : vector<2048x256xf32>
    %dot_general3A_22 = tpu.matmul %convert_element_type3A_19, %convert_element_type3A_20, %dot_general3A_21 {dimension_numbers = #tpu.dot_dimension_numbers<[1], [1], [0], [0], [0, 0, 1, 0], [], []>, transpose_lhs_hint = false} : vector<2048x256xbf16>, vector<256x256xbf16>, vector<2048x256xf32> -> vector<2048x256xf32>
    %get3A_23 = arith.constant 0 : index
    %get3A_24 = arith.constant 0 : index
    %get3A_25 = vector.load %arg5[%get3A_23, %get3A_24] : memref<1x256xf32, #tpu.memory_space<vmem>>, vector<1x256xf32>
    %add3A_26 = vector.broadcast %get3A_25 : vector<1x256xf32> to vector<2048x256xf32>
    %add3A_27 = arith.addf %dot_general3A_22, %add3A_26 : vector<2048x256xf32>
    %get3A_28 = arith.constant 0 : index
    %get3A_29 = arith.constant 0 : index
    %get3A_30 = vector.load %arg6[%get3A_28, %get3A_29] : memref<256x256xf32, #tpu.memory_space<vmem>>, vector<256x256xf32>
    %convert_element_type3A_31 = arith.truncf %add3A_27 : vector<2048x256xf32> to vector<2048x256xbf16>
    %convert_element_type3A_32 = arith.truncf %get3A_30 : vector<256x256xf32> to vector<256x256xbf16>
    %dot_general3A_33 = arith.constant dense<0.000000e+00> : vector<2048x256xf32>
    %dot_general3A_34 = tpu.matmul %convert_element_type3A_31, %convert_element_type3A_32, %dot_general3A_33 {dimension_numbers = #tpu.dot_dimension_numbers<[1], [1], [0], [0], [0, 0, 1, 0], [], []>, transpose_lhs_hint = false} : vector<2048x256xbf16>, vector<256x256xbf16>, vector<2048x256xf32> -> vector<2048x256xf32>
    %get3A_35 = arith.constant 0 : index
    %get3A_36 = arith.constant 0 : index
    %get3A_37 = vector.load %arg7[%get3A_35, %get3A_36] : memref<1x256xf32, #tpu.memory_space<vmem>>, vector<1x256xf32>
    %add3A_38 = vector.broadcast %get3A_37 : vector<1x256xf32> to vector<2048x256xf32>
    %add3A_39 = arith.addf %dot_general3A_34, %add3A_38 : vector<2048x256xf32>
    %logistic3A_40 = arith.negf %add3A_39 : vector<2048x256xf32>
    %logistic3A_41 = math.exp %logistic3A_40 : vector<2048x256xf32>
    %logistic3A_42 = arith.constant 1.000000e+00 : f32
    %logistic3A_43 = vector.broadcast %logistic3A_42 : f32 to vector<2048x256xf32>
    %logistic3A_44 = arith.addf %logistic3A_43, %logistic3A_41 : vector<2048x256xf32>
    %logistic3A_45 = arith.divf %logistic3A_43, %logistic3A_44 : vector<2048x256xf32>
    %mul3A_46 = arith.mulf %add3A_39, %logistic3A_45 : vector<2048x256xf32>
    %get3A_47 = arith.constant 0 : index
    %get3A_48 = arith.constant 0 : index
    %get3A_49 = vector.load %arg8[%get3A_47, %get3A_48] : memref<16x256xf32, #tpu.memory_space<vmem>>, vector<16x256xf32>
    %convert_element_type3A_50 = arith.truncf %mul3A_46 : vector<2048x256xf32> to vector<2048x256xbf16>
    %convert_element_type3A_51 = arith.truncf %get3A_49 : vector<16x256xf32> to vector<16x256xbf16>
    %dot_general3A_52 = arith.constant dense<0.000000e+00> : vector<2048x16xf32>
    %dot_general3A_53 = tpu.matmul %convert_element_type3A_50, %convert_element_type3A_51, %dot_general3A_52 {dimension_numbers = #tpu.dot_dimension_numbers<[1], [1], [0], [0], [0, 0, 1, 0], [], []>, transpose_lhs_hint = false} : vector<2048x256xbf16>, vector<16x256xbf16>, vector<2048x16xf32> -> vector<2048x16xf32>
    %get3A_54 = arith.constant 0 : index
    %get3A_55 = arith.constant 0 : index
    %get3A_56 = vector.load %arg9[%get3A_54, %get3A_55] : memref<1x16xf32, #tpu.memory_space<vmem>>, vector<1x16xf32>
    %add3A_57 = vector.broadcast %get3A_56 : vector<1x16xf32> to vector<2048x16xf32>
    %add3A_58 = arith.addf %dot_general3A_53, %add3A_57 : vector<2048x16xf32>
    %iota3A = tpu.iota {dimensions = array<i32: 1>} : vector<1x256xi32>
    %jit3A = arith.constant 16 : i32
    %div3A = vector.broadcast %jit3A : i32 to vector<1x256xi32>
    %div3A_59 = arith.divsi %iota3A, %div3A : vector<1x256xi32>
    %sign3A = arith.constant 0 : i32
    %sign3A_60 = vector.broadcast %sign3A : i32 to vector<1x256xi32>
    %sign3A_61 = arith.cmpi sgt, %iota3A, %sign3A_60 : vector<1x256xi32>
    %sign3A_62 = arith.extui %sign3A_61 : vector<1x256xi1> to vector<1x256xi32>
    %sign3A_63 = arith.constant 0 : i32
    %sign3A_64 = vector.broadcast %sign3A_63 : i32 to vector<1x256xi32>
    %sign3A_65 = arith.cmpi slt, %iota3A, %sign3A_64 : vector<1x256xi32>
    %sign3A_66 = arith.extui %sign3A_65 : vector<1x256xi1> to vector<1x256xi32>
    %sign3A_67 = arith.subi %sign3A_62, %sign3A_66 : vector<1x256xi32>
    %sign3A_68 = arith.constant 0 : i32
    %sign3A_69 = arith.cmpi sgt, %jit3A, %sign3A_68 : i32
    %sign3A_70 = arith.extui %sign3A_69 : i1 to i32
    %sign3A_71 = arith.constant 0 : i32
    %sign3A_72 = arith.cmpi slt, %jit3A, %sign3A_71 : i32
    %sign3A_73 = arith.extui %sign3A_72 : i1 to i32
    %sign3A_74 = arith.subi %sign3A_70, %sign3A_73 : i32
    %ne3A = vector.broadcast %sign3A_74 : i32 to vector<1x256xi32>
    %ne3A_75 = arith.cmpi ne, %sign3A_67, %ne3A : vector<1x256xi32>
    %rem3A = vector.broadcast %jit3A : i32 to vector<1x256xi32>
    %rem3A_76 = arith.remsi %iota3A, %rem3A : vector<1x256xi32>
    %ne3A_77 = arith.constant 0 : i32
    %ne3A_78 = vector.broadcast %ne3A_77 : i32 to vector<1x256xi32>
    %ne3A_79 = arith.cmpi ne, %rem3A_76, %ne3A_78 : vector<1x256xi32>
    %and3A = arith.andi %ne3A_75, %ne3A_79 : vector<1x256xi1>
    %sub3A = arith.constant 1 : i32
    %sub3A_80 = vector.broadcast %sub3A : i32 to vector<1x256xi32>
    %sub3A_81 = arith.subi %div3A_59, %sub3A_80 : vector<1x256xi32>
    %select_n3A = arith.select %and3A, %sub3A_81, %div3A_59 : vector<1x256xi1>, vector<1x256xi32>
    %jit3A_82 = arith.constant 16 : i32
    %eq3A = arith.constant 0 : i32
    %eq3A_83 = arith.cmpi eq, %jit3A_82, %eq3A : i32
    %jit3A_84 = arith.constant 1 : i32
    %select_n3A_85 = arith.select %eq3A_83, %jit3A_84, %jit3A_82 : i32
    %rem3A_86 = vector.broadcast %select_n3A_85 : i32 to vector<1x256xi32>
    %rem3A_87 = arith.remsi %iota3A, %rem3A_86 : vector<1x256xi32>
    %ne3A_88 = arith.constant 0 : i32
    %ne3A_89 = vector.broadcast %ne3A_88 : i32 to vector<1x256xi32>
    %ne3A_90 = arith.cmpi ne, %rem3A_87, %ne3A_89 : vector<1x256xi32>
    %lt3A = arith.constant 0 : i32
    %lt3A_91 = vector.broadcast %lt3A : i32 to vector<1x256xi32>
    %lt3A_92 = arith.cmpi slt, %rem3A_87, %lt3A_91 : vector<1x256xi32>
    %lt3A_93 = arith.constant 0 : i32
    %lt3A_94 = arith.cmpi slt, %select_n3A_85, %lt3A_93 : i32
    %ne3A_95 = vector.broadcast %lt3A_94 : i1 to vector<1x256xi1>
    %ne3A_96 = vector.broadcast %ne3A_95 : vector<1x256xi1> to vector<1x256xi1>
    %ne3A_97 = arith.xori %lt3A_92, %ne3A_96 : vector<1x256xi1>
    %and3A_98 = arith.andi %ne3A_97, %ne3A_90 : vector<1x256xi1>
    %add3A_99 = vector.broadcast %select_n3A_85 : i32 to vector<1x256xi32>
    %add3A_100 = arith.addi %rem3A_87, %add3A_99 : vector<1x256xi32>
    %select_n3A_101 = arith.select %and3A_98, %add3A_100, %rem3A_87 : vector<1x256xi1>, vector<1x256xi32>
    %iota3A_102 = tpu.iota {dimensions = array<i32: 0>} : vector<16x256xi32>
    %eq3A_103 = vector.broadcast %select_n3A : vector<1x256xi32> to vector<16x256xi32>
    %eq3A_104 = arith.cmpi eq, %iota3A_102, %eq3A_103 : vector<16x256xi32>
    %convert_element_type3A_105 = arith.extui %eq3A_104 : vector<16x256xi1> to vector<16x256xi32>
    %convert_element_type3A_106 = arith.sitofp %convert_element_type3A_105 : vector<16x256xi32> to vector<16x256xf32>
    %transpose3A = tpu.transpose %select_n3A, [1, 0] : vector<1x256xi32> -> vector<256x1xi32>
    %iota3A_107 = tpu.iota {dimensions = array<i32: 1>} : vector<256x16xi32>
    %eq3A_108 = vector.broadcast %transpose3A : vector<256x1xi32> to vector<256x16xi32>
    %eq3A_109 = arith.cmpi eq, %eq3A_108, %iota3A_107 : vector<256x16xi32>
    %convert_element_type3A_110 = arith.extui %eq3A_109 : vector<256x16xi1> to vector<256x16xi32>
    %convert_element_type3A_111 = arith.sitofp %convert_element_type3A_110 : vector<256x16xi32> to vector<256x16xf32>
    %tile3A = tpu.concatenate %add3A_58, %add3A_58, %add3A_58, %add3A_58, %add3A_58, %add3A_58, %add3A_58, %add3A_58, %add3A_58, %add3A_58, %add3A_58, %add3A_58, %add3A_58, %add3A_58, %add3A_58, %add3A_58 in 1 : vector<2048x16xf32>, vector<2048x16xf32>, vector<2048x16xf32>, vector<2048x16xf32>, vector<2048x16xf32>, vector<2048x16xf32>, vector<2048x16xf32>, vector<2048x16xf32>, vector<2048x16xf32>, vector<2048x16xf32>, vector<2048x16xf32>, vector<2048x16xf32>, vector<2048x16xf32>, vector<2048x16xf32>, vector<2048x16xf32>, vector<2048x16xf32> -> vector<2048x256xf32>
    %dot_general3A_112 = arith.constant dense<0.000000e+00> : vector<2048x256xf32>
    %dot_general3A_113 = tpu.matmul %add3A_58, %convert_element_type3A_106, %dot_general3A_112 {dimension_numbers = #tpu.dot_dimension_numbers<[1], [0], [0], [1], [0, 0, 1, 1], [], []>, precision = #tpu.contract_precision<fp32>, transpose_lhs_hint = false} : vector<2048x16xf32>, vector<16x256xf32>, vector<2048x256xf32> -> vector<2048x256xf32>
    %lt3A_114 = arith.cmpi slt, %select_n3A_101, %select_n3A : vector<1x256xi32>
    %gt3A = arith.cmpf ogt, %tile3A, %dot_general3A_113 : vector<2048x256xf32>
    %eq3A_115 = arith.cmpf oeq, %tile3A, %dot_general3A_113 : vector<2048x256xf32>
    %and3A_116 = vector.broadcast %lt3A_114 : vector<1x256xi1> to vector<2048x256xi1>
    %and3A_117 = arith.andi %eq3A_115, %and3A_116 : vector<2048x256xi1>
    %or3A = arith.ori %gt3A, %and3A_117 : vector<2048x256xi1>
    %jit3A_118 = arith.constant 1.000000e+00 : f32
    %jit3A_119 = arith.constant 0.000000e+00 : f32
    %broadcast_in_dim3A = vector.broadcast %jit3A_118 : f32 to vector<2048x256xf32>
    %broadcast_in_dim3A_120 = vector.broadcast %jit3A_119 : f32 to vector<2048x256xf32>
    %select_n3A_121 = arith.select %or3A, %broadcast_in_dim3A, %broadcast_in_dim3A_120 : vector<2048x256xi1>, vector<2048x256xf32>
    %dot_general3A_122 = arith.constant dense<0.000000e+00> : vector<2048x16xf32>
    %dot_general3A_123 = tpu.matmul %select_n3A_121, %convert_element_type3A_111, %dot_general3A_122 {dimension_numbers = #tpu.dot_dimension_numbers<[1], [0], [0], [1], [0, 0, 1, 1], [], []>, transpose_lhs_hint = false} : vector<2048x256xf32>, vector<256x16xf32>, vector<2048x16xf32> -> vector<2048x16xf32>
    %transpose3A_124 = tpu.transpose %select_n3A, [1, 0] : vector<1x256xi32> -> vector<256x1xi32>
    %eq3A_125 = vector.broadcast %transpose3A_124 : vector<256x1xi32> to vector<256x256xi32>
    %eq3A_126 = vector.broadcast %select_n3A : vector<1x256xi32> to vector<256x256xi32>
    %eq3A_127 = arith.cmpi eq, %eq3A_125, %eq3A_126 : vector<256x256xi32>
    %convert_element_type3A_128 = arith.extui %eq3A_127 : vector<256x256xi1> to vector<256x256xi32>
    %convert_element_type3A_129 = arith.sitofp %convert_element_type3A_128 : vector<256x256xi32> to vector<256x256xf32>
    %reduce_max3A = arith.constant dense<0xFF800000> : vector<2048xf32>
    %reduce_max3A_130 = vector.multi_reduction <maximumf>, %add3A_27, %reduce_max3A [1] : vector<2048x256xf32> to vector<2048xf32>
    %broadcast_in_dim3A_131 = vector.shape_cast %reduce_max3A_130 : vector<2048xf32> to vector<2048x1xf32>
    %sub3A_132 = vector.broadcast %broadcast_in_dim3A_131 : vector<2048x1xf32> to vector<2048x256xf32>
    %sub3A_133 = arith.subf %add3A_27, %sub3A_132 : vector<2048x256xf32>
    %exp3A = math.exp %sub3A_133 : vector<2048x256xf32>
    %dot_general3A_134 = arith.constant dense<0.000000e+00> : vector<2048x256xf32>
    %dot_general3A_135 = tpu.matmul %exp3A, %convert_element_type3A_129, %dot_general3A_134 {dimension_numbers = #tpu.dot_dimension_numbers<[1], [0], [0], [1], [0, 0, 1, 1], [], []>, precision = #tpu.contract_precision<fp32>, transpose_lhs_hint = false} : vector<2048x256xf32>, vector<256x256xf32>, vector<2048x256xf32> -> vector<2048x256xf32>
    %mul3A_136 = arith.constant 1.600000e+01 : f32
    %mul3A_137 = vector.broadcast %mul3A_136 : f32 to vector<2048x256xf32>
    %mul3A_138 = arith.mulf %exp3A, %mul3A_137 : vector<2048x256xf32>
    %gt3A_139 = arith.cmpf ogt, %mul3A_138, %dot_general3A_135 : vector<2048x256xf32>
    %jit3A_140 = arith.constant 1.000000e+00 : f32
    %jit3A_141 = arith.constant 0.000000e+00 : f32
    %broadcast_in_dim3A_142 = vector.broadcast %jit3A_140 : f32 to vector<2048x256xf32>
    %broadcast_in_dim3A_143 = vector.broadcast %jit3A_141 : f32 to vector<2048x256xf32>
    %select_n3A_144 = arith.select %gt3A_139, %broadcast_in_dim3A_142, %broadcast_in_dim3A_143 : vector<2048x256xi1>, vector<2048x256xf32>
    %swap3A = arith.constant 0 : index
    %swap3A_145 = arith.constant 0 : index
    %swap3A_146 = vector.load %arg10[%swap3A, %swap3A_145] : memref<2048x256xf32, #tpu.memory_space<vmem>>, vector<2048x256xf32>
    tpu.vector_store %arg10[%swap3A, %swap3A_145], %select_n3A_144 {strides = array<i32>} : memref<2048x256xf32, #tpu.memory_space<vmem>>, vector<2048x256xf32>,
    %iota3A_147 = tpu.iota {dimensions = array<i32: 1>} : vector<1x128xi32>
    %jit3A_148 = arith.constant 16 : i32
    %div3A_149 = vector.broadcast %jit3A_148 : i32 to vector<1x128xi32>
    %div3A_150 = arith.divsi %iota3A_147, %div3A_149 : vector<1x128xi32>
    %sign3A_151 = arith.constant 0 : i32
    %sign3A_152 = vector.broadcast %sign3A_151 : i32 to vector<1x128xi32>
    %sign3A_153 = arith.cmpi sgt, %iota3A_147, %sign3A_152 : vector<1x128xi32>
    %sign3A_154 = arith.extui %sign3A_153 : vector<1x128xi1> to vector<1x128xi32>
    %sign3A_155 = arith.constant 0 : i32
    %sign3A_156 = vector.broadcast %sign3A_155 : i32 to vector<1x128xi32>
    %sign3A_157 = arith.cmpi slt, %iota3A_147, %sign3A_156 : vector<1x128xi32>
    %sign3A_158 = arith.extui %sign3A_157 : vector<1x128xi1> to vector<1x128xi32>
    %sign3A_159 = arith.subi %sign3A_154, %sign3A_158 : vector<1x128xi32>
    %sign3A_160 = arith.constant 0 : i32
    %sign3A_161 = arith.cmpi sgt, %jit3A_148, %sign3A_160 : i32
    %sign3A_162 = arith.extui %sign3A_161 : i1 to i32
    %sign3A_163 = arith.constant 0 : i32
    %sign3A_164 = arith.cmpi slt, %jit3A_148, %sign3A_163 : i32
    %sign3A_165 = arith.extui %sign3A_164 : i1 to i32
    %sign3A_166 = arith.subi %sign3A_162, %sign3A_165 : i32
    %ne3A_167 = vector.broadcast %sign3A_166 : i32 to vector<1x128xi32>
    %ne3A_168 = arith.cmpi ne, %sign3A_159, %ne3A_167 : vector<1x128xi32>
    %rem3A_169 = vector.broadcast %jit3A_148 : i32 to vector<1x128xi32>
    %rem3A_170 = arith.remsi %iota3A_147, %rem3A_169 : vector<1x128xi32>
    %ne3A_171 = arith.constant 0 : i32
    %ne3A_172 = vector.broadcast %ne3A_171 : i32 to vector<1x128xi32>
    %ne3A_173 = arith.cmpi ne, %rem3A_170, %ne3A_172 : vector<1x128xi32>
    %and3A_174 = arith.andi %ne3A_168, %ne3A_173 : vector<1x128xi1>
    %sub3A_175 = arith.constant 1 : i32
    %sub3A_176 = vector.broadcast %sub3A_175 : i32 to vector<1x128xi32>
    %sub3A_177 = arith.subi %div3A_150, %sub3A_176 : vector<1x128xi32>
    %select_n3A_178 = arith.select %and3A_174, %sub3A_177, %div3A_150 : vector<1x128xi1>, vector<1x128xi32>
    %jit3A_179 = arith.constant 16 : i32
    %eq3A_180 = arith.constant 0 : i32
    %eq3A_181 = arith.cmpi eq, %jit3A_179, %eq3A_180 : i32
    %jit3A_182 = arith.constant 1 : i32
    %select_n3A_183 = arith.select %eq3A_181, %jit3A_182, %jit3A_179 : i32
    %rem3A_184 = vector.broadcast %select_n3A_183 : i32 to vector<1x128xi32>
    %rem3A_185 = arith.remsi %iota3A_147, %rem3A_184 : vector<1x128xi32>
    %ne3A_186 = arith.constant 0 : i32
    %ne3A_187 = vector.broadcast %ne3A_186 : i32 to vector<1x128xi32>
    %ne3A_188 = arith.cmpi ne, %rem3A_185, %ne3A_187 : vector<1x128xi32>
    %lt3A_189 = arith.constant 0 : i32
    %lt3A_190 = vector.broadcast %lt3A_189 : i32 to vector<1x128xi32>
    %lt3A_191 = arith.cmpi slt, %rem3A_185, %lt3A_190 : vector<1x128xi32>
    %lt3A_192 = arith.constant 0 : i32
    %lt3A_193 = arith.cmpi slt, %select_n3A_183, %lt3A_192 : i32
    %ne3A_194 = vector.broadcast %lt3A_193 : i1 to vector<1x128xi1>
    %ne3A_195 = vector.broadcast %ne3A_194 : vector<1x128xi1> to vector<1x128xi1>
    %ne3A_196 = arith.xori %lt3A_191, %ne3A_195 : vector<1x128xi1>
    %and3A_197 = arith.andi %ne3A_196, %ne3A_188 : vector<1x128xi1>
    %add3A_198 = vector.broadcast %select_n3A_183 : i32 to vector<1x128xi32>
    %add3A_199 = arith.addi %rem3A_185, %add3A_198 : vector<1x128xi32>
    %select_n3A_200 = arith.select %and3A_197, %add3A_199, %rem3A_185 : vector<1x128xi1>, vector<1x128xi32>
    %convert_element_type3A_201 = arith.sitofp %select_n3A_200 : vector<1x128xi32> to vector<1x128xf32>
    %transpose3A_202 = tpu.transpose %iota3A_147, [1, 0] : vector<1x128xi32> -> vector<128x1xi32>
    %jit3A_203 = arith.constant 16 : i32
    %div3A_204 = vector.broadcast %jit3A_203 : i32 to vector<128x1xi32>
    %div3A_205 = arith.divsi %transpose3A_202, %div3A_204 : vector<128x1xi32>
    %sign3A_206 = arith.constant 0 : i32
    %sign3A_207 = vector.broadcast %sign3A_206 : i32 to vector<128x1xi32>
    %sign3A_208 = arith.cmpi sgt, %transpose3A_202, %sign3A_207 : vector<128x1xi32>
    %sign3A_209 = arith.extui %sign3A_208 : vector<128x1xi1> to vector<128x1xi32>
    %sign3A_210 = arith.constant 0 : i32
    %sign3A_211 = vector.broadcast %sign3A_210 : i32 to vector<128x1xi32>
    %sign3A_212 = arith.cmpi slt, %transpose3A_202, %sign3A_211 : vector<128x1xi32>
    %sign3A_213 = arith.extui %sign3A_212 : vector<128x1xi1> to vector<128x1xi32>
    %sign3A_214 = arith.subi %sign3A_209, %sign3A_213 : vector<128x1xi32>
    %sign3A_215 = arith.constant 0 : i32
    %sign3A_216 = arith.cmpi sgt, %jit3A_203, %sign3A_215 : i32
    %sign3A_217 = arith.extui %sign3A_216 : i1 to i32
    %sign3A_218 = arith.constant 0 : i32
    %sign3A_219 = arith.cmpi slt, %jit3A_203, %sign3A_218 : i32
    %sign3A_220 = arith.extui %sign3A_219 : i1 to i32
    %sign3A_221 = arith.subi %sign3A_217, %sign3A_220 : i32
    %ne3A_222 = vector.broadcast %sign3A_221 : i32 to vector<128x1xi32>
    %ne3A_223 = arith.cmpi ne, %sign3A_214, %ne3A_222 : vector<128x1xi32>
    %rem3A_224 = vector.broadcast %jit3A_203 : i32 to vector<128x1xi32>
    %rem3A_225 = arith.remsi %transpose3A_202, %rem3A_224 : vector<128x1xi32>
    %ne3A_226 = arith.constant 0 : i32
    %ne3A_227 = vector.broadcast %ne3A_226 : i32 to vector<128x1xi32>
    %ne3A_228 = arith.cmpi ne, %rem3A_225, %ne3A_227 : vector<128x1xi32>
    %and3A_229 = arith.andi %ne3A_223, %ne3A_228 : vector<128x1xi1>
    %sub3A_230 = arith.constant 1 : i32
    %sub3A_231 = vector.broadcast %sub3A_230 : i32 to vector<128x1xi32>
    %sub3A_232 = arith.subi %div3A_205, %sub3A_231 : vector<128x1xi32>
    %select_n3A_233 = arith.select %and3A_229, %sub3A_232, %div3A_205 : vector<128x1xi1>, vector<128x1xi32>
    %iota3A_234 = tpu.iota {dimensions = array<i32: 1>} : vector<128x8xi32>
    %eq3A_235 = vector.broadcast %select_n3A_233 : vector<128x1xi32> to vector<128x8xi32>
    %eq3A_236 = arith.cmpi eq, %eq3A_235, %iota3A_234 : vector<128x8xi32>
    %convert_element_type3A_237 = arith.extui %eq3A_236 : vector<128x8xi1> to vector<128x8xi32>
    %convert_element_type3A_238 = arith.sitofp %convert_element_type3A_237 : vector<128x8xi32> to vector<128x8xf32>
    %tile3A_239 = tpu.concatenate %dot_general3A_123, %dot_general3A_123, %dot_general3A_123, %dot_general3A_123, %dot_general3A_123, %dot_general3A_123, %dot_general3A_123, %dot_general3A_123 in 1 : vector<2048x16xf32>, vector<2048x16xf32>, vector<2048x16xf32>, vector<2048x16xf32>, vector<2048x16xf32>, vector<2048x16xf32>, vector<2048x16xf32>, vector<2048x16xf32> -> vector<2048x128xf32>
    %convert_element_type3A_240 = arith.sitofp %select_n3A_178 : vector<1x128xi32> to vector<1x128xf32>
    %eq3A_241 = vector.broadcast %convert_element_type3A_240 : vector<1x128xf32> to vector<2048x128xf32>
    %eq3A_242 = arith.cmpf oeq, %tile3A_239, %eq3A_241 : vector<2048x128xf32>
    %jit3A_243 = arith.constant 0.000000e+00 : f32
    %broadcast_in_dim3A_244 = vector.shape_cast %convert_element_type3A_201 : vector<1x128xf32> to vector<1x128xf32>
    %broadcast_in_dim3A_245 = vector.broadcast %broadcast_in_dim3A_244 : vector<1x128xf32> to vector<2048x128xf32>
    %broadcast_in_dim3A_246 = vector.broadcast %jit3A_243 : f32 to vector<2048x128xf32>
    %select_n3A_247 = arith.select %eq3A_242, %broadcast_in_dim3A_245, %broadcast_in_dim3A_246 : vector<2048x128xi1>, vector<2048x128xf32>
    %dot_general3A_248 = arith.constant dense<0.000000e+00> : vector<2048x8xf32>
    %dot_general3A_249 = tpu.matmul %select_n3A_247, %convert_element_type3A_238, %dot_general3A_248 {dimension_numbers = #tpu.dot_dimension_numbers<[1], [0], [0], [1], [0, 0, 1, 1], [], []>, transpose_lhs_hint = false} : vector<2048x128xf32>, vector<128x8xf32>, vector<2048x8xf32> -> vector<2048x8xf32>
    %mul3A_250 = arith.constant 2048 : i32
    %mul3A_251 = arith.muli %arg0, %mul3A_250 : i32
    %iota3A_252 = tpu.iota {dimensions = array<i32: 0>} : vector<2048x1xi32>
    %add3A_253 = vector.broadcast %mul3A_251 : i32 to vector<2048x1xi32>
    %add3A_254 = arith.addi %add3A_253, %iota3A_252 : vector<2048x1xi32>
    %convert_element_type3A_255 = arith.sitofp %add3A_254 : vector<2048x1xi32> to vector<2048x1xf32>
    %mul3A_256 = arith.constant 1.600000e+01 : f32
    %mul3A_257 = vector.broadcast %mul3A_256 : f32 to vector<2048x1xf32>
    %mul3A_258 = arith.mulf %mul3A_257, %convert_element_type3A_255 : vector<2048x1xf32>
    %add3A_259 = vector.broadcast %mul3A_258 : vector<2048x1xf32> to vector<2048x8xf32>
    %add3A_260 = arith.addf %dot_general3A_249, %add3A_259 : vector<2048x8xf32>
    %convert_element_type3A_261 = arith.fptosi %add3A_260 : vector<2048x8xf32> to vector<2048x8xi32>
    %swap3A_262 = arith.constant 0 : index
    %swap3A_263 = arith.constant 0 : index
    %swap3A_264 = vector.load %arg11[%swap3A_262, %swap3A_263] : memref<2048x8xi32, #tpu.memory_space<vmem>>, vector<2048x8xi32>
    tpu.vector_store %arg11[%swap3A_262, %swap3A_263], %convert_element_type3A_261 {strides = array<i32>} : memref<2048x8xi32, #tpu.memory_space<vmem>>, vector<2048x8xi32>,
    return
  }
  func.func @transform_0(%arg0: i32) -> (i32, i32) {
    %add3A = arith.constant 0 : i32
    %add3A_0 = arith.addi %arg0, %add3A : i32
    %c0_i32 = arith.constant 0 : i32
    %c0_i32_1 = arith.constant 0 : i32
    return %add3A_0, %c0_i32 : i32, i32
  }
  func.func @transform_1(%arg0: i32) -> (i32, i32) {
    %c0_i32 = arith.constant 0 : i32
    %c0_i32_0 = arith.constant 0 : i32
    %c0_i32_1 = arith.constant 0 : i32
    return %c0_i32, %c0_i32_0 : i32, i32
  }
  func.func @transform_2(%arg0: i32) -> (i32, i32) {
    %c0_i32 = arith.constant 0 : i32
    %c0_i32_0 = arith.constant 0 : i32
    %c0_i32_1 = arith.constant 0 : i32
    return %c0_i32, %c0_i32_0 : i32, i32
  }
  func.func @transform_3(%arg0: i32) -> (i32, i32) {
    %c0_i32 = arith.constant 0 : i32
    %c0_i32_0 = arith.constant 0 : i32
    %c0_i32_1 = arith.constant 0 : i32
    return %c0_i32, %c0_i32_0 : i32, i32
  }
  func.func @transform_4(%arg0: i32) -> (i32, i32) {
    %c0_i32 = arith.constant 0 : i32
    %c0_i32_0 = arith.constant 0 : i32
    %c0_i32_1 = arith.constant 0 : i32
    return %c0_i32, %c0_i32_0 : i32, i32
  }
  func.func @transform_5(%arg0: i32) -> (i32, i32) {
    %c0_i32 = arith.constant 0 : i32
    %c0_i32_0 = arith.constant 0 : i32
    %c0_i32_1 = arith.constant 0 : i32
    return %c0_i32, %c0_i32_0 : i32, i32
  }
  func.func @transform_6(%arg0: i32) -> (i32, i32) {
    %c0_i32 = arith.constant 0 : i32
    %c0_i32_0 = arith.constant 0 : i32
    %c0_i32_1 = arith.constant 0 : i32
    return %c0_i32, %c0_i32_0 : i32, i32
  }
  func.func @transform_7(%arg0: i32) -> (i32, i32) {
    %c0_i32 = arith.constant 0 : i32
    %c0_i32_0 = arith.constant 0 : i32
    %c0_i32_1 = arith.constant 0 : i32
    return %c0_i32, %c0_i32_0 : i32, i32
  }
  func.func @transform_8(%arg0: i32) -> (i32, i32) {
    %c0_i32 = arith.constant 0 : i32
    %c0_i32_0 = arith.constant 0 : i32
    %c0_i32_1 = arith.constant 0 : i32
    return %c0_i32, %c0_i32_0 : i32, i32
  }
  func.func @transform_9(%arg0: i32) -> (i32, i32) {
    %c0_i32 = arith.constant 0 : i32
    %c0_i32_0 = arith.constant 0 : i32
    return %arg0, %c0_i32 : i32, i32
  }
  func.func @transform_10(%arg0: i32) -> (i32, i32) {
    %c0_i32 = arith.constant 0 : i32
    %c0_i32_0 = arith.constant 0 : i32
    return %arg0, %c0_i32 : i32, i32
  }
}

module attributes {stable_mosaic.version = 14 : i64} {
  func.func @_stage_b_body(%arg0: i32, %arg1: memref<2048x128xf32, #tpu.memory_space<vmem>>, %arg2: memref<64x128xf32, #tpu.memory_space<vmem>>, %arg3: memref<256x64xf32, #tpu.memory_space<vmem>>, %arg4: memref<1x256xf32, #tpu.memory_space<vmem>>, %arg5: memref<128x256xf32, #tpu.memory_space<vmem>>, %arg6: memref<1x128xf32, #tpu.memory_space<vmem>>, %arg7: memref<2048x128xf32, #tpu.memory_space<vmem>>, %arg8: memref<2048x1xf32, #tpu.memory_space<vmem>>) attributes {dimension_semantics = [#tpu.dimension_semantics<arbitrary>], iteration_bounds = array<i64: 8>, scalar_prefetch = 0 : i64, scratch_operands = 0 : i64, tpu.core_type = #tpu.core_type<tc>, window_params = [{transform_indices = @transform_0, window_bounds = array<i64: 2048, 128>}, {pipeline_mode = #tpu.pipeline_mode<synchronous>, transform_indices = @transform_1, window_bounds = array<i64: 64, 128>}, {pipeline_mode = #tpu.pipeline_mode<synchronous>, transform_indices = @transform_2, window_bounds = array<i64: 256, 64>}, {pipeline_mode = #tpu.pipeline_mode<synchronous>, transform_indices = @transform_3, window_bounds = array<i64: 1, 256>}, {pipeline_mode = #tpu.pipeline_mode<synchronous>, transform_indices = @transform_4, window_bounds = array<i64: 128, 256>}, {pipeline_mode = #tpu.pipeline_mode<synchronous>, transform_indices = @transform_5, window_bounds = array<i64: 1, 128>}, {transform_indices = @transform_6, window_bounds = array<i64: 2048, 128>}, {transform_indices = @transform_7, window_bounds = array<i64: 2048, 1>}]} {
    %get3A = arith.constant 0 : index
    %get3A_0 = arith.constant 0 : index
    %get3A_1 = vector.load %arg1[%get3A, %get3A_0] : memref<2048x128xf32, #tpu.memory_space<vmem>>, vector<2048x128xf32>
    %reduce_sum3A = arith.constant dense<0.000000e+00> : vector<2048xf32>
    %reduce_sum3A_2 = vector.multi_reduction <add>, %get3A_1, %reduce_sum3A [1] : vector<2048x128xf32> to vector<2048xf32>
    %broadcast_in_dim3A = vector.shape_cast %reduce_sum3A_2 : vector<2048xf32> to vector<2048x1xf32>
    %jit3A = arith.constant 1.000000e+00 : f32
    %jit3A_3 = arith.constant 1.280000e+02 : f32
    %max3A = vector.broadcast %jit3A : f32 to vector<2048x1xf32>
    %max3A_4 = arith.maximumf %max3A, %broadcast_in_dim3A : vector<2048x1xf32>
    %min3A = vector.broadcast %jit3A_3 : f32 to vector<2048x1xf32>
    %min3A_5 = arith.minimumf %min3A, %max3A_4 : vector<2048x1xf32>
    %div3A = vector.broadcast %min3A_5 : vector<2048x1xf32> to vector<2048x128xf32>
    %div3A_6 = arith.divf %get3A_1, %div3A : vector<2048x128xf32>
    %get3A_7 = arith.constant 0 : index
    %get3A_8 = arith.constant 0 : index
    %get3A_9 = vector.load %arg2[%get3A_7, %get3A_8] : memref<64x128xf32, #tpu.memory_space<vmem>>, vector<64x128xf32>
    %convert_element_type3A = arith.truncf %div3A_6 : vector<2048x128xf32> to vector<2048x128xbf16>
    %convert_element_type3A_10 = arith.truncf %get3A_9 : vector<64x128xf32> to vector<64x128xbf16>
    %dot_general3A = arith.constant dense<0.000000e+00> : vector<2048x64xf32>
    %dot_general3A_11 = tpu.matmul %convert_element_type3A, %convert_element_type3A_10, %dot_general3A {dimension_numbers = #tpu.dot_dimension_numbers<[1], [1], [0], [0], [0, 0, 1, 0], [], []>, transpose_lhs_hint = false} : vector<2048x128xbf16>, vector<64x128xbf16>, vector<2048x64xf32> -> vector<2048x64xf32>
    %get3A_12 = arith.constant 0 : index
    %get3A_13 = arith.constant 0 : index
    %get3A_14 = vector.load %arg3[%get3A_12, %get3A_13] : memref<256x64xf32, #tpu.memory_space<vmem>>, vector<256x64xf32>
    %convert_element_type3A_15 = arith.truncf %dot_general3A_11 : vector<2048x64xf32> to vector<2048x64xbf16>
    %convert_element_type3A_16 = arith.truncf %get3A_14 : vector<256x64xf32> to vector<256x64xbf16>
    %dot_general3A_17 = arith.constant dense<0.000000e+00> : vector<2048x256xf32>
    %dot_general3A_18 = tpu.matmul %convert_element_type3A_15, %convert_element_type3A_16, %dot_general3A_17 {dimension_numbers = #tpu.dot_dimension_numbers<[1], [1], [0], [0], [0, 0, 1, 0], [], []>, transpose_lhs_hint = false} : vector<2048x64xbf16>, vector<256x64xbf16>, vector<2048x256xf32> -> vector<2048x256xf32>
    %get3A_19 = arith.constant 0 : index
    %get3A_20 = arith.constant 0 : index
    %get3A_21 = vector.load %arg4[%get3A_19, %get3A_20] : memref<1x256xf32, #tpu.memory_space<vmem>>, vector<1x256xf32>
    %add3A = vector.broadcast %get3A_21 : vector<1x256xf32> to vector<2048x256xf32>
    %add3A_22 = arith.addf %dot_general3A_18, %add3A : vector<2048x256xf32>
    %logistic3A = arith.negf %add3A_22 : vector<2048x256xf32>
    %logistic3A_23 = math.exp %logistic3A : vector<2048x256xf32>
    %logistic3A_24 = arith.constant 1.000000e+00 : f32
    %logistic3A_25 = vector.broadcast %logistic3A_24 : f32 to vector<2048x256xf32>
    %logistic3A_26 = arith.addf %logistic3A_25, %logistic3A_23 : vector<2048x256xf32>
    %logistic3A_27 = arith.divf %logistic3A_25, %logistic3A_26 : vector<2048x256xf32>
    %mul3A = arith.mulf %add3A_22, %logistic3A_27 : vector<2048x256xf32>
    %get3A_28 = arith.constant 0 : index
    %get3A_29 = arith.constant 0 : index
    %get3A_30 = vector.load %arg5[%get3A_28, %get3A_29] : memref<128x256xf32, #tpu.memory_space<vmem>>, vector<128x256xf32>
    %convert_element_type3A_31 = arith.truncf %mul3A : vector<2048x256xf32> to vector<2048x256xbf16>
    %convert_element_type3A_32 = arith.truncf %get3A_30 : vector<128x256xf32> to vector<128x256xbf16>
    %dot_general3A_33 = arith.constant dense<0.000000e+00> : vector<2048x128xf32>
    %dot_general3A_34 = tpu.matmul %convert_element_type3A_31, %convert_element_type3A_32, %dot_general3A_33 {dimension_numbers = #tpu.dot_dimension_numbers<[1], [1], [0], [0], [0, 0, 1, 0], [], []>, transpose_lhs_hint = false} : vector<2048x256xbf16>, vector<128x256xbf16>, vector<2048x128xf32> -> vector<2048x128xf32>
    %get3A_35 = arith.constant 0 : index
    %get3A_36 = arith.constant 0 : index
    %get3A_37 = vector.load %arg6[%get3A_35, %get3A_36] : memref<1x128xf32, #tpu.memory_space<vmem>>, vector<1x128xf32>
    %add3A_38 = vector.broadcast %get3A_37 : vector<1x128xf32> to vector<2048x128xf32>
    %add3A_39 = arith.addf %dot_general3A_34, %add3A_38 : vector<2048x128xf32>
    %swap3A = arith.constant 0 : index
    %swap3A_40 = arith.constant 0 : index
    %swap3A_41 = vector.load %arg7[%swap3A, %swap3A_40] : memref<2048x128xf32, #tpu.memory_space<vmem>>, vector<2048x128xf32>
    tpu.vector_store %arg7[%swap3A, %swap3A_40], %add3A_39 {strides = array<i32>} : memref<2048x128xf32, #tpu.memory_space<vmem>>, vector<2048x128xf32>,
    %swap3A_42 = arith.constant 0 : index
    %swap3A_43 = arith.constant 0 : index
    %swap3A_44 = vector.load %arg8[%swap3A_42, %swap3A_43] : memref<2048x1xf32, #tpu.memory_space<vmem>>, vector<2048x1xf32>
    tpu.vector_store %arg8[%swap3A_42, %swap3A_43], %min3A_5 {strides = array<i32>} : memref<2048x1xf32, #tpu.memory_space<vmem>>, vector<2048x1xf32>,
    return
  }
  func.func @transform_0(%arg0: i32) -> (i32, i32) {
    %c0_i32 = arith.constant 0 : i32
    %c0_i32_0 = arith.constant 0 : i32
    return %arg0, %c0_i32 : i32, i32
  }
  func.func @transform_1(%arg0: i32) -> (i32, i32) {
    %c0_i32 = arith.constant 0 : i32
    %c0_i32_0 = arith.constant 0 : i32
    %c0_i32_1 = arith.constant 0 : i32
    return %c0_i32, %c0_i32_0 : i32, i32
  }
  func.func @transform_2(%arg0: i32) -> (i32, i32) {
    %c0_i32 = arith.constant 0 : i32
    %c0_i32_0 = arith.constant 0 : i32
    %c0_i32_1 = arith.constant 0 : i32
    return %c0_i32, %c0_i32_0 : i32, i32
  }
  func.func @transform_3(%arg0: i32) -> (i32, i32) {
    %c0_i32 = arith.constant 0 : i32
    %c0_i32_0 = arith.constant 0 : i32
    %c0_i32_1 = arith.constant 0 : i32
    return %c0_i32, %c0_i32_0 : i32, i32
  }
  func.func @transform_4(%arg0: i32) -> (i32, i32) {
    %c0_i32 = arith.constant 0 : i32
    %c0_i32_0 = arith.constant 0 : i32
    %c0_i32_1 = arith.constant 0 : i32
    return %c0_i32, %c0_i32_0 : i32, i32
  }
  func.func @transform_5(%arg0: i32) -> (i32, i32) {
    %c0_i32 = arith.constant 0 : i32
    %c0_i32_0 = arith.constant 0 : i32
    %c0_i32_1 = arith.constant 0 : i32
    return %c0_i32, %c0_i32_0 : i32, i32
  }
  func.func @transform_6(%arg0: i32) -> (i32, i32) {
    %c0_i32 = arith.constant 0 : i32
    %c0_i32_0 = arith.constant 0 : i32
    return %arg0, %c0_i32 : i32, i32
  }
  func.func @transform_7(%arg0: i32) -> (i32, i32) {
    %c0_i32 = arith.constant 0 : i32
    %c0_i32_0 = arith.constant 0 : i32
    return %arg0, %c0_i32 : i32, i32
  }
}

</mosaic_0001>

<sc_bundles>
// kernel: _run.10.cloned.1.call-start
scs
__scs_entry_jumppad:
0x0: {  	(pc) =	sbr.rel $0x88, $3  }
0x1: {  	(tag) =	ssettag $0x0;
	lr =	simm.s32 $0x1  }
0x2: {  	[smem:$0x3F93] =	sst lr;
	_ =	strace $0xD0000000  }
0x3: {  	_ = 	snop  }
0x4: {  	_ = 	snop  }
0x5: {  	_ = 	snop  }
0x6: {  	_ = 	snop  }
0x7: {  	_ = 	snop  }
__scs_overlays_trampoline_lowered:
0x8: {  	[smem:$0x3FA2] =	sst s0  }
0x9: {  	[smem:$0x3FA3] =	sst s1  }
0xa: {  	[smem:$0x3FA4] =	sst s2  }
0xb: {  	[smem:$0x3FA5] =	sst s3  }
0xc: {  	[smem:$0x3FA6] =	sst s4  }
0xd: {  	[smem:$0x3FA7] =	sst s5  }
0xe: {  	[smem:$0x3FA8] =	sst s6  }
0xf: {  	[smem:$0x3FA9] =	sst s7  }
0x10: {  	[smem:$0x3FAA] =	sst s8  }
0x11: {  	[smem:$0x3FAB] =	sst s9;
	s0 =	simm.s32 @!p0 $0x0  }
0x12: {  	s1 =	sld [smem:$0x3F91];
	s0 =	simm.s32 @p0 $0x1  }
0x13: {  	[smem:$0x3FAC] =	sst s0;
	s0 =	simm.s32 @!p1 $0x0  }
0x14: {  	s2 =	sld [smem:$0x3F90];
	s0 =	simm.s32 @p1 $0x1  }
0x15: {  	[smem:$0x3FAD] =	sst s0;
	s0 =	simm.s32 @!p2 $0x0  }
0x16: {  	s3 =	sld [smem:$0x3FDB];
	s0 =	simm.s32 @p2 $0x1  }
0x17: {  	s4 =	simm.s32 $0x1BF5;
	[smem:$0x3FAF] =	sst s0  }
0x18: {  	s0 =	sld [smem:$0x3F92];
	_ =	swait.ge [sflag:s4], $0x0  }
0x19: {  	s7 =	sld [smem:$0x3F93]  }
0x1a: {  	s8 =	sadd.s32 $0xFFFFE003, lr  }
0x1b: {  	s9 =	sadd.s32 $0xFFFFFEF7, lr;
	s5 =	simm.s32 $0xFFFFFFFF;
	p2 =	slt.u32 s8, $0xFFFFF086  }
0x1c: {  	p1 =	slt.u32 s9, $0xF7A;
	s5 =	simm.s32 @!p2 $0x0  }
0x1d: {  	s5 =	simm.s32 @p1 $0x1;
	p0 =	seq.s32 s7, s2  }
0x1e: {  	s7 =	smul.u32 @!p0 $0xF7A, s2;
	p2 =	seq.s32 @!p0 s5, $0x0  }
0x1f: {  	s9 =	smul.u32 $0xF7A, s1;
	s8 =	simm.s32 @!p0 $0x1BF5;
	p2 =	por !p2, p0  }
0x20: {  	[sflag:s8] =	ssyncset.s32 @!p0 $0xFFFFF086;
	s6 =	sadd.s32 @!p0 s3, s7;
	s7 =	simm.s32 @!p0 $0x108  }
0x21: {  	s3 =	sadd.s32 s3, s9;
	s6 =	sadd.s32 @!p0 $0x88, s6;
	s7 =	simm.s32 @p2 $0x1082  }
0x22: {  	[simem:s7], [sflag:s8] =	dma.local @!p0 [hbm:s6], $0xF7A  }
0x23: {  	s9 =	sor.u32 $0xD0000000, s2;
	s6 =	simm.s32 $0x108;
	_ =	swait.ge @!p0 [sflag:s8], $0x0  }
0x24: {  	s3 =	sadd.s32 $0x88, s3;
	s6 =	simm.s32 @!p1 $0x1082;
	[sflag:s4] =	ssyncset.s32 $0xFFFFF086  }
0x25: {  	[simem:s6], [sflag:s4] =	dma.local [hbm:s3], $0xF7A  }
0x26: {  	[smem:$0x3F93] =	sst s1;
	(tag) =	ssettag s2;
	_ =	strace s9  }
0x27: {  	s1 =	sld [smem:$0x3FA3]  }
0x28: {  	s2 =	sld [smem:$0x3FA4]  }
0x29: {  	s4 =	sld [smem:$0x3FA6]  }
0x2a: {  	p0 =	seq.s32 s5, $0x0;
	s5 =	sld [smem:$0x3FA7]  }
0x2b: {  	s6 =	sld [smem:$0x3FA8]  }
0x2c: {  	s7 =	sld [smem:$0x3FA9]  }
0x2d: {  	s3 =	simm.s32 $0x108;
	s8 =	sld [smem:$0x3FAA]  }
0x2e: {  	s3 =	simm.s32 @!p0 $0x1082;
	s9 =	sld [smem:$0x3FAB]  }
0x2f: {  	lr =	sadd.s32 s0, s3;
	s0 =	sld [smem:$0x3FA2]  }
0x30: {  	s3 =	sld [smem:$0x3FA5]  }
0x31: {  	[smem:$0x3FAE] =	sst s10  }
0x32: {  	s10 =	sld [smem:$0x3FAC];
	_ =	sdelay $0x3  }
0x33: {  	p0 =	seq.s32 s10, $0x1;
	s10 =	sld [smem:$0x3FAE];
	_ =	sdelay $0x3  }
0x34: {  	[smem:$0x3FAE] =	sst s10  }
0x35: {  	s10 =	sld [smem:$0x3FAD];
	_ =	sdelay $0x3  }
0x36: {  	p1 =	seq.s32 s10, $0x1;
	s10 =	sld [smem:$0x3FAE];
	_ =	sdelay $0x3  }
0x37: {  	[smem:$0x3FAE] =	sst s10  }
0x38: {  	s10 =	sld [smem:$0x3FAF]  }
0x39: {  	_ = 	snop;
	(pc) =	sbr.ind lr, $3  }
0x3a: {  	_ = 	snop  }
0x3b: {  	_ = 	snop  }
0x3c: {  	p2 =	seq.s32 s10, $0x1;
	s10 =	sld [smem:$0x3FAE]  }
0x3d: {  	_ =	shalt  }
0x3e: {  	_ =	shalt  }
0x3f: {  	_ =	shalt  }
0x40: {  	_ =	shalt  }
0x41: {  	_ =	shalt  }
0x42: {  	_ =	shalt  }
0x43: {  	_ =	shalt  }
0x44: {  	_ =	shalt  }
0x45: {  	_ =	shalt  }
0x46: {  	_ =	shalt  }
0x47: {  	_ =	shalt  }
0x48: {  	_ =	shalt  }
0x49: {  	_ =	shalt  }
0x4a: {  	_ =	shalt  }
0x4b: {  	_ =	shalt  }
0x4c: {  	_ =	shalt  }
0x4d: {  	_ =	shalt  }
0x4e: {  	_ =	shalt  }
0x4f: {  	_ =	shalt  }
0x50: {  	_ =	shalt  }
0x51: {  	_ =	shalt  }
0x52: {  	_ =	shalt  }
0x53: {  	_ =	shalt  }
0x54: {  	_ =	shalt  }
0x55: {  	_ =	shalt  }
0x56: {  	_ =	shalt  }
0x57: {  	_ =	shalt  }
0x58: {  	_ =	shalt  }
0x59: {  	_ =	shalt  }
0x5a: {  	_ =	shalt  }
0x5b: {  	_ =	shalt  }
0x5c: {  	_ =	shalt  }
0x5d: {  	_ =	shalt  }
0x5e: {  	_ =	shalt  }
0x5f: {  	_ =	shalt  }
0x60: {  	_ =	shalt  }
0x61: {  	_ =	shalt  }
0x62: {  	_ =	shalt  }
0x63: {  	_ =	shalt  }
0x64: {  	_ =	shalt  }
0x65: {  	_ =	shalt  }
0x66: {  	_ =	shalt  }
0x67: {  	_ =	shalt  }
0x68: {  	_ =	shalt  }
0x69: {  	_ =	shalt  }
0x6a: {  	_ =	shalt  }
0x6b: {  	_ =	shalt  }
0x6c: {  	_ =	shalt  }
0x6d: {  	_ =	shalt  }
0x6e: {  	_ =	shalt  }
0x6f: {  	_ =	shalt  }
0x70: {  	_ =	shalt  }
0x71: {  	_ =	shalt  }
0x72: {  	_ =	shalt  }
0x73: {  	_ =	shalt  }
0x74: {  	_ =	shalt  }
0x75: {  	_ =	shalt  }
0x76: {  	_ =	shalt  }
0x77: {  	_ =	shalt  }
0x78: {  	_ =	shalt  }
0x79: {  	_ =	shalt  }
0x7a: {  	_ =	shalt  }
0x7b: {  	_ =	shalt  }
0x7c: {  	_ =	shalt  }
0x7d: {  	_ =	shalt  }
0x7e: {  	_ =	shalt  }
0x7f: {  	_ =	shalt  }
0x80: {  	_ =	shalt  }
0x81: {  	_ =	shalt  }
0x82: {  	_ =	shalt  }
0x83: {  	_ =	shalt  }
0x84: {  	_ =	shalt  }
0x85: {  	_ =	shalt  }
0x86: {  	_ =	shalt  }
0x87: {  	_ =	shalt  }
.Lfunc_end0:
.L_simem_size_0:
called_computation.1_lowered:
.L_overlay_start_0:
0x88: {  	s2 =	sld [smem:$0x3FD9]  }
0x89: {  	s3 =	sld [smem:$0x3FFE];
	_ =	sdelay $0x1  }
0x8a: {  	s1 =	srdreg.scid  }
0x8b: {  	s0 =	sand.u32 $0x1, s1  }
0x8c: {  	s15 =	sshll.u32 s0, $0xA;
	s2 =	sadd.s32 s3, s2  }
0x8d: {  	s2 =	sadd.s32 s2, s15  }
0x8e: {  	[smem:$0x3FBA] =	sst s2  }
0x8f: {  	_ = 	snop  }
0x90: {  	s2 =	sld [smem:$0x3FD0];
	_ =	sdelay $0x2  }
0x91: {  	s4 =	simm.s32 $0xB;
	s16 =	simm.s32 $0x10  }
0x92: {  	[smem:s16], [sflag:s4] =	dma.local [hbm:s2], $0x1  }
0x93: {  	_ =	swait.eq [sflag:s4], $0x1  }
0x94: {  	[sflag:s4] =	ssyncset.done $0x0  }
0x95: {  	s17 =	sld [smem:$0x10];
	[sflag:s4] =	ssyncadd.s32 $0xFFFFFFFF  }
0x96: {  	s18 =	sld [smem:$0x12];
	(tm) =	ssettm $0x1  }
0x97: {  	s19 =	sld [smem:$0x3FFB];
	_ =	sdelay $0x3  }
0x98: {  	_ =	strace s19  }
0x99: {  	s2 =	sld [smem:$0x3FFC];
	_ =	sdelay $0x3  }
0x9a: {  	_ =	strace s2  }
0x9b: {  	s2 =	sld [smem:$0x3FFD];
	_ =	sdelay $0x3  }
0x9c: {  	_ =	strace s2  }
0x9d: {  	_ =	strace $0x8FFFFFFF  }
0x9e: {  	s20 =	sld [smem:$0x3FDB];
	_ =	sdelay $0x1  }
0x9f: {  	s5 =	simm.s32 $_scs_section_size  }
0xa0: {  	s6 =	simm.s32 $_size__tile_overlayer_lowered;
	s7 =	simm.s32 $_tile_overlayer_lowered  }
0xa1: {  	s8 =	simm.s32 $0x1BFF;
	s21 =	sshll.u32 s7, $0x1;
	s5 =	sadd.s32 s5, s20  }
0xa2: {  	s22 =	simm.s32 $0x0;
	s6 =	sshll.u32 s6, $0x1;
	s7 =	sadd.s32 s21, s5  }
0xa3: {  	[timem:s22], [sflag:s8] =	dma.local [hbm:s7], s6  }
0xa4: {  	_ =	swait.ge [sflag:s8], s6  }
0xa5: {  	s6 =	ssub.s32 $0x0, s6;
	[sflag:s8] =	ssyncset.done $0x0  }
0xa6: {  	[sflag:s8] =	ssyncadd.s32 s6;
	_ =	sdelay $0x1  }
0xa7: {  	s23 =	simm.s32 $0x1B8B  }
0xa8: {  	_ =	swait.ge [sflag:s23], $0x1  }
0xa9: {  	[sflag:s23] =	ssyncset.done $0x0  }
0xaa: {  	[sflag:s23] =	ssyncadd.s32 $0xFFFFFFFF  }
0xab: {  	s6 =	sld [smem:$0x0]  }
0xac: {  	s7 =	sand.u32 $0xFFFFFFFE, s1  }
0xad: {  	p0 =	sne.s32 s1, s7  }
0xae: {  	s7 =	sshll.u32 @p0 s7, $0xE  }
0xaf: {  	s7 =	sadd.s32 @p0 $0x11B8D, s7;
	s8 =	sshll.u32 @p0 s6, $0x11  }
0xb0: {  	s7 =	sor.u32 @p0 s8, s7  }
0xb1: {  	[sflag:s7] =	ssyncadd.remote.s32 @p0 $0x1;
	_ =	sdelay $0x1  }
0xb2: {  	s7 =	simm.s32 @p0 $0x1B8D  }
0xb3: {  	_ =	swait.eq @p0 [sflag:s7], $0x1  }
0xb4: {  	[sflag:s7] =	ssyncadd.s32 @p0 $0xFFFFFFFF  }
0xb5: {  	s8 =	sshll.u32 @!p0 s1, $0xE  }
0xb6: {  	s8 =	sor.u32 @!p0 $0x4000, s8;
	s7 =	simm.s32 @!p0 $0x1B8D  }
0xb7: {  	s6 =	sshll.u32 @!p0 s6, $0x11;
	s8 =	sadd.s32 @!p0 $0x11B8D, s8;
	_ =	swait.eq @!p0 [sflag:s7], $0x1  }
0xb8: {  	s6 =	sor.u32 @!p0 s6, s8;
	[sflag:s7] =	ssyncadd.s32 @!p0 $0xFFFFFFFF  }
0xb9: {  	s25 =	simm.s32 $0x1B8E;
	s24 =	sld [smem:$0x3FFE];
	[sflag:s6] =	ssyncadd.remote.s32 @!p0 $0x1  }
0xba: {  	s26 =	simm.s32 $execute0_lowered;
	[smem:$0x3FD2] =	sst s25  }
0xbb: {  	s7 =	sshll.u32 s26, $0x1;
	_ =	strace $0x80000049;
	[dreg:$0x1] =	wrdreg $0xFFFFFFFF  }
0xbc: {  	s28 =	simm.s32 $_size_execute0_lowered;
	s5 =	sadd.s32 s5, s7;
	[dreg:$0x0] =	wrdreg $0x0  }
0xbd: {  	s7 =	sshll.u32 s28, $0x1;
	[dreg:$0x2] =	wrdreg s5  }
0xbe: {  	[dreg:$0x3] =	wrdreg s7  }
0xbf: {  	[dreg:$0x4] =	wrdreg $0xC0  }
0xc0: {  	_ =	task [dreg:s22], $0x5FFFF  }
0xc1: {  	[dreg:$0x1] =	wrdreg $0xFFFFFFFF  }
0xc2: {  	[dreg:$0x0] =	wrdreg $0x60  }
0xc3: {  	[dreg:$0x2] =	wrdreg s17  }
0xc4: {  	[dreg:$0x3] =	wrdreg s18  }
0xc5: {  	[dreg:$0x4] =	wrdreg s24  }
0xc6: {  	[dreg:$0x5] =	wrdreg $0xA  }
0xc7: {  	_ =	task.clear_ibuf [dreg:s22], $0x6FFFF;
	_ =	strace $0x90000049  }
0xc8: {  	s29 =	simm.s32 $0xA;
	_ =	strace $0x8000004B  }
0xc9: {  	_ =	swait.ge [sflag:s29], $0x1  }
0xca: {  	[sflag:s29] =	ssyncadd.s32 $0xFFFFFFFF  }
0xcb: {  	_ =	strace $0x9000004B  }
0xcc: {  	_ =	sfence  }
0xcd: {  	s30 =	sld [smem:$0x0];
	_ =	sdelay $0x2  }
0xce: {  	s31 =	sshll.u32 s1, $0xD;
	s1 =	sshrl.u32 s1, $0x2  }
0xcf: {  	s4 =	sand.u32 $0x4000, s31;
	s1 =	sadd.s32 s1, s30  }
0xd0: {  	s0 =	sor.u32 s4, s0;
	s1 =	sshll.u32 s1, $0x11  }
0xd1: {  	s0 =	sor.u32 s1, s0  }
0xd2: {  	s0 =	sadd.s32 $0x8F2B, s0  }
0xd3: {  	[sflag:s0] =	ssyncadd.remote.s32 $0x1  }
0xd4: {  	_ =	sfence.sel $0xFFFF  }
0xd5: {  	[dreg:$0x0] =	wrdreg $0xFFFFFFFF;
	(pc) =	sbr.abs _section_cstart, $3  }
0xd6: {  	[dreg:$0x1] =	wrdreg $0xFFFFFFFF  }
0xd7: {  	_ =	task.clear_ibuf [dreg:s22], $0x2FFFF;
	_ =	strace $0x9FFFFFFF  }
0xd8: {  	(tm) =	ssettm $0x7FFFFFFF  }
0xd9: {  	_ =	shalt  }
tec
execute0_lowered:
.L_overlay_start_1:
0x0: {  	(tag) =	ssettag $0x1  }
0x1: {  	s2 =	rddreg [dreg:$0x0]  }
0x2: {  	s4 =	rddreg [dreg:$0x1]  }
0x3: {  	s1 =	srdreg.scid;
	s0 =	stileid.u32  }
0x4: {  	s14 =	rddreg [dreg:$0x2];
	s15 =	sand.u32 $0x1, s1;
	s5 =	sshll.u32 s0, $0x1  }
0x5: {  	s3 =	simm.s32 $0x0;
	s1 =	rddreg [dreg:$0x3];
	s16 =	sor.u32 s15, s5  }
0x6: {  	[smem:$0x7FF] =	sst s3;
	s5 =	sshll.u32 s16, $0x6  }
0x7: {  	_ =	strace $0x8000004A;
	s5 =	sadd.s32 s4, s5;
	s4 =	simm.s32 $0x2  }
0x8: {  	[tilespmem:s3], [sflag:$0x2] =	stream.linear.gather [hbm4b:s5+s3], $0x200, $0x38;
	[tilespmem:$0x2200] =	vst v63  }
0x9: {  	_ =	swait.ge [sflag:s4], $0x200  }
0xa: {  	[sflag:s4] =	ssyncset.done $0x0  }
0xb: {  	s6 =	simm.s32 $0x80;
	s7 =	simm.s32 $0x200;
	[sflag:s4] =	ssyncadd.s32 $0xFFFFFE00  }
0xc: {  	[tilespmem:s7], [sflag:$0x1] =	stream.indirect.gather [hbm4b:s2+s6], $0x10, s3, s6, $0xb8;
	[tilespmem:$0x2200] =	vst v63  }
0xd: {  	s8 =	simm.s32 $0xA00  }
0xe: {  	[tilespmem:s8], [sflag:$0x1] =	stream.indirect.gather [hbm4b:s2+s6], $0x10, s6, s6, $0xb8;
	[tilespmem:$0x2200] =	vst v63  }
0xf: {  	s9 =	simm.s32 $0x100;
	s10 =	simm.s32 $0x1200  }
0x10: {  	[tilespmem:s10], [sflag:$0x1] =	stream.indirect.gather [hbm4b:s2+s6], $0x10, s9, s6, $0xb8;
	[tilespmem:$0x2200] =	vst v63  }
0x11: {  	s11 =	simm.s32 $0x180;
	s12 =	simm.s32 $0x1A00;
	s13 =	simm.s32 $0x1  }
0x12: {  	[tilespmem:s12], [sflag:$0x1] =	stream.indirect.gather [hbm4b:s2+s6], $0x10, s11, s6, $0xb8;
	[tilespmem:$0x2200] =	vst v63  }
0x13: {  	_ =	swait.ge [sflag:s13], $0x800  }
0x14: {  	[sflag:s13] =	ssyncset.done $0x0  }
0x15: {  	[sflag:s13] =	ssyncadd.s32 $0xFFFFF800  }
0x16: {  	_ =	swait.ge [sflag:s13], $0x800  }
0x17: {  	[sflag:s13] =	ssyncset.done $0x0  }
0x18: {  	s15 =	ssub.s32 $0x2, s15;
	[sflag:s13] =	ssyncadd.s32 $0xFFFFF800  }
0x19: {  	s17 =	sshrl.u32 s15, $0x1;
	_ =	swait.ge [sflag:s13], $0x800  }
0x1a: {  	s15 =	ssub.s32 s15, s17;
	[sflag:s13] =	ssyncset.done $0x0  }
0x1b: {  	s15 =	smax.u32 s15, $0x1;
	[sflag:s13] =	ssyncadd.s32 $0xFFFFF800  }
0x1c: {  	s16 =	sshll.u32 s16, $0xA;
	p0 =	sne.s32 s15, $0x1;
	_ =	swait.ge [sflag:s13], $0x800  }
.Ltmp0:
0x1d: {  	s14 =	sadd.s32 s16, s14;
	[sflag:s13] =	ssyncset.done $0x0;
	(pc) =	sbr.rel @!p0 .LBB2_2-.Ltmp0, $4  }
0x1e: {  	s14 =	sadd.s32 $0x6400, s14;
	[sflag:s13] =	ssyncadd.s32 $0xFFFFF800  }
0x1f: {  	[hbm4b:s14+s3] =	stream.linear.scatter [tilespmem:s7], [sflag:$0x2], $0x2000, $0x38;
	[tilespmem:$0x2200] =	vst v63  }
0x20: {  	_ =	swait.ge [sflag:s4], $0x2000  }
0x21: {  	s15 =	sadd.s32 $0xFFFFFFFF, s15;
	[sflag:s4] =	ssyncset.done $0x0  }
.LBB2_1:
0x22: {  	p0 =	sne.s32 s15, $0x1;
	s15 =	sadd.s32 $0xFFFFFFFF, s15;
	[sflag:s4] =	ssyncadd.s32 $0xFFFFE000  }
0x23: {  	[tilespmem:s3], [sflag:$0x2] =	stream.linear.gather [hbm4b:s5+s3], $0x200, $0x38;
	[tilespmem:$0x2200] =	vst v63  }
0x24: {  	_ =	swait.ge [sflag:s4], $0x200  }
0x25: {  	[sflag:s4] =	ssyncset.done $0x0  }
0x26: {  	[sflag:s4] =	ssyncadd.s32 $0xFFFFFE00  }
0x27: {  	[tilespmem:s7], [sflag:$0x1] =	stream.indirect.gather [hbm4b:s2+s6], $0x10, s3, s6, $0xb8;
	[tilespmem:$0x2200] =	vst v63  }
0x28: {  	_ = 	snop  }
0x29: {  	[tilespmem:s8], [sflag:$0x1] =	stream.indirect.gather [hbm4b:s2+s6], $0x10, s6, s6, $0xb8;
	[tilespmem:$0x2200] =	vst v63  }
0x2a: {  	_ = 	snop  }
0x2b: {  	[tilespmem:s10], [sflag:$0x1] =	stream.indirect.gather [hbm4b:s2+s6], $0x10, s9, s6, $0xb8;
	[tilespmem:$0x2200] =	vst v63  }
0x2c: {  	_ = 	snop  }
0x2d: {  	[tilespmem:s12], [sflag:$0x1] =	stream.indirect.gather [hbm4b:s2+s6], $0x10, s11, s6, $0xb8;
	[tilespmem:$0x2200] =	vst v63  }
0x2e: {  	_ =	swait.ge [sflag:s13], $0x800  }
0x2f: {  	[sflag:s13] =	ssyncset.done $0x0  }
0x30: {  	[sflag:s13] =	ssyncadd.s32 $0xFFFFF800  }
0x31: {  	_ =	swait.ge [sflag:s13], $0x800  }
0x32: {  	[sflag:s13] =	ssyncset.done $0x0  }
0x33: {  	[sflag:s13] =	ssyncadd.s32 $0xFFFFF800  }
0x34: {  	_ =	swait.ge [sflag:s13], $0x800  }
0x35: {  	[sflag:s13] =	ssyncset.done $0x0  }
0x36: {  	[sflag:s13] =	ssyncadd.s32 $0xFFFFF800  }
0x37: {  	_ =	swait.ge [sflag:s13], $0x800  }
.Ltmp1:
0x38: {  	[sflag:s13] =	ssyncset.done $0x0;
	(pc) =	sbr.rel @p0 .LBB2_1-.Ltmp1, $4  }
0x39: {  	[sflag:s13] =	ssyncadd.s32 $0xFFFFF800  }
0x3a: {  	[hbm4b:s14+s3] =	stream.linear.scatter [tilespmem:s7], [sflag:$0x2], $0x2000, $0x38;
	[tilespmem:$0x2200] =	vst v63  }
0x3b: {  	_ =	swait.ge [sflag:s4], $0x2000  }
0x3c: {  	[sflag:s4] =	ssyncset.done $0x0  }
.LBB2_2:
0x3d: {  	[sflag:s4] =	ssyncadd.s32 $0xFFFFE000  }
0x3e: {  	_ =	sfence.sel $0x180000  }
0x3f: {  	[bflag:$0x0] =	sbarrier.arrive $0xFFFF  }
0x40: {  	p0 =	sne.s32 s0, $0x0;
	_ =	strace $0x9000004A  }
0x41: {  	s0 =	sadd.s32 @!p0 $0x100000, s1;
	[bflag:$0x2] =	sbarrier.arrive $0xFFFF  }
0x42: {  	[sflag:s0] =	ssyncadd.tile.s32 @!p0 $0x1;
	_ =	shalt  }
.Lfunc_end2:
_tile_overlayer_lowered:
.L_overlay_start_2:
0x43: {  	(tag) =	ssettag $0x2  }
0x44: {  	s0 =	rddreg [dreg:$0x0];
	s2 =	stileid.u32  }
0x45: {  	s1 =	rddreg [dreg:$0x1];
	p0 =	sne.s32 s2, $0x0  }
0x46: {  	s3 =	rddreg [dreg:$0x2];
	[bflag:$0x3] =	sbarrier.arrive $0xFFFF;
	s2 =	simm.s32 @!p0 $0x1C02  }
0x47: {  	[timem:s3], [sflag:s2] =	dma.local @!p0 [hbm:s0], s1  }
0x48: {  	s0 =	simm.s32 @!p0 $0x2  }
0x49: {  	_ =	swait.ge @!p0 [sflag:s0], s1  }
0x4a: {  	s1 =	ssub.s32 @!p0 $0x0, s1;
	[sflag:s0] =	ssyncset.done @!p0 $0x0  }
0x4b: {  	[sflag:s0] =	ssyncadd.s32 @!p0 s1  }
0x4c: {  	[bflag:$0x3] =	sbarrier.arrive $0xFFFF  }
0x4d: {  	_ =	shalt  }

// kernel: _run.7.cloned.1.call-start
scs
__scs_entry_jumppad:
0x0: {  	(pc) =	sbr.rel $0x88, $3  }
0x1: {  	(tag) =	ssettag $0x0;
	lr =	simm.s32 $0x1  }
0x2: {  	[smem:$0x3F93] =	sst lr;
	_ =	strace $0xD0000000  }
0x3: {  	_ = 	snop  }
0x4: {  	_ = 	snop  }
0x5: {  	_ = 	snop  }
0x6: {  	_ = 	snop  }
0x7: {  	_ = 	snop  }
__scs_overlays_trampoline_lowered:
0x8: {  	[smem:$0x3FA2] =	sst s0  }
0x9: {  	[smem:$0x3FA3] =	sst s1  }
0xa: {  	[smem:$0x3FA4] =	sst s2  }
0xb: {  	[smem:$0x3FA5] =	sst s3  }
0xc: {  	[smem:$0x3FA6] =	sst s4  }
0xd: {  	[smem:$0x3FA7] =	sst s5  }
0xe: {  	[smem:$0x3FA8] =	sst s6  }
0xf: {  	[smem:$0x3FA9] =	sst s7  }
0x10: {  	[smem:$0x3FAA] =	sst s8  }
0x11: {  	[smem:$0x3FAB] =	sst s9;
	s0 =	simm.s32 @!p0 $0x0  }
0x12: {  	s1 =	sld [smem:$0x3F91];
	s0 =	simm.s32 @p0 $0x1  }
0x13: {  	[smem:$0x3FAC] =	sst s0;
	s0 =	simm.s32 @!p1 $0x0  }
0x14: {  	s2 =	sld [smem:$0x3F90];
	s0 =	simm.s32 @p1 $0x1  }
0x15: {  	[smem:$0x3FAD] =	sst s0;
	s0 =	simm.s32 @!p2 $0x0  }
0x16: {  	s3 =	sld [smem:$0x3FDB];
	s0 =	simm.s32 @p2 $0x1  }
0x17: {  	s4 =	simm.s32 $0x1BF5;
	[smem:$0x3FAF] =	sst s0  }
0x18: {  	s0 =	sld [smem:$0x3F92];
	_ =	swait.ge [sflag:s4], $0x0  }
0x19: {  	s7 =	sld [smem:$0x3F93]  }
0x1a: {  	s8 =	sadd.s32 $0xFFFFE003, lr  }
0x1b: {  	s9 =	sadd.s32 $0xFFFFFEF7, lr;
	s5 =	simm.s32 $0xFFFFFFFF;
	p2 =	slt.u32 s8, $0xFFFFF086  }
0x1c: {  	p1 =	slt.u32 s9, $0xF7A;
	s5 =	simm.s32 @!p2 $0x0  }
0x1d: {  	s5 =	simm.s32 @p1 $0x1;
	p0 =	seq.s32 s7, s2  }
0x1e: {  	s7 =	smul.u32 @!p0 $0xF7A, s2;
	p2 =	seq.s32 @!p0 s5, $0x0  }
0x1f: {  	s9 =	smul.u32 $0xF7A, s1;
	s8 =	simm.s32 @!p0 $0x1BF5;
	p2 =	por !p2, p0  }
0x20: {  	[sflag:s8] =	ssyncset.s32 @!p0 $0xFFFFF086;
	s6 =	sadd.s32 @!p0 s3, s7;
	s7 =	simm.s32 @!p0 $0x108  }
0x21: {  	s3 =	sadd.s32 s3, s9;
	s6 =	sadd.s32 @!p0 $0x88, s6;
	s7 =	simm.s32 @p2 $0x1082  }
0x22: {  	[simem:s7], [sflag:s8] =	dma.local @!p0 [hbm:s6], $0xF7A  }
0x23: {  	s9 =	sor.u32 $0xD0000000, s2;
	s6 =	simm.s32 $0x108;
	_ =	swait.ge @!p0 [sflag:s8], $0x0  }
0x24: {  	s3 =	sadd.s32 $0x88, s3;
	s6 =	simm.s32 @!p1 $0x1082;
	[sflag:s4] =	ssyncset.s32 $0xFFFFF086  }
0x25: {  	[simem:s6], [sflag:s4] =	dma.local [hbm:s3], $0xF7A  }
0x26: {  	[smem:$0x3F93] =	sst s1;
	(tag) =	ssettag s2;
	_ =	strace s9  }
0x27: {  	s1 =	sld [smem:$0x3FA3]  }
0x28: {  	s2 =	sld [smem:$0x3FA4]  }
0x29: {  	s4 =	sld [smem:$0x3FA6]  }
0x2a: {  	p0 =	seq.s32 s5, $0x0;
	s5 =	sld [smem:$0x3FA7]  }
0x2b: {  	s6 =	sld [smem:$0x3FA8]  }
0x2c: {  	s7 =	sld [smem:$0x3FA9]  }
0x2d: {  	s3 =	simm.s32 $0x108;
	s8 =	sld [smem:$0x3FAA]  }
0x2e: {  	s3 =	simm.s32 @!p0 $0x1082;
	s9 =	sld [smem:$0x3FAB]  }
0x2f: {  	lr =	sadd.s32 s0, s3;
	s0 =	sld [smem:$0x3FA2]  }
0x30: {  	s3 =	sld [smem:$0x3FA5]  }
0x31: {  	[smem:$0x3FAE] =	sst s10  }
0x32: {  	s10 =	sld [smem:$0x3FAC];
	_ =	sdelay $0x3  }
0x33: {  	p0 =	seq.s32 s10, $0x1;
	s10 =	sld [smem:$0x3FAE];
	_ =	sdelay $0x3  }
0x34: {  	[smem:$0x3FAE] =	sst s10  }
0x35: {  	s10 =	sld [smem:$0x3FAD];
	_ =	sdelay $0x3  }
0x36: {  	p1 =	seq.s32 s10, $0x1;
	s10 =	sld [smem:$0x3FAE];
	_ =	sdelay $0x3  }
0x37: {  	[smem:$0x3FAE] =	sst s10  }
0x38: {  	s10 =	sld [smem:$0x3FAF]  }
0x39: {  	_ = 	snop;
	(pc) =	sbr.ind lr, $3  }
0x3a: {  	_ = 	snop  }
0x3b: {  	_ = 	snop  }
0x3c: {  	p2 =	seq.s32 s10, $0x1;
	s10 =	sld [smem:$0x3FAE]  }
0x3d: {  	_ =	shalt  }
0x3e: {  	_ =	shalt  }
0x3f: {  	_ =	shalt  }
0x40: {  	_ =	shalt  }
0x41: {  	_ =	shalt  }
0x42: {  	_ =	shalt  }
0x43: {  	_ =	shalt  }
0x44: {  	_ =	shalt  }
0x45: {  	_ =	shalt  }
0x46: {  	_ =	shalt  }
0x47: {  	_ =	shalt  }
0x48: {  	_ =	shalt  }
0x49: {  	_ =	shalt  }
0x4a: {  	_ =	shalt  }
0x4b: {  	_ =	shalt  }
0x4c: {  	_ =	shalt  }
0x4d: {  	_ =	shalt  }
0x4e: {  	_ =	shalt  }
0x4f: {  	_ =	shalt  }
0x50: {  	_ =	shalt  }
0x51: {  	_ =	shalt  }
0x52: {  	_ =	shalt  }
0x53: {  	_ =	shalt  }
0x54: {  	_ =	shalt  }
0x55: {  	_ =	shalt  }
0x56: {  	_ =	shalt  }
0x57: {  	_ =	shalt  }
0x58: {  	_ =	shalt  }
0x59: {  	_ =	shalt  }
0x5a: {  	_ =	shalt  }
0x5b: {  	_ =	shalt  }
0x5c: {  	_ =	shalt  }
0x5d: {  	_ =	shalt  }
0x5e: {  	_ =	shalt  }
0x5f: {  	_ =	shalt  }
0x60: {  	_ =	shalt  }
0x61: {  	_ =	shalt  }
0x62: {  	_ =	shalt  }
0x63: {  	_ =	shalt  }
0x64: {  	_ =	shalt  }
0x65: {  	_ =	shalt  }
0x66: {  	_ =	shalt  }
0x67: {  	_ =	shalt  }
0x68: {  	_ =	shalt  }
0x69: {  	_ =	shalt  }
0x6a: {  	_ =	shalt  }
0x6b: {  	_ =	shalt  }
0x6c: {  	_ =	shalt  }
0x6d: {  	_ =	shalt  }
0x6e: {  	_ =	shalt  }
0x6f: {  	_ =	shalt  }
0x70: {  	_ =	shalt  }
0x71: {  	_ =	shalt  }
0x72: {  	_ =	shalt  }
0x73: {  	_ =	shalt  }
0x74: {  	_ =	shalt  }
0x75: {  	_ =	shalt  }
0x76: {  	_ =	shalt  }
0x77: {  	_ =	shalt  }
0x78: {  	_ =	shalt  }
0x79: {  	_ =	shalt  }
0x7a: {  	_ =	shalt  }
0x7b: {  	_ =	shalt  }
0x7c: {  	_ =	shalt  }
0x7d: {  	_ =	shalt  }
0x7e: {  	_ =	shalt  }
0x7f: {  	_ =	shalt  }
0x80: {  	_ =	shalt  }
0x81: {  	_ =	shalt  }
0x82: {  	_ =	shalt  }
0x83: {  	_ =	shalt  }
0x84: {  	_ =	shalt  }
0x85: {  	_ =	shalt  }
0x86: {  	_ =	shalt  }
0x87: {  	_ =	shalt  }
.Lfunc_end0:
.L_simem_size_0:
called_computation_lowered:
.L_overlay_start_0:
0x88: {  	s2 =	sld [smem:$0x3FD9]  }
0x89: {  	s3 =	sld [smem:$0x3FFE];
	_ =	sdelay $0x1  }
0x8a: {  	s1 =	srdreg.scid  }
0x8b: {  	s0 =	sand.u32 $0x1, s1  }
0x8c: {  	s14 =	sshll.u32 s0, $0xA;
	s2 =	sadd.s32 s3, s2  }
0x8d: {  	s2 =	sadd.s32 s2, s14  }
0x8e: {  	[smem:$0x3FBA] =	sst s2  }
0x8f: {  	_ = 	snop  }
0x90: {  	s2 =	sld [smem:$0x3FD0];
	_ =	sdelay $0x2  }
0x91: {  	s15 =	simm.s32 $0xB;
	s4 =	simm.s32 $0x10  }
0x92: {  	[smem:s4], [sflag:s15] =	dma.local [hbm:s2], $0x1  }
0x93: {  	_ =	swait.eq [sflag:s15], $0x1  }
0x94: {  	[sflag:s15] =	ssyncset.done $0x0  }
0x95: {  	[sflag:s15] =	ssyncadd.s32 $0xFFFFFFFF  }
0x96: {  	s16 =	sld [smem:$0x11];
	(tm) =	ssettm $0x1  }
0x97: {  	s17 =	sld [smem:$0x3FFB];
	_ =	sdelay $0x3  }
0x98: {  	_ =	strace s17  }
0x99: {  	s3 =	sld [smem:$0x3FFC];
	_ =	sdelay $0x3  }
0x9a: {  	_ =	strace s3  }
0x9b: {  	s3 =	sld [smem:$0x3FFD];
	_ =	sdelay $0x3  }
0x9c: {  	_ =	strace s3  }
0x9d: {  	_ =	strace $0x8FFFFFFF  }
0x9e: {  	s18 =	sld [smem:$0x3FDB];
	_ =	sdelay $0x1  }
0x9f: {  	s19 =	simm.s32 $_scs_section_size  }
0xa0: {  	s5 =	simm.s32 $_size__tile_overlayer_lowered;
	s6 =	simm.s32 $_tile_overlayer_lowered  }
0xa1: {  	s22 =	simm.s32 $0x1BFF;
	s21 =	sshll.u32 s6, $0x1;
	s3 =	sadd.s32 s19, s18  }
0xa2: {  	s7 =	simm.s32 $0x0;
	s20 =	sshll.u32 s5, $0x1;
	s5 =	sadd.s32 s21, s3  }
0xa3: {  	[timem:s7], [sflag:s22] =	dma.local [hbm:s5], s20  }
0xa4: {  	_ =	swait.ge [sflag:s22], s20  }
0xa5: {  	s4 =	ssub.s32 $0x0, s20;
	[sflag:s22] =	ssyncset.done $0x0  }
0xa6: {  	[sflag:s22] =	ssyncadd.s32 s4;
	_ =	sdelay $0x1  }
0xa7: {  	s23 =	simm.s32 $0x1B8B  }
0xa8: {  	_ =	swait.ge [sflag:s23], $0x1  }
0xa9: {  	[sflag:s23] =	ssyncset.done $0x0  }
0xaa: {  	s25 =	simm.s32 $0x1B8E;
	s24 =	sld [smem:$0x3FFE];
	[sflag:s23] =	ssyncadd.s32 $0xFFFFFFFF  }
0xab: {  	s26 =	simm.s32 $execute0_lowered;
	[smem:$0x3FD2] =	sst s25  }
0xac: {  	s5 =	sshll.u32 s26, $0x1;
	_ =	strace $0x80000046;
	[dreg:$0x1] =	wrdreg $0xFFFFFFFF  }
0xad: {  	s28 =	simm.s32 $_size_execute0_lowered;
	s3 =	sadd.s32 s3, s5;
	[dreg:$0x0] =	wrdreg $0x0  }
0xae: {  	s5 =	sshll.u32 s28, $0x1;
	[dreg:$0x2] =	wrdreg s3  }
0xaf: {  	[dreg:$0x3] =	wrdreg s5  }
0xb0: {  	[dreg:$0x4] =	wrdreg $0xC0  }
0xb1: {  	_ =	task [dreg:s7], $0x5FFFF  }
0xb2: {  	[dreg:$0x1] =	wrdreg $0xFFFFFFFF  }
0xb3: {  	[dreg:$0x0] =	wrdreg $0x60  }
0xb4: {  	[dreg:$0x2] =	wrdreg s24  }
0xb5: {  	[dreg:$0x3] =	wrdreg s16  }
0xb6: {  	[dreg:$0x4] =	wrdreg $0x9  }
0xb7: {  	_ =	task.clear_ibuf [dreg:s7], $0x5FFFF;
	_ =	strace $0x90000046  }
0xb8: {  	s29 =	simm.s32 $0x9;
	_ =	strace $0x80000048  }
0xb9: {  	_ =	swait.ge [sflag:s29], $0x1  }
0xba: {  	[sflag:s29] =	ssyncadd.s32 $0xFFFFFFFF  }
0xbb: {  	_ =	strace $0x90000048  }
0xbc: {  	_ =	sfence  }
0xbd: {  	s30 =	sld [smem:$0x0];
	_ =	sdelay $0x2  }
0xbe: {  	s31 =	sshll.u32 s1, $0xD;
	s1 =	sshrl.u32 s1, $0x2  }
0xbf: {  	s3 =	sand.u32 $0x4000, s31;
	s1 =	sadd.s32 s1, s30  }
0xc0: {  	s0 =	sor.u32 s3, s0;
	s1 =	sshll.u32 s1, $0x11  }
0xc1: {  	s0 =	sor.u32 s1, s0  }
0xc2: {  	s0 =	sadd.s32 $0x8F2B, s0  }
0xc3: {  	[sflag:s0] =	ssyncadd.remote.s32 $0x1  }
0xc4: {  	_ =	sfence.sel $0xFFFF  }
0xc5: {  	[dreg:$0x0] =	wrdreg $0xFFFFFFFF;
	(pc) =	sbr.abs _section_cstart, $3  }
0xc6: {  	[dreg:$0x1] =	wrdreg $0xFFFFFFFF  }
0xc7: {  	_ =	task.clear_ibuf [dreg:s7], $0x2FFFF;
	_ =	strace $0x9FFFFFFF  }
0xc8: {  	(tm) =	ssettm $0x7FFFFFFF  }
0xc9: {  	_ =	shalt  }
tec
execute0_lowered:
.L_overlay_start_1:
0x0: {  	(tag) =	ssettag $0x1  }
0x1: {  	s0 =	srdreg.scid;
	s2 =	stileid.u32  }
0x2: {  	s4 =	rddreg [dreg:$0x1];
	s1 =	sand.u32 $0x1, s0;
	s2 =	sshll.u32 s2, $0x1  }
0x3: {  	s0 =	rddreg [dreg:$0x0];
	s3 =	sor.u32 s1, s2;
	s2 =	simm.s32 $0x0  }
0x4: {  	s18 =	simm.s32 $0x1600;
	[smem:$0x7FF] =	sst s2  }
0x5: {  	s19 =	simm.s32 $0x100;
	_ =	strace $0x80000047;
	[dreg:$0x5] =	wrdreg s18  }
0x6: {  	s20 =	simm.s32 $0x1E00;
	[dreg:$0x6] =	wrdreg s19  }
0x7: {  	s21 =	simm.s32 $0x180;
	[dreg:$0x7] =	wrdreg s20  }
0x8: {  	s22 =	simm.s32 $0x2600;
	[dreg:$0x8] =	wrdreg s21  }
0x9: {  	s23 =	simm.s32 $0x200;
	[dreg:$0x9] =	wrdreg s22  }
0xa: {  	s24 =	simm.s32 $0x2E00;
	[dreg:$0xa] =	wrdreg s23  }
0xb: {  	s25 =	simm.s32 $0x280;
	[dreg:$0xb] =	wrdreg s24  }
0xc: {  	s26 =	simm.s32 $0x3600;
	[dreg:$0xc] =	wrdreg s25  }
0xd: {  	s6 =	simm.s32 $0x380;
	[dreg:$0xd] =	wrdreg s26  }
0xe: {  	s7 =	simm.s32 $0x4600;
	[dreg:$0x10] =	wrdreg s6  }
0xf: {  	s8 =	simm.s32 $0x400;
	[dreg:$0x11] =	wrdreg s7  }
0x10: {  	s9 =	simm.s32 $0x4E00;
	[dreg:$0x12] =	wrdreg s8  }
0x11: {  	s10 =	simm.s32 $0x480;
	[dreg:$0x13] =	wrdreg s9  }
0x12: {  	s11 =	simm.s32 $0x5600;
	[dreg:$0x14] =	wrdreg s10  }
0x13: {  	s12 =	simm.s32 $0x500;
	[dreg:$0x15] =	wrdreg s11  }
0x14: {  	s13 =	simm.s32 $0x5E00;
	[dreg:$0x16] =	wrdreg s12  }
0x15: {  	s14 =	simm.s32 $0x580;
	[dreg:$0x17] =	wrdreg s13  }
0x16: {  	s15 =	simm.s32 $0x6600;
	[dreg:$0x18] =	wrdreg s14  }
0x17: {  	s16 =	simm.s32 $0x600;
	[dreg:$0x19] =	wrdreg s15  }
0x18: {  	s17 =	simm.s32 $0x6E00;
	[dreg:$0x1a] =	wrdreg s16  }
0x19: {  	[dreg:$0x1b] =	wrdreg s17;
	s18 =	simm.s32 $0x680  }
0x1a: {  	s19 =	simm.s32 $0x7600;
	[dreg:$0x1c] =	wrdreg s18  }
0x1b: {  	s20 =	simm.s32 $0x700;
	[dreg:$0x1d] =	wrdreg s19  }
0x1c: {  	s21 =	simm.s32 $0x7E00;
	[dreg:$0x1e] =	wrdreg s20  }
0x1d: {  	s5 =	smul.u32 $0x1C0, s3;
	s22 =	simm.s32 $0x780;
	[dreg:$0x1f] =	wrdreg s21  }
0x1e: {  	s3 =	smul.u32 $0x1C00, s3;
	s23 =	simm.s32 $0x8600;
	[smem:$0x7FC] =	sst s22  }
0x1f: {  	s25 =	simm.s32 $0x800;
	[smem:$0x7FB] =	sst s23  }
0x20: {  	s3 =	sadd.s32 s4, s3;
	[smem:$0x7FD] =	sst s25  }
0x21: {  	s5 =	sadd.s32 s5, s0;
	s4 =	simm.s32 $0x300;
	[dreg:$0x4] =	wrdreg s3  }
0x22: {  	s5 =	sadd.s32 $0x2C00, s5;
	[dreg:$0xe] =	wrdreg s4  }
0x23: {  	[dreg:$0x3] =	wrdreg s5;
	s5 =	simm.s32 $0x3E00  }
0x24: {  	[dreg:$0xf] =	wrdreg s5  }
0x25: {  	s3 =	simm.s32 $0x2;
	s24 =	rddreg [dreg:$0x3]  }
0x26: {  	[tilespmem:s2], [sflag:$0x2] =	stream.linear.gather [hbm4b:s24+s2], $0xE00, $0x38;
	[tilespmem:$0xEE00] =	vst v63  }
0x27: {  	_ =	swait.ge [sflag:s3], $0xE00  }
0x28: {  	s7 =	sld [smem:$0x7FB]  }
0x29: {  	s8 =	rddreg [dreg:$0x1f]  }
0x2a: {  	s9 =	rddreg [dreg:$0x1d]  }
0x2b: {  	s10 =	rddreg [dreg:$0x1b]  }
0x2c: {  	s11 =	rddreg [dreg:$0x19]  }
0x2d: {  	s12 =	rddreg [dreg:$0x17]  }
0x2e: {  	s13 =	rddreg [dreg:$0x15]  }
0x2f: {  	s14 =	rddreg [dreg:$0x13]  }
0x30: {  	s15 =	rddreg [dreg:$0x11]  }
0x31: {  	s16 =	rddreg [dreg:$0xf]  }
0x32: {  	s17 =	rddreg [dreg:$0xd]  }
0x33: {  	s18 =	rddreg [dreg:$0xb]  }
0x34: {  	s6 =	simm.s32 $0x80;
	s26 =	rddreg [dreg:$0x6]  }
0x35: {  	s4 =	simm.s32 $0xE00;
	[sflag:s3] =	ssyncset.done $0x0;
	s19 =	rddreg [dreg:$0x5]  }
0x36: {  	s5 =	sadd.s32 $0x72C00, s0;
	s20 =	rddreg [dreg:$0x7];
	[sflag:s3] =	ssyncadd.s32 $0xFFFFF200  }
0x37: {  	[tilespmem:s4], [sflag:$0x1] =	stream.indirect.gather [hbm4b:s5+s6], $0x10, s2, s6, $0xb8;
	[tilespmem:$0xEE00] =	vst v63  }
0x38: {  	s21 =	rddreg [dreg:$0x9]  }
0x39: {  	[tilespmem:s19], [sflag:$0x1] =	stream.indirect.gather [hbm4b:s5+s6], $0x10, s6, s6, $0xb8;
	[tilespmem:$0xEE00] =	vst v63  }
0x3a: {  	s22 =	rddreg [dreg:$0x8]  }
0x3b: {  	[tilespmem:s20], [sflag:$0x1] =	stream.indirect.gather [hbm4b:s5+s6], $0x10, s26, s6, $0xb8;
	[tilespmem:$0xEE00] =	vst v63  }
0x3c: {  	s23 =	rddreg [dreg:$0xa]  }
0x3d: {  	[tilespmem:s21], [sflag:$0x1] =	stream.indirect.gather [hbm4b:s5+s6], $0x10, s22, s6, $0xb8;
	[tilespmem:$0xEE00] =	vst v63  }
0x3e: {  	s24 =	rddreg [dreg:$0xc]  }
0x3f: {  	[tilespmem:s18], [sflag:$0x1] =	stream.indirect.gather [hbm4b:s5+s6], $0x10, s23, s6, $0xb8;
	[tilespmem:$0xEE00] =	vst v63  }
0x40: {  	s25 =	rddreg [dreg:$0xe]  }
0x41: {  	[tilespmem:s17], [sflag:$0x1] =	stream.indirect.gather [hbm4b:s5+s6], $0x10, s24, s6, $0xb8;
	[tilespmem:$0xEE00] =	vst v63  }
0x42: {  	s19 =	rddreg [dreg:$0x16]  }
0x43: {  	[tilespmem:s16], [sflag:$0x1] =	stream.indirect.gather [hbm4b:s5+s6], $0x10, s25, s6, $0xb8;
	[tilespmem:$0xEE00] =	vst v63  }
0x44: {  	s26 =	rddreg [dreg:$0x10]  }
0x45: {  	[tilespmem:s15], [sflag:$0x1] =	stream.indirect.gather [hbm4b:s5+s6], $0x10, s26, s6, $0xb8;
	[tilespmem:$0xEE00] =	vst v63  }
0x46: {  	s16 =	rddreg [dreg:$0x12]  }
0x47: {  	[tilespmem:s14], [sflag:$0x1] =	stream.indirect.gather [hbm4b:s5+s6], $0x10, s16, s6, $0xb8;
	[tilespmem:$0xEE00] =	vst v63  }
0x48: {  	s18 =	rddreg [dreg:$0x14]  }
0x49: {  	[tilespmem:s13], [sflag:$0x1] =	stream.indirect.gather [hbm4b:s5+s6], $0x10, s18, s6, $0xb8;
	[tilespmem:$0xEE00] =	vst v63  }
0x4a: {  	s20 =	rddreg [dreg:$0x18]  }
0x4b: {  	[tilespmem:s12], [sflag:$0x1] =	stream.indirect.gather [hbm4b:s5+s6], $0x10, s19, s6, $0xb8;
	[tilespmem:$0xEE00] =	vst v63  }
0x4c: {  	s21 =	rddreg [dreg:$0x1a]  }
0x4d: {  	[tilespmem:s11], [sflag:$0x1] =	stream.indirect.gather [hbm4b:s5+s6], $0x10, s20, s6, $0xb8;
	[tilespmem:$0xEE00] =	vst v63  }
0x4e: {  	s22 =	rddreg [dreg:$0x1c]  }
0x4f: {  	[tilespmem:s10], [sflag:$0x1] =	stream.indirect.gather [hbm4b:s5+s6], $0x10, s21, s6, $0xb8;
	[tilespmem:$0xEE00] =	vst v63  }
0x50: {  	s23 =	rddreg [dreg:$0x1e]  }
0x51: {  	[tilespmem:s9], [sflag:$0x1] =	stream.indirect.gather [hbm4b:s5+s6], $0x10, s22, s6, $0xb8;
	[tilespmem:$0xEE00] =	vst v63  }
0x52: {  	s24 =	sld [smem:$0x7FC]  }
0x53: {  	[tilespmem:s8], [sflag:$0x1] =	stream.indirect.gather [hbm4b:s5+s6], $0x10, s23, s6, $0xb8;
	[tilespmem:$0xEE00] =	vst v63  }
0x54: {  	s25 =	sld [smem:$0x7FD]  }
0x55: {  	[tilespmem:s7], [sflag:$0x1] =	stream.indirect.gather [hbm4b:s5+s6], $0x10, s24, s6, $0xb8;
	[tilespmem:$0xEE00] =	vst v63  }
0x56: {  	s26 =	simm.s32 $0x8E00  }
0x57: {  	[tilespmem:s26], [sflag:$0x1] =	stream.indirect.gather [hbm4b:s5+s6], $0x10, s25, s6, $0xb8;
	[tilespmem:$0xEE00] =	vst v63  }
0x58: {  	s8 =	simm.s32 $0x9600;
	s7 =	simm.s32 $0x880  }
0x59: {  	[tilespmem:s8], [sflag:$0x1] =	stream.indirect.gather [hbm4b:s5+s6], $0x10, s7, s6, $0xb8;
	[tilespmem:$0xEE00] =	vst v63  }
0x5a: {  	s10 =	simm.s32 $0x9E00;
	s9 =	simm.s32 $0x900  }
0x5b: {  	[tilespmem:s10], [sflag:$0x1] =	stream.indirect.gather [hbm4b:s5+s6], $0x10, s9, s6, $0xb8;
	[tilespmem:$0xEE00] =	vst v63  }
0x5c: {  	s12 =	simm.s32 $0xA600;
	s11 =	simm.s32 $0x980  }
0x5d: {  	[tilespmem:s12], [sflag:$0x1] =	stream.indirect.gather [hbm4b:s5+s6], $0x10, s11, s6, $0xb8;
	[tilespmem:$0xEE00] =	vst v63  }
0x5e: {  	s14 =	simm.s32 $0xAE00;
	s13 =	simm.s32 $0xA00  }
0x5f: {  	[tilespmem:s14], [sflag:$0x1] =	stream.indirect.gather [hbm4b:s5+s6], $0x10, s13, s6, $0xb8;
	[tilespmem:$0xEE00] =	vst v63  }
0x60: {  	s15 =	simm.s32 $0xA80;
	s16 =	simm.s32 $0xB600  }
0x61: {  	[tilespmem:s16], [sflag:$0x1] =	stream.indirect.gather [hbm4b:s5+s6], $0x10, s15, s6, $0xb8;
	[tilespmem:$0xEE00] =	vst v63  }
0x62: {  	s17 =	simm.s32 $0xB00;
	s18 =	simm.s32 $0xBE00  }
0x63: {  	[tilespmem:s18], [sflag:$0x1] =	stream.indirect.gather [hbm4b:s5+s6], $0x10, s17, s6, $0xb8;
	[tilespmem:$0xEE00] =	vst v63  }
0x64: {  	s19 =	simm.s32 $0xB80;
	s20 =	simm.s32 $0xC600  }
0x65: {  	[tilespmem:s20], [sflag:$0x1] =	stream.indirect.gather [hbm4b:s5+s6], $0x10, s19, s6, $0xb8;
	[tilespmem:$0xEE00] =	vst v63  }
0x66: {  	s22 =	simm.s32 $0xC00;
	s24 =	simm.s32 $0xCE00  }
0x67: {  	[tilespmem:s24], [sflag:$0x1] =	stream.indirect.gather [hbm4b:s5+s6], $0x10, s22, s6, $0xb8;
	[tilespmem:$0xEE00] =	vst v63  }
0x68: {  	s25 =	simm.s32 $0xC80;
	s26 =	simm.s32 $0xD600  }
0x69: {  	[tilespmem:s26], [sflag:$0x1] =	stream.indirect.gather [hbm4b:s5+s6], $0x10, s25, s6, $0xb8;
	[tilespmem:$0xEE00] =	vst v63  }
0x6a: {  	s28 =	simm.s32 $0xD00;
	s29 =	simm.s32 $0xDE00  }
0x6b: {  	[tilespmem:s29], [sflag:$0x1] =	stream.indirect.gather [hbm4b:s5+s6], $0x10, s28, s6, $0xb8;
	[tilespmem:$0xEE00] =	vst v63  }
0x6c: {  	s30 =	simm.s32 $0xD80;
	s31 =	simm.s32 $0xE600;
	s23 =	simm.s32 $0x1  }
0x6d: {  	[tilespmem:s31], [sflag:$0x1] =	stream.indirect.gather [hbm4b:s5+s6], $0x10, s30, s6, $0xb8;
	[tilespmem:$0xEE00] =	vst v63  }
0x6e: {  	_ =	swait.ge [sflag:s23], $0x800  }
0x6f: {  	[sflag:s23] =	ssyncset.done $0x0  }
0x70: {  	[sflag:s23] =	ssyncadd.s32 $0xFFFFF800  }
0x71: {  	_ =	swait.ge [sflag:s23], $0x800  }
0x72: {  	[sflag:s23] =	ssyncset.done $0x0  }
0x73: {  	[sflag:s23] =	ssyncadd.s32 $0xFFFFF800  }
0x74: {  	_ =	swait.ge [sflag:s23], $0x800  }
0x75: {  	[sflag:s23] =	ssyncset.done $0x0  }
0x76: {  	[sflag:s23] =	ssyncadd.s32 $0xFFFFF800  }
0x77: {  	_ =	swait.ge [sflag:s23], $0x800  }
0x78: {  	[sflag:s23] =	ssyncset.done $0x0  }
0x79: {  	[sflag:s23] =	ssyncadd.s32 $0xFFFFF800  }
0x7a: {  	_ =	swait.ge [sflag:s23], $0x800  }
0x7b: {  	[sflag:s23] =	ssyncset.done $0x0  }
0x7c: {  	[sflag:s23] =	ssyncadd.s32 $0xFFFFF800  }
0x7d: {  	_ =	swait.ge [sflag:s23], $0x800  }
0x7e: {  	[sflag:s23] =	ssyncset.done $0x0  }
0x7f: {  	[sflag:s23] =	ssyncadd.s32 $0xFFFFF800  }
0x80: {  	_ =	swait.ge [sflag:s23], $0x800  }
0x81: {  	[sflag:s23] =	ssyncset.done $0x0  }
0x82: {  	[sflag:s23] =	ssyncadd.s32 $0xFFFFF800  }
0x83: {  	_ =	swait.ge [sflag:s23], $0x800  }
0x84: {  	[sflag:s23] =	ssyncset.done $0x0  }
0x85: {  	[sflag:s23] =	ssyncadd.s32 $0xFFFFF800  }
0x86: {  	_ =	swait.ge [sflag:s23], $0x800  }
0x87: {  	[sflag:s23] =	ssyncset.done $0x0  }
0x88: {  	[sflag:s23] =	ssyncadd.s32 $0xFFFFF800  }
0x89: {  	_ =	swait.ge [sflag:s23], $0x800  }
0x8a: {  	[sflag:s23] =	ssyncset.done $0x0  }
0x8b: {  	[sflag:s23] =	ssyncadd.s32 $0xFFFFF800  }
0x8c: {  	_ =	swait.ge [sflag:s23], $0x800  }
0x8d: {  	[sflag:s23] =	ssyncset.done $0x0  }
0x8e: {  	[sflag:s23] =	ssyncadd.s32 $0xFFFFF800  }
0x8f: {  	_ =	swait.ge [sflag:s23], $0x800  }
0x90: {  	[sflag:s23] =	ssyncset.done $0x0  }
0x91: {  	[sflag:s23] =	ssyncadd.s32 $0xFFFFF800  }
0x92: {  	_ =	swait.ge [sflag:s23], $0x800  }
0x93: {  	[sflag:s23] =	ssyncset.done $0x0  }
0x94: {  	[sflag:s23] =	ssyncadd.s32 $0xFFFFF800  }
0x95: {  	_ =	swait.ge [sflag:s23], $0x800  }
0x96: {  	[sflag:s23] =	ssyncset.done $0x0  }
0x97: {  	[sflag:s23] =	ssyncadd.s32 $0xFFFFF800  }
0x98: {  	_ =	swait.ge [sflag:s23], $0x800  }
0x99: {  	[sflag:s23] =	ssyncset.done $0x0  }
0x9a: {  	[sflag:s23] =	ssyncadd.s32 $0xFFFFF800  }
0x9b: {  	_ =	swait.ge [sflag:s23], $0x800  }
0x9c: {  	[sflag:s23] =	ssyncset.done $0x0  }
0x9d: {  	[sflag:s23] =	ssyncadd.s32 $0xFFFFF800  }
0x9e: {  	_ =	swait.ge [sflag:s23], $0x800  }
0x9f: {  	[sflag:s23] =	ssyncset.done $0x0  }
0xa0: {  	[sflag:s23] =	ssyncadd.s32 $0xFFFFF800  }
0xa1: {  	_ =	swait.ge [sflag:s23], $0x800  }
0xa2: {  	[sflag:s23] =	ssyncset.done $0x0  }
0xa3: {  	[sflag:s23] =	ssyncadd.s32 $0xFFFFF800  }
0xa4: {  	_ =	swait.ge [sflag:s23], $0x800  }
0xa5: {  	[sflag:s23] =	ssyncset.done $0x0  }
0xa6: {  	[sflag:s23] =	ssyncadd.s32 $0xFFFFF800  }
0xa7: {  	_ =	swait.ge [sflag:s23], $0x800  }
0xa8: {  	[sflag:s23] =	ssyncset.done $0x0  }
0xa9: {  	[sflag:s23] =	ssyncadd.s32 $0xFFFFF800  }
0xaa: {  	_ =	swait.ge [sflag:s23], $0x800  }
0xab: {  	[sflag:s23] =	ssyncset.done $0x0  }
0xac: {  	[sflag:s23] =	ssyncadd.s32 $0xFFFFF800  }
0xad: {  	_ =	swait.ge [sflag:s23], $0x800  }
0xae: {  	s21 =	ssub.s32 $0x2, s1;
	[sflag:s23] =	ssyncset.done $0x0  }
0xaf: {  	s1 =	sshrl.u32 s21, $0x1;
	[sflag:s23] =	ssyncadd.s32 $0xFFFFF800  }
0xb0: {  	s0 =	ssub.s32 s21, s1;
	_ =	swait.ge [sflag:s23], $0x800  }
0xb1: {  	s0 =	smax.u32 s0, $0x1;
	[sflag:s23] =	ssyncset.done $0x0  }
0xb2: {  	p0 =	sne.s32 s0, $0x1;
	[sflag:s23] =	ssyncadd.s32 $0xFFFFF800  }
.Ltmp0:
0xb3: {  	_ =	swait.ge [sflag:s23], $0x800;
	(pc) =	sbr.rel @!p0 .LBB2_2-.Ltmp0, $4  }
0xb4: {  	[sflag:s23] =	ssyncset.done $0x0  }
0xb5: {  	[sflag:s23] =	ssyncadd.s32 $0xFFFFF800  }
0xb6: {  	_ =	swait.ge [sflag:s23], $0x800  }
0xb7: {  	s1 =	sadd.s32 $0xFFFFFFFF, s0;
	[sflag:s23] =	ssyncset.done $0x0  }
.LBB2_1:
0xb8: {  	[sflag:s23] =	ssyncadd.s32 $0xFFFFF800  }
0xb9: {  	_ =	swait.ge [sflag:s23], $0x800  }
0xba: {  	[sflag:s23] =	ssyncset.done $0x0  }
0xbb: {  	[sflag:s23] =	ssyncadd.s32 $0xFFFFF800  }
0xbc: {  	_ =	swait.ge [sflag:s23], $0x800  }
0xbd: {  	[sflag:s23] =	ssyncset.done $0x0  }
0xbe: {  	[sflag:s23] =	ssyncadd.s32 $0xFFFFF800  }
0xbf: {  	_ =	swait.ge [sflag:s23], $0x800  }
0xc0: {  	[sflag:s23] =	ssyncset.done $0x0  }
0xc1: {  	s0 =	rddreg [dreg:$0x4];
	[sflag:s23] =	ssyncadd.s32 $0xFFFFF800  }
0xc2: {  	[hbm4b:s0+s2] =	stream.linear.scatter [tilespmem:s4], [sflag:$0x2], $0xE000, $0x38;
	[tilespmem:$0xEE00] =	vst v63  }
0xc3: {  	_ =	swait.ge [sflag:s3], $0xE000  }
0xc4: {  	[sflag:s3] =	ssyncset.done $0x0  }
0xc5: {  	s19 =	rddreg [dreg:$0x3];
	[sflag:s3] =	ssyncadd.s32 $0xFFFF2000  }
0xc6: {  	[tilespmem:s2], [sflag:$0x2] =	stream.linear.gather [hbm4b:s19+s2], $0xE00, $0x38;
	[tilespmem:$0xEE00] =	vst v63  }
0xc7: {  	_ =	swait.ge [sflag:s3], $0xE00  }
0xc8: {  	s0 =	sld [smem:$0x7FB]  }
0xc9: {  	s7 =	rddreg [dreg:$0x1f]  }
0xca: {  	s8 =	rddreg [dreg:$0x1d]  }
0xcb: {  	s9 =	rddreg [dreg:$0x1b]  }
0xcc: {  	s10 =	rddreg [dreg:$0x19]  }
0xcd: {  	s11 =	rddreg [dreg:$0x17]  }
0xce: {  	s12 =	rddreg [dreg:$0x15]  }
0xcf: {  	s13 =	rddreg [dreg:$0x13]  }
0xd0: {  	s14 =	rddreg [dreg:$0x11]  }
0xd1: {  	s15 =	rddreg [dreg:$0xf]  }
0xd2: {  	s16 =	rddreg [dreg:$0xd]  }
0xd3: {  	s17 =	rddreg [dreg:$0xb]  }
0xd4: {  	s18 =	rddreg [dreg:$0x6]  }
0xd5: {  	[sflag:s3] =	ssyncset.done $0x0;
	s19 =	rddreg [dreg:$0x5]  }
0xd6: {  	s20 =	rddreg [dreg:$0x7];
	[sflag:s3] =	ssyncadd.s32 $0xFFFFF200  }
0xd7: {  	[tilespmem:s4], [sflag:$0x1] =	stream.indirect.gather [hbm4b:s5+s6], $0x10, s2, s6, $0xb8;
	[tilespmem:$0xEE00] =	vst v63  }
0xd8: {  	s21 =	rddreg [dreg:$0x9]  }
0xd9: {  	[tilespmem:s19], [sflag:$0x1] =	stream.indirect.gather [hbm4b:s5+s6], $0x10, s6, s6, $0xb8;
	[tilespmem:$0xEE00] =	vst v63  }
0xda: {  	s19 =	rddreg [dreg:$0x8]  }
0xdb: {  	[tilespmem:s20], [sflag:$0x1] =	stream.indirect.gather [hbm4b:s5+s6], $0x10, s18, s6, $0xb8;
	[tilespmem:$0xEE00] =	vst v63  }
0xdc: {  	s18 =	rddreg [dreg:$0xa]  }
0xdd: {  	[tilespmem:s21], [sflag:$0x1] =	stream.indirect.gather [hbm4b:s5+s6], $0x10, s19, s6, $0xb8;
	[tilespmem:$0xEE00] =	vst v63  }
0xde: {  	s20 =	rddreg [dreg:$0xc]  }
0xdf: {  	[tilespmem:s17], [sflag:$0x1] =	stream.indirect.gather [hbm4b:s5+s6], $0x10, s18, s6, $0xb8;
	[tilespmem:$0xEE00] =	vst v63  }
0xe0: {  	s21 =	rddreg [dreg:$0xe]  }
0xe1: {  	[tilespmem:s16], [sflag:$0x1] =	stream.indirect.gather [hbm4b:s5+s6], $0x10, s20, s6, $0xb8;
	[tilespmem:$0xEE00] =	vst v63  }
0xe2: {  	s19 =	rddreg [dreg:$0x12]  }
0xe3: {  	[tilespmem:s15], [sflag:$0x1] =	stream.indirect.gather [hbm4b:s5+s6], $0x10, s21, s6, $0xb8;
	[tilespmem:$0xEE00] =	vst v63  }
0xe4: {  	s18 =	rddreg [dreg:$0x10]  }
0xe5: {  	[tilespmem:s14], [sflag:$0x1] =	stream.indirect.gather [hbm4b:s5+s6], $0x10, s18, s6, $0xb8;
	[tilespmem:$0xEE00] =	vst v63  }
0xe6: {  	s17 =	rddreg [dreg:$0x1c]  }
0xe7: {  	[tilespmem:s13], [sflag:$0x1] =	stream.indirect.gather [hbm4b:s5+s6], $0x10, s19, s6, $0xb8;
	[tilespmem:$0xEE00] =	vst v63  }
0xe8: {  	s20 =	rddreg [dreg:$0x14]  }
0xe9: {  	[tilespmem:s12], [sflag:$0x1] =	stream.indirect.gather [hbm4b:s5+s6], $0x10, s20, s6, $0xb8;
	[tilespmem:$0xEE00] =	vst v63  }
0xea: {  	s21 =	rddreg [dreg:$0x16]  }
0xeb: {  	[tilespmem:s11], [sflag:$0x1] =	stream.indirect.gather [hbm4b:s5+s6], $0x10, s21, s6, $0xb8;
	[tilespmem:$0xEE00] =	vst v63  }
0xec: {  	s15 =	rddreg [dreg:$0x18]  }
0xed: {  	[tilespmem:s10], [sflag:$0x1] =	stream.indirect.gather [hbm4b:s5+s6], $0x10, s15, s6, $0xb8;
	[tilespmem:$0xEE00] =	vst v63  }
0xee: {  	s16 =	rddreg [dreg:$0x1a]  }
0xef: {  	[tilespmem:s9], [sflag:$0x1] =	stream.indirect.gather [hbm4b:s5+s6], $0x10, s16, s6, $0xb8;
	[tilespmem:$0xEE00] =	vst v63  }
0xf0: {  	s18 =	rddreg [dreg:$0x1e]  }
0xf1: {  	[tilespmem:s8], [sflag:$0x1] =	stream.indirect.gather [hbm4b:s5+s6], $0x10, s17, s6, $0xb8;
	[tilespmem:$0xEE00] =	vst v63  }
0xf2: {  	s19 =	sld [smem:$0x7FC]  }
0xf3: {  	[tilespmem:s7], [sflag:$0x1] =	stream.indirect.gather [hbm4b:s5+s6], $0x10, s18, s6, $0xb8;
	[tilespmem:$0xEE00] =	vst v63  }
0xf4: {  	s20 =	sld [smem:$0x7FD]  }
0xf5: {  	[tilespmem:s0], [sflag:$0x1] =	stream.indirect.gather [hbm4b:s5+s6], $0x10, s19, s6, $0xb8;
	[tilespmem:$0xEE00] =	vst v63  }
0xf6: {  	s21 =	simm.s32 $0x8E00  }
0xf7: {  	[tilespmem:s21], [sflag:$0x1] =	stream.indirect.gather [hbm4b:s5+s6], $0x10, s20, s6, $0xb8;
	[tilespmem:$0xEE00] =	vst v63  }
0xf8: {  	s9 =	simm.s32 $0x9600;
	s8 =	simm.s32 $0x880  }
0xf9: {  	[tilespmem:s9], [sflag:$0x1] =	stream.indirect.gather [hbm4b:s5+s6], $0x10, s8, s6, $0xb8;
	[tilespmem:$0xEE00] =	vst v63  }
0xfa: {  	s11 =	simm.s32 $0x9E00;
	s10 =	simm.s32 $0x900  }
0xfb: {  	[tilespmem:s11], [sflag:$0x1] =	stream.indirect.gather [hbm4b:s5+s6], $0x10, s10, s6, $0xb8;
	[tilespmem:$0xEE00] =	vst v63  }
0xfc: {  	s13 =	simm.s32 $0xA600;
	s12 =	simm.s32 $0x980  }
0xfd: {  	[tilespmem:s13], [sflag:$0x1] =	stream.indirect.gather [hbm4b:s5+s6], $0x10, s12, s6, $0xb8;
	[tilespmem:$0xEE00] =	vst v63  }
0xfe: {  	s14 =	simm.s32 $0xA00;
	s15 =	simm.s32 $0xAE00  }
0xff: {  	[tilespmem:s15], [sflag:$0x1] =	stream.indirect.gather [hbm4b:s5+s6], $0x10, s14, s6, $0xb8;
	[tilespmem:$0xEE00] =	vst v63  }
0x100: {  	s16 =	simm.s32 $0xA80;
	s17 =	simm.s32 $0xB600  }
0x101: {  	[tilespmem:s17], [sflag:$0x1] =	stream.indirect.gather [hbm4b:s5+s6], $0x10, s16, s6, $0xb8;
	[tilespmem:$0xEE00] =	vst v63  }
0x102: {  	s18 =	simm.s32 $0xB00;
	s19 =	simm.s32 $0xBE00  }
0x103: {  	[tilespmem:s19], [sflag:$0x1] =	stream.indirect.gather [hbm4b:s5+s6], $0x10, s18, s6, $0xb8;
	[tilespmem:$0xEE00] =	vst v63  }
0x104: {  	s20 =	simm.s32 $0xB80;
	s21 =	simm.s32 $0xC600  }
0x105: {  	[tilespmem:s21], [sflag:$0x1] =	stream.indirect.gather [hbm4b:s5+s6], $0x10, s20, s6, $0xb8;
	[tilespmem:$0xEE00] =	vst v63  }
0x106: {  	_ = 	snop  }
0x107: {  	[tilespmem:s24], [sflag:$0x1] =	stream.indirect.gather [hbm4b:s5+s6], $0x10, s22, s6, $0xb8;
	[tilespmem:$0xEE00] =	vst v63  }
0x108: {  	_ = 	snop  }
0x109: {  	[tilespmem:s26], [sflag:$0x1] =	stream.indirect.gather [hbm4b:s5+s6], $0x10, s25, s6, $0xb8;
	[tilespmem:$0xEE00] =	vst v63  }
0x10a: {  	_ = 	snop  }
0x10b: {  	[tilespmem:s29], [sflag:$0x1] =	stream.indirect.gather [hbm4b:s5+s6], $0x10, s28, s6, $0xb8;
	[tilespmem:$0xEE00] =	vst v63  }
0x10c: {  	_ = 	snop  }
0x10d: {  	[tilespmem:s31], [sflag:$0x1] =	stream.indirect.gather [hbm4b:s5+s6], $0x10, s30, s6, $0xb8;
	[tilespmem:$0xEE00] =	vst v63  }
0x10e: {  	_ =	swait.ge [sflag:s23], $0x800  }
0x10f: {  	[sflag:s23] =	ssyncset.done $0x0  }
0x110: {  	[sflag:s23] =	ssyncadd.s32 $0xFFFFF800  }
0x111: {  	_ =	swait.ge [sflag:s23], $0x800  }
0x112: {  	[sflag:s23] =	ssyncset.done $0x0  }
0x113: {  	[sflag:s23] =	ssyncadd.s32 $0xFFFFF800  }
0x114: {  	_ =	swait.ge [sflag:s23], $0x800  }
0x115: {  	[sflag:s23] =	ssyncset.done $0x0  }
0x116: {  	[sflag:s23] =	ssyncadd.s32 $0xFFFFF800  }
0x117: {  	_ =	swait.ge [sflag:s23], $0x800  }
0x118: {  	[sflag:s23] =	ssyncset.done $0x0  }
0x119: {  	[sflag:s23] =	ssyncadd.s32 $0xFFFFF800  }
0x11a: {  	_ =	swait.ge [sflag:s23], $0x800  }
0x11b: {  	[sflag:s23] =	ssyncset.done $0x0  }
0x11c: {  	[sflag:s23] =	ssyncadd.s32 $0xFFFFF800  }
0x11d: {  	_ =	swait.ge [sflag:s23], $0x800  }
0x11e: {  	[sflag:s23] =	ssyncset.done $0x0  }
0x11f: {  	[sflag:s23] =	ssyncadd.s32 $0xFFFFF800  }
0x120: {  	_ =	swait.ge [sflag:s23], $0x800  }
0x121: {  	[sflag:s23] =	ssyncset.done $0x0  }
0x122: {  	[sflag:s23] =	ssyncadd.s32 $0xFFFFF800  }
0x123: {  	_ =	swait.ge [sflag:s23], $0x800  }
0x124: {  	[sflag:s23] =	ssyncset.done $0x0  }
0x125: {  	[sflag:s23] =	ssyncadd.s32 $0xFFFFF800  }
0x126: {  	_ =	swait.ge [sflag:s23], $0x800  }
0x127: {  	[sflag:s23] =	ssyncset.done $0x0  }
0x128: {  	[sflag:s23] =	ssyncadd.s32 $0xFFFFF800  }
0x129: {  	_ =	swait.ge [sflag:s23], $0x800  }
0x12a: {  	[sflag:s23] =	ssyncset.done $0x0  }
0x12b: {  	[sflag:s23] =	ssyncadd.s32 $0xFFFFF800  }
0x12c: {  	_ =	swait.ge [sflag:s23], $0x800  }
0x12d: {  	[sflag:s23] =	ssyncset.done $0x0  }
0x12e: {  	[sflag:s23] =	ssyncadd.s32 $0xFFFFF800  }
0x12f: {  	_ =	swait.ge [sflag:s23], $0x800  }
0x130: {  	[sflag:s23] =	ssyncset.done $0x0  }
0x131: {  	[sflag:s23] =	ssyncadd.s32 $0xFFFFF800  }
0x132: {  	_ =	swait.ge [sflag:s23], $0x800  }
0x133: {  	[sflag:s23] =	ssyncset.done $0x0  }
0x134: {  	[sflag:s23] =	ssyncadd.s32 $0xFFFFF800  }
0x135: {  	_ =	swait.ge [sflag:s23], $0x800  }
0x136: {  	[sflag:s23] =	ssyncset.done $0x0  }
0x137: {  	[sflag:s23] =	ssyncadd.s32 $0xFFFFF800  }
0x138: {  	_ =	swait.ge [sflag:s23], $0x800  }
0x139: {  	[sflag:s23] =	ssyncset.done $0x0  }
0x13a: {  	[sflag:s23] =	ssyncadd.s32 $0xFFFFF800  }
0x13b: {  	_ =	swait.ge [sflag:s23], $0x800  }
0x13c: {  	[sflag:s23] =	ssyncset.done $0x0  }
0x13d: {  	[sflag:s23] =	ssyncadd.s32 $0xFFFFF800  }
0x13e: {  	_ =	swait.ge [sflag:s23], $0x800  }
0x13f: {  	[sflag:s23] =	ssyncset.done $0x0  }
0x140: {  	[sflag:s23] =	ssyncadd.s32 $0xFFFFF800  }
0x141: {  	_ =	swait.ge [sflag:s23], $0x800  }
0x142: {  	[sflag:s23] =	ssyncset.done $0x0  }
0x143: {  	[sflag:s23] =	ssyncadd.s32 $0xFFFFF800  }
0x144: {  	_ =	swait.ge [sflag:s23], $0x800  }
0x145: {  	[sflag:s23] =	ssyncset.done $0x0  }
0x146: {  	[sflag:s23] =	ssyncadd.s32 $0xFFFFF800  }
0x147: {  	_ =	swait.ge [sflag:s23], $0x800  }
0x148: {  	[sflag:s23] =	ssyncset.done $0x0  }
0x149: {  	[sflag:s23] =	ssyncadd.s32 $0xFFFFF800  }
0x14a: {  	_ =	swait.ge [sflag:s23], $0x800  }
0x14b: {  	[sflag:s23] =	ssyncset.done $0x0  }
0x14c: {  	[sflag:s23] =	ssyncadd.s32 $0xFFFFF800  }
0x14d: {  	_ =	swait.ge [sflag:s23], $0x800  }
0x14e: {  	[sflag:s23] =	ssyncset.done $0x0  }
0x14f: {  	[sflag:s23] =	ssyncadd.s32 $0xFFFFF800  }
0x150: {  	_ =	swait.ge [sflag:s23], $0x800  }
0x151: {  	[sflag:s23] =	ssyncset.done $0x0  }
0x152: {  	p0 =	sne.s32 s1, $0x1;
	[sflag:s23] =	ssyncadd.s32 $0xFFFFF800  }
.Ltmp1:
0x153: {  	_ =	swait.ge [sflag:s23], $0x800;
	(pc) =	sbr.rel @p0 .LBB2_1-.Ltmp1, $4  }
0x154: {  	[sflag:s23] =	ssyncset.done $0x0  }
0x155: {  	[sflag:s23] =	ssyncadd.s32 $0xFFFFF800  }
0x156: {  	_ =	swait.ge [sflag:s23], $0x800  }
0x157: {  	s1 =	sadd.s32 $0xFFFFFFFF, s1;
	[sflag:s23] =	ssyncset.done $0x0  }
.LBB2_2:
0x158: {  	[sflag:s23] =	ssyncadd.s32 $0xFFFFF800  }
0x159: {  	_ =	swait.ge [sflag:s23], $0x800  }
0x15a: {  	[sflag:s23] =	ssyncset.done $0x0  }
0x15b: {  	[sflag:s23] =	ssyncadd.s32 $0xFFFFF800  }
0x15c: {  	_ =	swait.ge [sflag:s23], $0x800  }
0x15d: {  	[sflag:s23] =	ssyncset.done $0x0  }
0x15e: {  	[sflag:s23] =	ssyncadd.s32 $0xFFFFF800  }
0x15f: {  	_ =	swait.ge [sflag:s23], $0x800  }
0x160: {  	[sflag:s23] =	ssyncset.done $0x0  }
0x161: {  	s0 =	rddreg [dreg:$0x4];
	[sflag:s23] =	ssyncadd.s32 $0xFFFFF800  }
0x162: {  	[hbm4b:s0+s2] =	stream.linear.scatter [tilespmem:s4], [sflag:$0x2], $0xE000, $0x38;
	[tilespmem:$0xEE00] =	vst v63  }
0x163: {  	_ =	swait.ge [sflag:s3], $0xE000  }
0x164: {  	[sflag:s3] =	ssyncset.done $0x0  }
0x165: {  	[sflag:s3] =	ssyncadd.s32 $0xFFFF2000  }
0x166: {  	_ =	sfence.sel $0x180000  }
0x167: {  	[bflag:$0x0] =	sbarrier.arrive $0xFFFF  }
0x168: {  	_ =	strace $0x90000047  }
0x169: {  	s31 =	stileid.u32;
	[bflag:$0x2] =	sbarrier.arrive $0xFFFF  }
0x16a: {  	p0 =	sne.s32 s31, $0x0;
	s0 =	rddreg [dreg:$0x2]  }
0x16b: {  	s0 =	sadd.s32 @!p0 $0x100000, s0  }
0x16c: {  	[sflag:s0] =	ssyncadd.tile.s32 @!p0 $0x1;
	_ =	shalt  }
.Lfunc_end2:
_tile_overlayer_lowered:
.L_overlay_start_2:
0x16d: {  	(tag) =	ssettag $0x2  }
0x16e: {  	s0 =	rddreg [dreg:$0x0];
	s2 =	stileid.u32  }
0x16f: {  	s1 =	rddreg [dreg:$0x1];
	p0 =	sne.s32 s2, $0x0  }
0x170: {  	s3 =	rddreg [dreg:$0x2];
	[bflag:$0x3] =	sbarrier.arrive $0xFFFF;
	s2 =	simm.s32 @!p0 $0x1C02  }
0x171: {  	[timem:s3], [sflag:s2] =	dma.local @!p0 [hbm:s0], s1  }
0x172: {  	s0 =	simm.s32 @!p0 $0x2  }
0x173: {  	_ =	swait.ge @!p0 [sflag:s0], s1  }
0x174: {  	s1 =	ssub.s32 @!p0 $0x0, s1;
	[sflag:s0] =	ssyncset.done @!p0 $0x0  }
0x175: {  	[sflag:s0] =	ssyncadd.s32 @!p0 s1  }
0x176: {  	[bflag:$0x3] =	sbarrier.arrive $0xFFFF  }
0x177: {  	_ =	shalt  }

</sc_bundles>
